<compile_context>
chip_gen: v7x
topology: tpu7x:2x2x1
jax: 0.10.2.dev20260603
libtpu: 0.0.44.dev20260713+nightly
codegen_flags: <defaults>
</compile_context>

<pallas_src>
import jax
import jax.numpy as jnp
from jax import lax
from jax.experimental import pallas as pl
from jax.experimental.pallas import tpu as pltpu
from jax.experimental.pallas import tpu_sc as plsc

SM = 0.5
HM = 0.1
K = 256
LO = -8.0
HI = 8.0
INV = K / (HI - LO)

NC, NS, L = 2, 16, 16
NWORK = NC * NS
N = 2_000_000
PER = 62_496
TAIL_BASE = PER * NWORK
TAIL_VREGS = (N - TAIL_BASE) // L
HWORDS = K * L
PADK = 288
PWORDS = PADK * L

CHUNK_A_VREGS = 651
CHUNK_A = CHUNK_A_VREGS * L
NCHUNK_A = PER // CHUNK_A
CHUNK_C_VREGS = 217
CHUNK_C = CHUNK_C_VREGS * L
NCHUNK_C = PER // CHUNK_C
KSPAN = 8

_MESH = plsc.VectorSubcoreMesh(core_axis_name="c", subcore_axis_name="s")
_PARAMS = pltpu.CompilerParams(needs_layout_passes=False)


def _wid():
    return lax.axis_index("s") * NC + lax.axis_index("c")


def _issue(lab_hbm, sc_hbm, w_hbm, off, n, lab_b, sc_b, w_b, sem):
    pltpu.async_copy(lab_hbm.at[pl.ds(off, n)], lab_b, sem)
    pltpu.async_copy(sc_hbm.at[pl.ds(off, n)], sc_b, sem)
    pltpu.async_copy(w_hbm.at[pl.ds(off, n)], w_b, sem)


def _drain(lab_hbm, n, lab_b, sc_b, w_b, sem):
    pltpu.make_async_copy(lab_hbm.at[pl.ds(0, n)], lab_b, sem).wait()
    pltpu.make_async_copy(lab_hbm.at[pl.ds(0, n)], sc_b, sem).wait()
    pltpu.make_async_copy(lab_hbm.at[pl.ds(0, n)], w_b, sem).wait()


def _hist_body(lab_hbm, sc_hbm, w_hbm, out_hbm,
               lab0, sc0, w0, lab1, sc1, w1, t_lab, t_sc, t_w,
               hist0, hist1, hist2, red_v, sem0, sem1):
    wid = _wid()
    base = wid * PER
    lanes = lax.iota(jnp.int32, L)
    zero = jnp.zeros((L,), jnp.float32)

    _issue(lab_hbm, sc_hbm, w_hbm, base, CHUNK_A, lab0, sc0, w0, sem0)
    _issue(lab_hbm, sc_hbm, w_hbm, base + CHUNK_A, CHUNK_A, lab1, sc1, w1,
           sem1)

    @plsc.parallel_loop(0, HWORDS, step=L, unroll=8)
    def _(o):
        hist0[pl.ds(o, L)] = zero
        hist1[pl.ds(o, L)] = zero
        hist2[pl.ds(o, L)] = zero

    def accum_vreg(s, w, lab):
        pw = jnp.where(lab > 0.5, w, 0.0)
        scl = jnp.clip(s, LO, HI)
        k = jnp.minimum(((scl - LO) * INV).astype(jnp.int32), K - 1)
        idx = k * L + lanes
        plsc.addupdate_scatter(hist0, [idx], pw)
        plsc.addupdate_scatter(hist1, [idx], pw * s)
        plsc.addupdate_scatter(hist2, [idx], pw * s * s)

    def compute(lab_b, sc_b, w_b):
        @plsc.parallel_loop(0, CHUNK_A, step=L, unroll=7)
        def _(o):
            accum_vreg(sc_b[pl.ds(o, L)], w_b[pl.ds(o, L)],
                       lab_b[pl.ds(o, L)])

    def outer(i, _):
        c0 = 2 * i
        _drain(lab_hbm, CHUNK_A, lab0, sc0, w0, sem0)
        compute(lab0, sc0, w0)

        @pl.when(c0 + 2 < NCHUNK_A)
        def _():
            _issue(lab_hbm, sc_hbm, w_hbm, base + (c0 + 2) * CHUNK_A,
                   CHUNK_A, lab0, sc0, w0, sem0)

        _drain(lab_hbm, CHUNK_A, lab1, sc1, w1, sem1)
        compute(lab1, sc1, w1)

        @pl.when(c0 + 3 < NCHUNK_A)
        def _():
            _issue(lab_hbm, sc_hbm, w_hbm, base + (c0 + 3) * CHUNK_A,
                   CHUNK_A, lab1, sc1, w1, sem1)
        return 0
    lax.fori_loop(0, NCHUNK_A // 2, outer, 0)

    @pl.when(wid < TAIL_VREGS)
    def _():
        off = TAIL_BASE + wid * L
        pltpu.sync_copy(lab_hbm.at[pl.ds(off, L)], t_lab)
        pltpu.sync_copy(sc_hbm.at[pl.ds(off, L)], t_sc)
        pltpu.sync_copy(w_hbm.at[pl.ds(off, L)], t_w)
        accum_vreg(t_sc[...], t_w[...], t_lab[...])

    lane0 = lanes == 0
    for ch, hist in ((0, hist0), (1, hist1), (2, hist2)):
        @plsc.parallel_loop(0, K, step=1, unroll=8)
        def _(kb):
            s = jnp.sum(hist[pl.ds(kb * L, L)])
            plsc.store_scatter(red_v, [lanes * 0 + (ch * K + kb)],
                               s + zero, mask=lane0)

    pltpu.sync_copy(red_v, out_hbm.at[pl.ds(wid * 3 * K, 3 * K)])


_hist_kernel = pl.kernel(
    _hist_body,
    out_type=jax.ShapeDtypeStruct((NWORK * 3 * K,), jnp.float32),
    mesh=_MESH,
    compiler_params=_PARAMS,
    scratch_types=[
        pltpu.VMEM((CHUNK_A,), jnp.float32),
        pltpu.VMEM((CHUNK_A,), jnp.float32),
        pltpu.VMEM((CHUNK_A,), jnp.float32),
        pltpu.VMEM((CHUNK_A,), jnp.float32),
        pltpu.VMEM((CHUNK_A,), jnp.float32),
        pltpu.VMEM((CHUNK_A,), jnp.float32),
        pltpu.VMEM((L,), jnp.float32),
        pltpu.VMEM((L,), jnp.float32),
        pltpu.VMEM((L,), jnp.float32),
        pltpu.VMEM((HWORDS,), jnp.float32),
        pltpu.VMEM((HWORDS,), jnp.float32),
        pltpu.VMEM((HWORDS,), jnp.float32),
        pltpu.VMEM((3 * K,), jnp.float32),
        pltpu.SemaphoreType.DMA,
        pltpu.SemaphoreType.DMA,
    ],
)


def _eval_body(lab_hbm, sc_hbm, w_hbm, h_hbm, out_hbm,
               lab0, sc0, w0, lab1, sc1, w1, t_lab, t_sc, t_w,
               stage, acc3k, excl, abg, p0, p1, p2, part_num, part_den,
               sem0, sem1):
    wid = _wid()
    base = wid * PER
    lanes = lax.iota(jnp.int32, L)
    zero = jnp.zeros((L,), jnp.float32)

    _issue(lab_hbm, sc_hbm, w_hbm, base, CHUNK_C, lab0, sc0, w0, sem0)
    _issue(lab_hbm, sc_hbm, w_hbm, base + CHUNK_C, CHUNK_C, lab1, sc1, w1,
           sem1)

    @plsc.parallel_loop(0, 3 * K, step=L, unroll=4)
    def _(o):
        acc3k[pl.ds(o, L)] = zero

    def piece(p, _):
        pltpu.sync_copy(h_hbm.at[pl.ds(p * 8 * 3 * K, 8 * 3 * K)], stage)

        @plsc.parallel_loop(0, 3 * K, step=L, unroll=4)
        def _(o):
            tot = acc3k[pl.ds(o, L)]
            for wkr in range(8):
                tot = tot + stage[pl.ds(wkr * 3 * K + o, L)]
            acc3k[pl.ds(o, L)] = tot
        return 0
    lax.fori_loop(0, 4, piece, 0)

    def scan_ch(ch):
        def step(j, carry):
            v = acc3k[pl.ds(ch * K + j * L, L)]
            inc = plsc.cumsum(v)
            excl[pl.ds(ch * PADK + j * L, L)] = inc + carry - v
            return carry + jnp.sum(v)
        total = lax.fori_loop(0, K // L, step, jnp.float32(0.0))
        for pad in range(K, PADK, L):
            excl[pl.ds(ch * PADK + pad, L)] = total + zero
        return total

    wp = scan_ch(0)
    scan_ch(1)
    scan_ch(2)
    inv_vec = (1.0 + zero) / (wp + zero)

    half = SM / 2.0
    inv2sm = 1.0 / (2.0 * SM)
    cc = HM + half

    @plsc.parallel_loop(0, K + L, step=L, unroll=4)
    def _(o):
        e0 = excl[pl.ds(o, L)]
        e1 = excl[pl.ds(PADK + o, L)]
        e2 = excl[pl.ds(2 * PADK + o, L)]
        d0 = excl[pl.ds(o + KSPAN, L)] - e0
        d1 = excl[pl.ds(PADK + o + KSPAN, L)] - e1
        d2 = excl[pl.ds(2 * PADK + o + KSPAN, L)] - e2
        gam = d0 * inv2sm
        bet = e0 + (2.0 * cc * d0 - 2.0 * d1) * inv2sm
        alp = HM * e0 - e1 + (cc * cc * d0 - 2.0 * cc * d1 + d2) * inv2sm
        abg[pl.ds(o, L)] = alp * inv_vec
        abg[pl.ds(PADK + o, L)] = bet * inv_vec
        abg[pl.ds(2 * PADK + o, L)] = gam * inv_vec

    for ch, tab in ((0, p0), (1, p1), (2, p2)):
        @plsc.parallel_loop(0, K + 1, step=1, unroll=8)
        def _(kb):
            v = abg[pl.ds(ch * PADK + kb, L)]
            tab[pl.ds(kb * L, L)] = v[0] + zero

    def eval_vreg(s, w, lab, acc):
        nw = jnp.where(lab > 0.5, 0.0, w)
        b1 = jnp.clip(s + (HM - half), LO, HI)
        k1 = ((b1 - LO) * INV).astype(jnp.int32) * L + lanes
        alp = plsc.load_gather(p0, [k1])
        bet = plsc.load_gather(p1, [k1])
        gam = plsc.load_gather(p2, [k1])
        losses = (gam * s + bet) * s + alp
        return acc[0] + nw * losses, acc[1] + nw

    def compute(lab_b, sc_b, w_b, acc):
        @plsc.parallel_loop(0, CHUNK_C, step=L, unroll=7, carry=acc)
        def body(o, a):
            return eval_vreg(sc_b[pl.ds(o, L)], w_b[pl.ds(o, L)],
                             lab_b[pl.ds(o, L)], a)
        return body

    def outer(i, acc):
        c0 = 2 * i
        _drain(lab_hbm, CHUNK_C, lab0, sc0, w0, sem0)
        acc = compute(lab0, sc0, w0, acc)

        @pl.when(c0 + 2 < NCHUNK_C)
        def _():
            _issue(lab_hbm, sc_hbm, w_hbm, base + (c0 + 2) * CHUNK_C,
                   CHUNK_C, lab0, sc0, w0, sem0)

        _drain(lab_hbm, CHUNK_C, lab1, sc1, w1, sem1)
        acc = compute(lab1, sc1, w1, acc)

        @pl.when(c0 + 3 < NCHUNK_C)
        def _():
            _issue(lab_hbm, sc_hbm, w_hbm, base + (c0 + 3) * CHUNK_C,
                   CHUNK_C, lab1, sc1, w1, sem1)
        return acc

    acc = lax.fori_loop(0, NCHUNK_C // 2, outer, (zero, zero))

    def tail(acc):
        off = TAIL_BASE + wid * L
        pltpu.sync_copy(lab_hbm.at[pl.ds(off, L)], t_lab)
        pltpu.sync_copy(sc_hbm.at[pl.ds(off, L)], t_sc)
        pltpu.sync_copy(w_hbm.at[pl.ds(off, L)], t_w)
        return eval_vreg(t_sc[...], t_w[...], t_lab[...], acc)

    acc = lax.cond(wid < TAIL_VREGS, tail, lambda a: a, acc)

    part_num[...] = acc[0]
    part_den[...] = acc[1]
    pltpu.sync_copy(part_num, out_hbm.at[pl.ds(wid * L, L)])
    pltpu.sync_copy(part_den, out_hbm.at[pl.ds((NWORK + wid) * L, L)])


_eval_kernel = pl.kernel(
    _eval_body,
    out_type=jax.ShapeDtypeStruct((2 * NWORK * L,), jnp.float32),
    mesh=_MESH,
    compiler_params=_PARAMS,
    scratch_types=[
        pltpu.VMEM((CHUNK_C,), jnp.float32),
        pltpu.VMEM((CHUNK_C,), jnp.float32),
        pltpu.VMEM((CHUNK_C,), jnp.float32),
        pltpu.VMEM((CHUNK_C,), jnp.float32),
        pltpu.VMEM((CHUNK_C,), jnp.float32),
        pltpu.VMEM((CHUNK_C,), jnp.float32),
        pltpu.VMEM((L,), jnp.float32),
        pltpu.VMEM((L,), jnp.float32),
        pltpu.VMEM((L,), jnp.float32),
        pltpu.VMEM((8 * 3 * K,), jnp.float32),
        pltpu.VMEM((3 * K,), jnp.float32),
        pltpu.VMEM((3 * PADK,), jnp.float32),
        pltpu.VMEM((3 * PADK,), jnp.float32),
        pltpu.VMEM((PWORDS,), jnp.float32),
        pltpu.VMEM((PWORDS,), jnp.float32),
        pltpu.VMEM((PWORDS,), jnp.float32),
        pltpu.VMEM((L,), jnp.float32),
        pltpu.VMEM((L,), jnp.float32),
        pltpu.SemaphoreType.DMA,
        pltpu.SemaphoreType.DMA,
    ],
)


def _final_body(part_ref, out_ref):
    num = jnp.sum(part_ref[0])
    den = jnp.sum(part_ref[1])
    out_ref[...] = jnp.broadcast_to(num / den, (8, 128))


_final_kernel = pl.pallas_call(
    _final_body,
    out_shape=jax.ShapeDtypeStruct((8, 128), jnp.float32),
)


def kernel(labels, scores, weights):
    hist = _hist_kernel(labels, scores, weights)
    parts = _eval_kernel(labels, scores, weights, hist)
    out = _final_kernel(parts.reshape(2, NWORK * L))
    return out[0, 0]

# --- scband reference (transcript-rebuilt; emitter-appended) ---
"""Pipeline reference for scband-pairwise-huber-loss-36593121362282 (READ-ONLY COPY).

The authoritative reference and input builder live on the scoring server;
editing this copy changes nothing except your own understanding.
"""

import jax, jax.numpy as jnp
import numpy as np

SOFT_MARGIN = 0.5
HARD_MARGIN = 0.1


def _fast_pairwise_huber(soft_margin, hard_margin, pos_scores, neg_scores, pos_weights, pos_scores_search):
    summations = jnp.stack([
        jnp.cumsum(pos_weights),
        jnp.cumsum(pos_weights * pos_scores),
        jnp.cumsum(pos_weights * jnp.square(pos_scores)),
    ], axis=1)
    summations = jnp.pad(summations, ((1, 0), (0, 0)), mode='constant', constant_values=0.0)
    coefficients = [
        jnp.stack([
            neg_scores + hard_margin,
            -jnp.ones_like(neg_scores),
            jnp.zeros_like(neg_scores),
        ]),
        jnp.stack([
            1.0 / (2.0 * soft_margin) * jnp.square(neg_scores + hard_margin + soft_margin / 2.0),
            -1.0 / soft_margin * (neg_scores + hard_margin + soft_margin / 2.0),
            1.0 / (2.0 * soft_margin) * jnp.ones_like(neg_scores),
        ]),
    ]
    boundaries = [None,
                  neg_scores - soft_margin / 2.0 + hard_margin,
                  neg_scores + soft_margin / 2.0 + hard_margin]

    def contributions(bounds, coeffs):
        if bounds is None:
            return 0.0
        bix = jnp.searchsorted(pos_scores_search, bounds, side='left')
        powers = jnp.take(summations, bix, axis=0)
        return jnp.einsum('ij,ji->i', powers, coeffs)

    losses = jnp.zeros_like(neg_scores)
    for upper_bounds, lower_bounds, coeffs in zip(boundaries, boundaries[1:], coefficients):
        excess = contributions(upper_bounds, coeffs)
        part_plus_excess = contributions(lower_bounds, coeffs)
        losses = losses + (part_plus_excess - excess)
    return losses


def setup_inputs(seed: int = 0) -> dict:
    key = jax.random.key(seed)
    k1, k2, k3 = jax.random.split(key, 3)
    n = 2000000
    labels = jax.random.uniform(k1, (n,), dtype=jnp.float32)
    scores = jax.random.normal(k2, (n,), dtype=jnp.float32)
    weights = jax.random.uniform(k3, (n,), dtype=jnp.float32)
    return {"labels": labels, "scores": scores, "weights": weights}


def reference(labels, scores, weights):
    # boolean partition into positives / negatives (labels > 0.5)
    pos_mask = labels > 0.5
    neg_mask = jnp.logical_not(pos_mask)

    sort_key = jnp.where(pos_mask, scores, jnp.inf)
    ix = jnp.argsort(sort_key)
    pos_scores_search = jnp.take(sort_key, ix)
    pos_scores = jnp.take(scores, ix)
    pos_weights = jnp.take(jnp.where(pos_mask, weights, 0.0), ix)

    neg_scores = scores
    neg_weights = jnp.where(neg_mask, weights, 0.0)

    pos_weights = pos_weights / jnp.sum(pos_weights)
    neg_weights = neg_weights / jnp.sum(neg_weights)

    # soft_margin > 0 -> Huber path; lse_scale == 0, norm_push == 1 -> plain weighted mean
    losses = _fast_pairwise_huber(SOFT_MARGIN, HARD_MARGIN, pos_scores, neg_scores, pos_weights, pos_scores_search)
    loss = jnp.einsum('i,i->', losses, neg_weights)
    return loss

if __name__ == "__main__":
    import jax
    _d = setup_inputs()
    print(jax.jit(kernel)(*tuple(_d.values())))

</pallas_src>

<mosaic_0001>
#map = affine_map<(d0, d1) -> (0)>
module attributes {stable_mosaic.version = 14 : i64} {
  func.func @_hist_body(%arg0: i32, %arg1: i32, %arg2: memref<2000000xf32, #tpu.memory_space<hbm>>, %arg3: memref<2000000xf32, #tpu.memory_space<hbm>>, %arg4: memref<2000000xf32, #tpu.memory_space<hbm>>, %arg5: memref<24576xf32, #tpu.memory_space<hbm>>, %arg6: memref<10416xf32, #tpu.memory_space<vmem>>, %arg7: memref<10416xf32, #tpu.memory_space<vmem>>, %arg8: memref<10416xf32, #tpu.memory_space<vmem>>, %arg9: memref<10416xf32, #tpu.memory_space<vmem>>, %arg10: memref<10416xf32, #tpu.memory_space<vmem>>, %arg11: memref<10416xf32, #tpu.memory_space<vmem>>, %arg12: memref<16xf32, #tpu.memory_space<vmem>>, %arg13: memref<16xf32, #tpu.memory_space<vmem>>, %arg14: memref<16xf32, #tpu.memory_space<vmem>>, %arg15: memref<4096xf32, #tpu.memory_space<vmem>>, %arg16: memref<4096xf32, #tpu.memory_space<vmem>>, %arg17: memref<4096xf32, #tpu.memory_space<vmem>>, %arg18: memref<768xf32, #tpu.memory_space<vmem>>, %arg19: memref<!tpu.dma_semaphore, #tpu.memory_space<semaphore_mem>>, %arg20: memref<!tpu.dma_semaphore, #tpu.memory_space<semaphore_mem>>) attributes {dimension_semantics = [#tpu.dimension_semantics<core_parallel>, #tpu.dimension_semantics<subcore_parallel>], iteration_bounds = array<i64: 2, 16>, scalar_prefetch = 0 : i64, scratch_operands = 15 : i64, tpu.core_type = #tpu.core_type<sc_vector_subcore>, window_params = [{transform_indices = #map}, {transform_indices = #map}, {transform_indices = #map}, {transform_indices = #map}]} {
    %mul3A = arith.constant 2 : i32
    %mul3A_0 = arith.muli %arg1, %mul3A : i32
    %add3A = arith.addi %mul3A_0, %arg0 : i32
    %mul3A_1 = arith.constant 62496 : i32
    %mul3A_2 = arith.muli %add3A, %mul3A_1 : i32
    %iota3A = tpu.iota {dimensions = array<i32: 0>} : vector<16xi32>
    %broadcast_in_dim3A = arith.constant 0.000000e+00 : f32
    %broadcast_in_dim3A_3 = vector.broadcast %broadcast_in_dim3A : f32 to vector<16xf32>
    %dma_start3A = tpu.memref_slice %arg2[%mul3A_2] : memref<2000000xf32, #tpu.memory_space<hbm>> -> memref<10416xf32, #tpu.memory_space<hbm>>
    %dma_start3A_4 = tpu.memref_slice %arg2[%mul3A_2] : memref<2000000xf32, #tpu.memory_space<hbm>> -> memref<10416xf32, #tpu.memory_space<hbm>>
    tpu.enqueue_dma source(%dma_start3A_4 : memref<10416xf32, #tpu.memory_space<hbm>>) target(%arg6 : memref<10416xf32, #tpu.memory_space<vmem>>) target_semaphore(%arg19 : memref<!tpu.dma_semaphore, #tpu.memory_space<semaphore_mem>>)
    %dma_start3A_5 = tpu.memref_slice %arg3[%mul3A_2] : memref<2000000xf32, #tpu.memory_space<hbm>> -> memref<10416xf32, #tpu.memory_space<hbm>>
    %dma_start3A_6 = tpu.memref_slice %arg3[%mul3A_2] : memref<2000000xf32, #tpu.memory_space<hbm>> -> memref<10416xf32, #tpu.memory_space<hbm>>
    tpu.enqueue_dma source(%dma_start3A_6 : memref<10416xf32, #tpu.memory_space<hbm>>) target(%arg7 : memref<10416xf32, #tpu.memory_space<vmem>>) target_semaphore(%arg19 : memref<!tpu.dma_semaphore, #tpu.memory_space<semaphore_mem>>)
    %dma_start3A_7 = tpu.memref_slice %arg4[%mul3A_2] : memref<2000000xf32, #tpu.memory_space<hbm>> -> memref<10416xf32, #tpu.memory_space<hbm>>
    %dma_start3A_8 = tpu.memref_slice %arg4[%mul3A_2] : memref<2000000xf32, #tpu.memory_space<hbm>> -> memref<10416xf32, #tpu.memory_space<hbm>>
    tpu.enqueue_dma source(%dma_start3A_8 : memref<10416xf32, #tpu.memory_space<hbm>>) target(%arg8 : memref<10416xf32, #tpu.memory_space<vmem>>) target_semaphore(%arg19 : memref<!tpu.dma_semaphore, #tpu.memory_space<semaphore_mem>>)
    %add3A_9 = arith.constant 10416 : i32
    %add3A_10 = arith.addi %mul3A_2, %add3A_9 : i32
    %dma_start3A_11 = tpu.memref_slice %arg2[%add3A_10] : memref<2000000xf32, #tpu.memory_space<hbm>> -> memref<10416xf32, #tpu.memory_space<hbm>>
    %dma_start3A_12 = tpu.memref_slice %arg2[%add3A_10] : memref<2000000xf32, #tpu.memory_space<hbm>> -> memref<10416xf32, #tpu.memory_space<hbm>>
    tpu.enqueue_dma source(%dma_start3A_12 : memref<10416xf32, #tpu.memory_space<hbm>>) target(%arg9 : memref<10416xf32, #tpu.memory_space<vmem>>) target_semaphore(%arg20 : memref<!tpu.dma_semaphore, #tpu.memory_space<semaphore_mem>>)
    %dma_start3A_13 = tpu.memref_slice %arg3[%add3A_10] : memref<2000000xf32, #tpu.memory_space<hbm>> -> memref<10416xf32, #tpu.memory_space<hbm>>
    %dma_start3A_14 = tpu.memref_slice %arg3[%add3A_10] : memref<2000000xf32, #tpu.memory_space<hbm>> -> memref<10416xf32, #tpu.memory_space<hbm>>
    tpu.enqueue_dma source(%dma_start3A_14 : memref<10416xf32, #tpu.memory_space<hbm>>) target(%arg10 : memref<10416xf32, #tpu.memory_space<vmem>>) target_semaphore(%arg20 : memref<!tpu.dma_semaphore, #tpu.memory_space<semaphore_mem>>)
    %dma_start3A_15 = tpu.memref_slice %arg4[%add3A_10] : memref<2000000xf32, #tpu.memory_space<hbm>> -> memref<10416xf32, #tpu.memory_space<hbm>>
    %dma_start3A_16 = tpu.memref_slice %arg4[%add3A_10] : memref<2000000xf32, #tpu.memory_space<hbm>> -> memref<10416xf32, #tpu.memory_space<hbm>>
    tpu.enqueue_dma source(%dma_start3A_16 : memref<10416xf32, #tpu.memory_space<hbm>>) target(%arg11 : memref<10416xf32, #tpu.memory_space<vmem>>) target_semaphore(%arg20 : memref<!tpu.dma_semaphore, #tpu.memory_space<semaphore_mem>>)
    %parallel_loop3A = arith.constant 0 : i32
    %parallel_loop3A_17 = arith.constant 4096 : i32
    %parallel_loop3A_18 = arith.constant 16 : i32
    scf.for %parallel_loop3A_42 = %parallel_loop3A to %parallel_loop3A_17 step %parallel_loop3A_18  : i32 {
      %parallel_loop3A_43 = arith.index_cast %parallel_loop3A_42 : i32 to index
      %parallel_loop3A_44 = tpu.vector_load %arg15[%parallel_loop3A_43] {strides = array<i32>} : memref<4096xf32, #tpu.memory_space<vmem>>, vector<16xf32>,
      tpu.vector_store %arg15[%parallel_loop3A_43], %broadcast_in_dim3A_3 {strides = array<i32>} : memref<4096xf32, #tpu.memory_space<vmem>>, vector<16xf32>,
      %parallel_loop3A_45 = arith.index_cast %parallel_loop3A_42 : i32 to index
      %parallel_loop3A_46 = tpu.vector_load %arg16[%parallel_loop3A_45] {strides = array<i32>} : memref<4096xf32, #tpu.memory_space<vmem>>, vector<16xf32>,
      tpu.vector_store %arg16[%parallel_loop3A_45], %broadcast_in_dim3A_3 {strides = array<i32>} : memref<4096xf32, #tpu.memory_space<vmem>>, vector<16xf32>,
      %parallel_loop3A_47 = arith.index_cast %parallel_loop3A_42 : i32 to index
      %parallel_loop3A_48 = tpu.vector_load %arg17[%parallel_loop3A_47] {strides = array<i32>} : memref<4096xf32, #tpu.memory_space<vmem>>, vector<16xf32>,
      tpu.vector_store %arg17[%parallel_loop3A_47], %broadcast_in_dim3A_3 {strides = array<i32>} : memref<4096xf32, #tpu.memory_space<vmem>>, vector<16xf32>,
    } {sc.loop_unroll_factor = 8 : i64, sc.parallel_access}
    %scan3A = arith.constant 0 : i32
    %scan3A_19 = arith.constant 0 : i32
    %scan3A_20 = arith.constant 3 : i32
    %scan3A_21 = arith.addi %scan3A_19, %scan3A_20 : i32
    %scan3A_22 = arith.constant 1 : i32
    %scan3A_23 = scf.for %scan3A_42 = %scan3A_19 to %scan3A_21 step %scan3A_22 iter_args(%scan3A_43 = %scan3A) -> (i32)  : i32 {
      %mul3A_44 = arith.constant 2 : i32
      %mul3A_45 = arith.muli %mul3A_44, %scan3A_42 : i32
      %dma_wait3A = arith.constant 0 : i32
      %dma_wait3A_46 = tpu.memref_slice %arg2[%dma_wait3A] : memref<2000000xf32, #tpu.memory_space<hbm>> -> memref<10416xf32, #tpu.memory_space<hbm>>
      %dma_wait3A_47 = arith.constant 0 : i32
      %dma_wait3A_48 = tpu.memref_slice %arg2[%dma_wait3A_47] : memref<2000000xf32, #tpu.memory_space<hbm>> -> memref<10416xf32, #tpu.memory_space<hbm>>
      tpu.wait_dma2 semaphore(%arg19 : memref<!tpu.dma_semaphore, #tpu.memory_space<semaphore_mem>>) src(%dma_wait3A_48 : memref<10416xf32, #tpu.memory_space<hbm>>) dst(%arg6 : memref<10416xf32, #tpu.memory_space<vmem>>)
      %dma_wait3A_49 = arith.constant 0 : i32
      %dma_wait3A_50 = tpu.memref_slice %arg2[%dma_wait3A_49] : memref<2000000xf32, #tpu.memory_space<hbm>> -> memref<10416xf32, #tpu.memory_space<hbm>>
      %dma_wait3A_51 = arith.constant 0 : i32
      %dma_wait3A_52 = tpu.memref_slice %arg2[%dma_wait3A_51] : memref<2000000xf32, #tpu.memory_space<hbm>> -> memref<10416xf32, #tpu.memory_space<hbm>>
      tpu.wait_dma2 semaphore(%arg19 : memref<!tpu.dma_semaphore, #tpu.memory_space<semaphore_mem>>) src(%dma_wait3A_52 : memref<10416xf32, #tpu.memory_space<hbm>>) dst(%arg7 : memref<10416xf32, #tpu.memory_space<vmem>>)
      %dma_wait3A_53 = arith.constant 0 : i32
      %dma_wait3A_54 = tpu.memref_slice %arg2[%dma_wait3A_53] : memref<2000000xf32, #tpu.memory_space<hbm>> -> memref<10416xf32, #tpu.memory_space<hbm>>
      %dma_wait3A_55 = arith.constant 0 : i32
      %dma_wait3A_56 = tpu.memref_slice %arg2[%dma_wait3A_55] : memref<2000000xf32, #tpu.memory_space<hbm>> -> memref<10416xf32, #tpu.memory_space<hbm>>
      tpu.wait_dma2 semaphore(%arg19 : memref<!tpu.dma_semaphore, #tpu.memory_space<semaphore_mem>>) src(%dma_wait3A_56 : memref<10416xf32, #tpu.memory_space<hbm>>) dst(%arg8 : memref<10416xf32, #tpu.memory_space<vmem>>)
      %parallel_loop3A_57 = arith.constant 0 : i32
      %parallel_loop3A_58 = arith.constant 10416 : i32
      %parallel_loop3A_59 = arith.constant 16 : i32
      scf.for %parallel_loop3A_90 = %parallel_loop3A_57 to %parallel_loop3A_58 step %parallel_loop3A_59  : i32 {
        %parallel_loop3A_91 = arith.index_cast %parallel_loop3A_90 : i32 to index
        %parallel_loop3A_92 = tpu.vector_load %arg7[%parallel_loop3A_91] {strides = array<i32>} : memref<10416xf32, #tpu.memory_space<vmem>>, vector<16xf32>,
        %parallel_loop3A_93 = arith.index_cast %parallel_loop3A_90 : i32 to index
        %parallel_loop3A_94 = tpu.vector_load %arg8[%parallel_loop3A_93] {strides = array<i32>} : memref<10416xf32, #tpu.memory_space<vmem>>, vector<16xf32>,
        %parallel_loop3A_95 = arith.index_cast %parallel_loop3A_90 : i32 to index
        %parallel_loop3A_96 = tpu.vector_load %arg6[%parallel_loop3A_95] {strides = array<i32>} : memref<10416xf32, #tpu.memory_space<vmem>>, vector<16xf32>,
        %parallel_loop3A_97 = arith.constant 5.000000e-01 : f32
        %parallel_loop3A_98 = vector.broadcast %parallel_loop3A_97 : f32 to vector<16xf32>
        %parallel_loop3A_99 = arith.cmpf ogt, %parallel_loop3A_96, %parallel_loop3A_98 : vector<16xf32>
        %parallel_loop3A_100 = arith.constant 0.000000e+00 : f32
        %parallel_loop3A_101 = vector.broadcast %parallel_loop3A_100 : f32 to vector<16xf32>
        %parallel_loop3A_102 = arith.select %parallel_loop3A_99, %parallel_loop3A_94, %parallel_loop3A_101 : vector<16xi1>, vector<16xf32>
        %parallel_loop3A_103 = arith.constant -8.000000e+00 : f32
        %parallel_loop3A_104 = arith.constant 8.000000e+00 : f32
        %parallel_loop3A_105 = vector.broadcast %parallel_loop3A_103 : f32 to vector<16xf32>
        %parallel_loop3A_106 = arith.maximumf %parallel_loop3A_105, %parallel_loop3A_92 : vector<16xf32>
        %parallel_loop3A_107 = vector.broadcast %parallel_loop3A_104 : f32 to vector<16xf32>
        %parallel_loop3A_108 = arith.minimumf %parallel_loop3A_107, %parallel_loop3A_106 : vector<16xf32>
        %parallel_loop3A_109 = arith.constant -8.000000e+00 : f32
        %parallel_loop3A_110 = vector.broadcast %parallel_loop3A_109 : f32 to vector<16xf32>
        %parallel_loop3A_111 = arith.subf %parallel_loop3A_108, %parallel_loop3A_110 : vector<16xf32>
        %parallel_loop3A_112 = arith.constant 1.600000e+01 : f32
        %parallel_loop3A_113 = vector.broadcast %parallel_loop3A_112 : f32 to vector<16xf32>
        %parallel_loop3A_114 = arith.mulf %parallel_loop3A_111, %parallel_loop3A_113 : vector<16xf32>
        %parallel_loop3A_115 = arith.fptosi %parallel_loop3A_114 : vector<16xf32> to vector<16xi32>
        %parallel_loop3A_116 = arith.constant 255 : i32
        %parallel_loop3A_117 = vector.broadcast %parallel_loop3A_116 : i32 to vector<16xi32>
        %parallel_loop3A_118 = arith.minsi %parallel_loop3A_115, %parallel_loop3A_117 : vector<16xi32>
        %parallel_loop3A_119 = arith.constant 16 : i32
        %parallel_loop3A_120 = vector.broadcast %parallel_loop3A_119 : i32 to vector<16xi32>
        %parallel_loop3A_121 = arith.muli %parallel_loop3A_118, %parallel_loop3A_120 : vector<16xi32>
        %parallel_loop3A_122 = arith.addi %parallel_loop3A_121, %iota3A : vector<16xi32>
        tpu.vector_store_idx %arg15[%parallel_loop3A_122], %parallel_loop3A_102 {add = true} : memref<4096xf32, #tpu.memory_space<vmem>>[vector<16xi32>], vector<16xf32>,
        %parallel_loop3A_123 = arith.mulf %parallel_loop3A_102, %parallel_loop3A_92 : vector<16xf32>
        tpu.vector_store_idx %arg16[%parallel_loop3A_122], %parallel_loop3A_123 {add = true} : memref<4096xf32, #tpu.memory_space<vmem>>[vector<16xi32>], vector<16xf32>,
        %parallel_loop3A_124 = arith.mulf %parallel_loop3A_102, %parallel_loop3A_92 : vector<16xf32>
        %parallel_loop3A_125 = arith.mulf %parallel_loop3A_124, %parallel_loop3A_92 : vector<16xf32>
        tpu.vector_store_idx %arg17[%parallel_loop3A_122], %parallel_loop3A_125 {add = true} : memref<4096xf32, #tpu.memory_space<vmem>>[vector<16xi32>], vector<16xf32>,
      } {sc.loop_unroll_factor = 7 : i64, sc.parallel_access}
      %add3A_60 = arith.constant 2 : i32
      %add3A_61 = arith.addi %mul3A_45, %add3A_60 : i32
      %lt3A_62 = arith.constant 6 : i32
      %lt3A_63 = arith.cmpi slt, %add3A_61, %lt3A_62 : i32
      %convert_element_type3A_64 = arith.extui %lt3A_63 : i1 to i32
      %cond3A_65 = arith.constant 0 : i32
      %cond3A_66 = arith.cmpi ne, %convert_element_type3A_64, %cond3A_65 : i32
      scf.if %cond3A_66 {
        %add3A_90 = arith.constant 2 : i32
        %add3A_91 = arith.addi %mul3A_45, %add3A_90 : i32
        %mul3A_92 = arith.constant 10416 : i32
        %mul3A_93 = arith.muli %add3A_91, %mul3A_92 : i32
        %add3A_94 = arith.addi %mul3A_2, %mul3A_93 : i32
        %dma_start3A_95 = tpu.memref_slice %arg2[%add3A_94] : memref<2000000xf32, #tpu.memory_space<hbm>> -> memref<10416xf32, #tpu.memory_space<hbm>>
        %dma_start3A_96 = tpu.memref_slice %arg2[%add3A_94] : memref<2000000xf32, #tpu.memory_space<hbm>> -> memref<10416xf32, #tpu.memory_space<hbm>>
        tpu.enqueue_dma source(%dma_start3A_96 : memref<10416xf32, #tpu.memory_space<hbm>>) target(%arg6 : memref<10416xf32, #tpu.memory_space<vmem>>) target_semaphore(%arg19 : memref<!tpu.dma_semaphore, #tpu.memory_space<semaphore_mem>>)
        %dma_start3A_97 = tpu.memref_slice %arg3[%add3A_94] : memref<2000000xf32, #tpu.memory_space<hbm>> -> memref<10416xf32, #tpu.memory_space<hbm>>
        %dma_start3A_98 = tpu.memref_slice %arg3[%add3A_94] : memref<2000000xf32, #tpu.memory_space<hbm>> -> memref<10416xf32, #tpu.memory_space<hbm>>
        tpu.enqueue_dma source(%dma_start3A_98 : memref<10416xf32, #tpu.memory_space<hbm>>) target(%arg7 : memref<10416xf32, #tpu.memory_space<vmem>>) target_semaphore(%arg19 : memref<!tpu.dma_semaphore, #tpu.memory_space<semaphore_mem>>)
        %dma_start3A_99 = tpu.memref_slice %arg4[%add3A_94] : memref<2000000xf32, #tpu.memory_space<hbm>> -> memref<10416xf32, #tpu.memory_space<hbm>>
        %dma_start3A_100 = tpu.memref_slice %arg4[%add3A_94] : memref<2000000xf32, #tpu.memory_space<hbm>> -> memref<10416xf32, #tpu.memory_space<hbm>>
        tpu.enqueue_dma source(%dma_start3A_100 : memref<10416xf32, #tpu.memory_space<hbm>>) target(%arg8 : memref<10416xf32, #tpu.memory_space<vmem>>) target_semaphore(%arg19 : memref<!tpu.dma_semaphore, #tpu.memory_space<semaphore_mem>>)
      } else {
      }
      %dma_wait3A_67 = arith.constant 0 : i32
      %dma_wait3A_68 = tpu.memref_slice %arg2[%dma_wait3A_67] : memref<2000000xf32, #tpu.memory_space<hbm>> -> memref<10416xf32, #tpu.memory_space<hbm>>
      %dma_wait3A_69 = arith.constant 0 : i32
      %dma_wait3A_70 = tpu.memref_slice %arg2[%dma_wait3A_69] : memref<2000000xf32, #tpu.memory_space<hbm>> -> memref<10416xf32, #tpu.memory_space<hbm>>
      tpu.wait_dma2 semaphore(%arg20 : memref<!tpu.dma_semaphore, #tpu.memory_space<semaphore_mem>>) src(%dma_wait3A_70 : memref<10416xf32, #tpu.memory_space<hbm>>) dst(%arg9 : memref<10416xf32, #tpu.memory_space<vmem>>)
      %dma_wait3A_71 = arith.constant 0 : i32
      %dma_wait3A_72 = tpu.memref_slice %arg2[%dma_wait3A_71] : memref<2000000xf32, #tpu.memory_space<hbm>> -> memref<10416xf32, #tpu.memory_space<hbm>>
      %dma_wait3A_73 = arith.constant 0 : i32
      %dma_wait3A_74 = tpu.memref_slice %arg2[%dma_wait3A_73] : memref<2000000xf32, #tpu.memory_space<hbm>> -> memref<10416xf32, #tpu.memory_space<hbm>>
      tpu.wait_dma2 semaphore(%arg20 : memref<!tpu.dma_semaphore, #tpu.memory_space<semaphore_mem>>) src(%dma_wait3A_74 : memref<10416xf32, #tpu.memory_space<hbm>>) dst(%arg10 : memref<10416xf32, #tpu.memory_space<vmem>>)
      %dma_wait3A_75 = arith.constant 0 : i32
      %dma_wait3A_76 = tpu.memref_slice %arg2[%dma_wait3A_75] : memref<2000000xf32, #tpu.memory_space<hbm>> -> memref<10416xf32, #tpu.memory_space<hbm>>
      %dma_wait3A_77 = arith.constant 0 : i32
      %dma_wait3A_78 = tpu.memref_slice %arg2[%dma_wait3A_77] : memref<2000000xf32, #tpu.memory_space<hbm>> -> memref<10416xf32, #tpu.memory_space<hbm>>
      tpu.wait_dma2 semaphore(%arg20 : memref<!tpu.dma_semaphore, #tpu.memory_space<semaphore_mem>>) src(%dma_wait3A_78 : memref<10416xf32, #tpu.memory_space<hbm>>) dst(%arg11 : memref<10416xf32, #tpu.memory_space<vmem>>)
      %parallel_loop3A_79 = arith.constant 0 : i32
      %parallel_loop3A_80 = arith.constant 10416 : i32
      %parallel_loop3A_81 = arith.constant 16 : i32
      scf.for %parallel_loop3A_90 = %parallel_loop3A_79 to %parallel_loop3A_80 step %parallel_loop3A_81  : i32 {
        %parallel_loop3A_91 = arith.index_cast %parallel_loop3A_90 : i32 to index
        %parallel_loop3A_92 = tpu.vector_load %arg10[%parallel_loop3A_91] {strides = array<i32>} : memref<10416xf32, #tpu.memory_space<vmem>>, vector<16xf32>,
        %parallel_loop3A_93 = arith.index_cast %parallel_loop3A_90 : i32 to index
        %parallel_loop3A_94 = tpu.vector_load %arg11[%parallel_loop3A_93] {strides = array<i32>} : memref<10416xf32, #tpu.memory_space<vmem>>, vector<16xf32>,
        %parallel_loop3A_95 = arith.index_cast %parallel_loop3A_90 : i32 to index
        %parallel_loop3A_96 = tpu.vector_load %arg9[%parallel_loop3A_95] {strides = array<i32>} : memref<10416xf32, #tpu.memory_space<vmem>>, vector<16xf32>,
        %parallel_loop3A_97 = arith.constant 5.000000e-01 : f32
        %parallel_loop3A_98 = vector.broadcast %parallel_loop3A_97 : f32 to vector<16xf32>
        %parallel_loop3A_99 = arith.cmpf ogt, %parallel_loop3A_96, %parallel_loop3A_98 : vector<16xf32>
        %parallel_loop3A_100 = arith.constant 0.000000e+00 : f32
        %parallel_loop3A_101 = vector.broadcast %parallel_loop3A_100 : f32 to vector<16xf32>
        %parallel_loop3A_102 = arith.select %parallel_loop3A_99, %parallel_loop3A_94, %parallel_loop3A_101 : vector<16xi1>, vector<16xf32>
        %parallel_loop3A_103 = arith.constant -8.000000e+00 : f32
        %parallel_loop3A_104 = arith.constant 8.000000e+00 : f32
        %parallel_loop3A_105 = vector.broadcast %parallel_loop3A_103 : f32 to vector<16xf32>
        %parallel_loop3A_106 = arith.maximumf %parallel_loop3A_105, %parallel_loop3A_92 : vector<16xf32>
        %parallel_loop3A_107 = vector.broadcast %parallel_loop3A_104 : f32 to vector<16xf32>
        %parallel_loop3A_108 = arith.minimumf %parallel_loop3A_107, %parallel_loop3A_106 : vector<16xf32>
        %parallel_loop3A_109 = arith.constant -8.000000e+00 : f32
        %parallel_loop3A_110 = vector.broadcast %parallel_loop3A_109 : f32 to vector<16xf32>
        %parallel_loop3A_111 = arith.subf %parallel_loop3A_108, %parallel_loop3A_110 : vector<16xf32>
        %parallel_loop3A_112 = arith.constant 1.600000e+01 : f32
        %parallel_loop3A_113 = vector.broadcast %parallel_loop3A_112 : f32 to vector<16xf32>
        %parallel_loop3A_114 = arith.mulf %parallel_loop3A_111, %parallel_loop3A_113 : vector<16xf32>
        %parallel_loop3A_115 = arith.fptosi %parallel_loop3A_114 : vector<16xf32> to vector<16xi32>
        %parallel_loop3A_116 = arith.constant 255 : i32
        %parallel_loop3A_117 = vector.broadcast %parallel_loop3A_116 : i32 to vector<16xi32>
        %parallel_loop3A_118 = arith.minsi %parallel_loop3A_115, %parallel_loop3A_117 : vector<16xi32>
        %parallel_loop3A_119 = arith.constant 16 : i32
        %parallel_loop3A_120 = vector.broadcast %parallel_loop3A_119 : i32 to vector<16xi32>
        %parallel_loop3A_121 = arith.muli %parallel_loop3A_118, %parallel_loop3A_120 : vector<16xi32>
        %parallel_loop3A_122 = arith.addi %parallel_loop3A_121, %iota3A : vector<16xi32>
        tpu.vector_store_idx %arg15[%parallel_loop3A_122], %parallel_loop3A_102 {add = true} : memref<4096xf32, #tpu.memory_space<vmem>>[vector<16xi32>], vector<16xf32>,
        %parallel_loop3A_123 = arith.mulf %parallel_loop3A_102, %parallel_loop3A_92 : vector<16xf32>
        tpu.vector_store_idx %arg16[%parallel_loop3A_122], %parallel_loop3A_123 {add = true} : memref<4096xf32, #tpu.memory_space<vmem>>[vector<16xi32>], vector<16xf32>,
        %parallel_loop3A_124 = arith.mulf %parallel_loop3A_102, %parallel_loop3A_92 : vector<16xf32>
        %parallel_loop3A_125 = arith.mulf %parallel_loop3A_124, %parallel_loop3A_92 : vector<16xf32>
        tpu.vector_store_idx %arg17[%parallel_loop3A_122], %parallel_loop3A_125 {add = true} : memref<4096xf32, #tpu.memory_space<vmem>>[vector<16xi32>], vector<16xf32>,
      } {sc.loop_unroll_factor = 7 : i64, sc.parallel_access}
      %add3A_82 = arith.constant 3 : i32
      %add3A_83 = arith.addi %mul3A_45, %add3A_82 : i32
      %lt3A_84 = arith.constant 6 : i32
      %lt3A_85 = arith.cmpi slt, %add3A_83, %lt3A_84 : i32
      %convert_element_type3A_86 = arith.extui %lt3A_85 : i1 to i32
      %cond3A_87 = arith.constant 0 : i32
      %cond3A_88 = arith.cmpi ne, %convert_element_type3A_86, %cond3A_87 : i32
      scf.if %cond3A_88 {
        %add3A_90 = arith.constant 3 : i32
        %add3A_91 = arith.addi %mul3A_45, %add3A_90 : i32
        %mul3A_92 = arith.constant 10416 : i32
        %mul3A_93 = arith.muli %add3A_91, %mul3A_92 : i32
        %add3A_94 = arith.addi %mul3A_2, %mul3A_93 : i32
        %dma_start3A_95 = tpu.memref_slice %arg2[%add3A_94] : memref<2000000xf32, #tpu.memory_space<hbm>> -> memref<10416xf32, #tpu.memory_space<hbm>>
        %dma_start3A_96 = tpu.memref_slice %arg2[%add3A_94] : memref<2000000xf32, #tpu.memory_space<hbm>> -> memref<10416xf32, #tpu.memory_space<hbm>>
        tpu.enqueue_dma source(%dma_start3A_96 : memref<10416xf32, #tpu.memory_space<hbm>>) target(%arg9 : memref<10416xf32, #tpu.memory_space<vmem>>) target_semaphore(%arg20 : memref<!tpu.dma_semaphore, #tpu.memory_space<semaphore_mem>>)
        %dma_start3A_97 = tpu.memref_slice %arg3[%add3A_94] : memref<2000000xf32, #tpu.memory_space<hbm>> -> memref<10416xf32, #tpu.memory_space<hbm>>
        %dma_start3A_98 = tpu.memref_slice %arg3[%add3A_94] : memref<2000000xf32, #tpu.memory_space<hbm>> -> memref<10416xf32, #tpu.memory_space<hbm>>
        tpu.enqueue_dma source(%dma_start3A_98 : memref<10416xf32, #tpu.memory_space<hbm>>) target(%arg10 : memref<10416xf32, #tpu.memory_space<vmem>>) target_semaphore(%arg20 : memref<!tpu.dma_semaphore, #tpu.memory_space<semaphore_mem>>)
        %dma_start3A_99 = tpu.memref_slice %arg4[%add3A_94] : memref<2000000xf32, #tpu.memory_space<hbm>> -> memref<10416xf32, #tpu.memory_space<hbm>>
        %dma_start3A_100 = tpu.memref_slice %arg4[%add3A_94] : memref<2000000xf32, #tpu.memory_space<hbm>> -> memref<10416xf32, #tpu.memory_space<hbm>>
        tpu.enqueue_dma source(%dma_start3A_100 : memref<10416xf32, #tpu.memory_space<hbm>>) target(%arg11 : memref<10416xf32, #tpu.memory_space<vmem>>) target_semaphore(%arg20 : memref<!tpu.dma_semaphore, #tpu.memory_space<semaphore_mem>>)
      } else {
      }
      %scan3A_89 = arith.constant 0 : i32
      scf.yield %scan3A_89 : i32
    }
    %scan3A_24 = arith.constant 3 : i32
    %lt3A = arith.constant 8 : i32
    %lt3A_25 = arith.cmpi slt, %add3A, %lt3A : i32
    %convert_element_type3A = arith.extui %lt3A_25 : i1 to i32
    %cond3A = arith.constant 0 : i32
    %cond3A_26 = arith.cmpi ne, %convert_element_type3A, %cond3A : i32
    scf.if %cond3A_26 {
      %mul3A_42 = arith.constant 16 : i32
      %mul3A_43 = arith.muli %add3A, %mul3A_42 : i32
      %add3A_44 = arith.constant 1999872 : i32
      %add3A_45 = arith.addi %add3A_44, %mul3A_43 : i32
      "tpu.region"() ({
        %run_scoped3A = tpu.sem_alloc : memref<!tpu.dma_semaphore, #tpu.memory_space<semaphore_mem>>
        %dma_start3A_74 = tpu.memref_slice %arg2[%add3A_45] : memref<2000000xf32, #tpu.memory_space<hbm>> -> memref<16xf32, #tpu.memory_space<hbm>>
        %dma_start3A_75 = tpu.memref_slice %arg2[%add3A_45] : memref<2000000xf32, #tpu.memory_space<hbm>> -> memref<16xf32, #tpu.memory_space<hbm>>
        tpu.enqueue_dma source(%dma_start3A_75 : memref<16xf32, #tpu.memory_space<hbm>>) target(%arg12 : memref<16xf32, #tpu.memory_space<vmem>>) target_semaphore(%run_scoped3A : memref<!tpu.dma_semaphore, #tpu.memory_space<semaphore_mem>>)
        %dma_wait3A = tpu.memref_slice %arg2[%add3A_45] : memref<2000000xf32, #tpu.memory_space<hbm>> -> memref<16xf32, #tpu.memory_space<hbm>>
        %dma_wait3A_76 = tpu.memref_slice %arg2[%add3A_45] : memref<2000000xf32, #tpu.memory_space<hbm>> -> memref<16xf32, #tpu.memory_space<hbm>>
        tpu.wait_dma2 semaphore(%run_scoped3A : memref<!tpu.dma_semaphore, #tpu.memory_space<semaphore_mem>>) src(%dma_wait3A_76 : memref<16xf32, #tpu.memory_space<hbm>>) dst(%arg12 : memref<16xf32, #tpu.memory_space<vmem>>)
        tpu.yield
      }) : () -> ()
      "tpu.region"() ({
        %run_scoped3A = tpu.sem_alloc : memref<!tpu.dma_semaphore, #tpu.memory_space<semaphore_mem>>
        %dma_start3A_74 = tpu.memref_slice %arg3[%add3A_45] : memref<2000000xf32, #tpu.memory_space<hbm>> -> memref<16xf32, #tpu.memory_space<hbm>>
        %dma_start3A_75 = tpu.memref_slice %arg3[%add3A_45] : memref<2000000xf32, #tpu.memory_space<hbm>> -> memref<16xf32, #tpu.memory_space<hbm>>
        tpu.enqueue_dma source(%dma_start3A_75 : memref<16xf32, #tpu.memory_space<hbm>>) target(%arg13 : memref<16xf32, #tpu.memory_space<vmem>>) target_semaphore(%run_scoped3A : memref<!tpu.dma_semaphore, #tpu.memory_space<semaphore_mem>>)
        %dma_wait3A = tpu.memref_slice %arg3[%add3A_45] : memref<2000000xf32, #tpu.memory_space<hbm>> -> memref<16xf32, #tpu.memory_space<hbm>>
        %dma_wait3A_76 = tpu.memref_slice %arg3[%add3A_45] : memref<2000000xf32, #tpu.memory_space<hbm>> -> memref<16xf32, #tpu.memory_space<hbm>>
        tpu.wait_dma2 semaphore(%run_scoped3A : memref<!tpu.dma_semaphore, #tpu.memory_space<semaphore_mem>>) src(%dma_wait3A_76 : memref<16xf32, #tpu.memory_space<hbm>>) dst(%arg13 : memref<16xf32, #tpu.memory_space<vmem>>)
        tpu.yield
      }) : () -> ()
      "tpu.region"() ({
        %run_scoped3A = tpu.sem_alloc : memref<!tpu.dma_semaphore, #tpu.memory_space<semaphore_mem>>
        %dma_start3A_74 = tpu.memref_slice %arg4[%add3A_45] : memref<2000000xf32, #tpu.memory_space<hbm>> -> memref<16xf32, #tpu.memory_space<hbm>>
        %dma_start3A_75 = tpu.memref_slice %arg4[%add3A_45] : memref<2000000xf32, #tpu.memory_space<hbm>> -> memref<16xf32, #tpu.memory_space<hbm>>
        tpu.enqueue_dma source(%dma_start3A_75 : memref<16xf32, #tpu.memory_space<hbm>>) target(%arg14 : memref<16xf32, #tpu.memory_space<vmem>>) target_semaphore(%run_scoped3A : memref<!tpu.dma_semaphore, #tpu.memory_space<semaphore_mem>>)
        %dma_wait3A = tpu.memref_slice %arg4[%add3A_45] : memref<2000000xf32, #tpu.memory_space<hbm>> -> memref<16xf32, #tpu.memory_space<hbm>>
        %dma_wait3A_76 = tpu.memref_slice %arg4[%add3A_45] : memref<2000000xf32, #tpu.memory_space<hbm>> -> memref<16xf32, #tpu.memory_space<hbm>>
        tpu.wait_dma2 semaphore(%run_scoped3A : memref<!tpu.dma_semaphore, #tpu.memory_space<semaphore_mem>>) src(%dma_wait3A_76 : memref<16xf32, #tpu.memory_space<hbm>>) dst(%arg14 : memref<16xf32, #tpu.memory_space<vmem>>)
        tpu.yield
      }) : () -> ()
      %get3A = arith.constant 0 : index
      %get3A_46 = tpu.vector_load %arg13[%get3A] {strides = array<i32>} : memref<16xf32, #tpu.memory_space<vmem>>, vector<16xf32>,
      %get3A_47 = arith.constant 0 : index
      %get3A_48 = tpu.vector_load %arg14[%get3A_47] {strides = array<i32>} : memref<16xf32, #tpu.memory_space<vmem>>, vector<16xf32>,
      %get3A_49 = arith.constant 0 : index
      %get3A_50 = tpu.vector_load %arg12[%get3A_49] {strides = array<i32>} : memref<16xf32, #tpu.memory_space<vmem>>, vector<16xf32>,
      %gt3A = arith.constant 5.000000e-01 : f32
      %gt3A_51 = vector.broadcast %gt3A : f32 to vector<16xf32>
      %gt3A_52 = arith.cmpf ogt, %get3A_50, %gt3A_51 : vector<16xf32>
      %jit3A = arith.constant 0.000000e+00 : f32
      %broadcast_in_dim3A_53 = vector.broadcast %jit3A : f32 to vector<16xf32>
      %select_n3A = arith.select %gt3A_52, %get3A_48, %broadcast_in_dim3A_53 : vector<16xi1>, vector<16xf32>
      %jit3A_54 = arith.constant -8.000000e+00 : f32
      %jit3A_55 = arith.constant 8.000000e+00 : f32
      %max3A = vector.broadcast %jit3A_54 : f32 to vector<16xf32>
      %max3A_56 = arith.maximumf %max3A, %get3A_46 : vector<16xf32>
      %min3A = vector.broadcast %jit3A_55 : f32 to vector<16xf32>
      %min3A_57 = arith.minimumf %min3A, %max3A_56 : vector<16xf32>
      %sub3A = arith.constant -8.000000e+00 : f32
      %sub3A_58 = vector.broadcast %sub3A : f32 to vector<16xf32>
      %sub3A_59 = arith.subf %min3A_57, %sub3A_58 : vector<16xf32>
      %mul3A_60 = arith.constant 1.600000e+01 : f32
      %mul3A_61 = vector.broadcast %mul3A_60 : f32 to vector<16xf32>
      %mul3A_62 = arith.mulf %sub3A_59, %mul3A_61 : vector<16xf32>
      %convert_element_type3A_63 = arith.fptosi %mul3A_62 : vector<16xf32> to vector<16xi32>
      %min3A_64 = arith.constant 255 : i32
      %min3A_65 = vector.broadcast %min3A_64 : i32 to vector<16xi32>
      %min3A_66 = arith.minsi %convert_element_type3A_63, %min3A_65 : vector<16xi32>
      %mul3A_67 = arith.constant 16 : i32
      %mul3A_68 = vector.broadcast %mul3A_67 : i32 to vector<16xi32>
      %mul3A_69 = arith.muli %min3A_66, %mul3A_68 : vector<16xi32>
      %add3A_70 = arith.addi %mul3A_69, %iota3A : vector<16xi32>
      tpu.vector_store_idx %arg15[%add3A_70], %select_n3A {add = true} : memref<4096xf32, #tpu.memory_space<vmem>>[vector<16xi32>], vector<16xf32>,
      %mul3A_71 = arith.mulf %select_n3A, %get3A_46 : vector<16xf32>
      tpu.vector_store_idx %arg16[%add3A_70], %mul3A_71 {add = true} : memref<4096xf32, #tpu.memory_space<vmem>>[vector<16xi32>], vector<16xf32>,
      %mul3A_72 = arith.mulf %select_n3A, %get3A_46 : vector<16xf32>
      %mul3A_73 = arith.mulf %mul3A_72, %get3A_46 : vector<16xf32>
      tpu.vector_store_idx %arg17[%add3A_70], %mul3A_73 {add = true} : memref<4096xf32, #tpu.memory_space<vmem>>[vector<16xi32>], vector<16xf32>,
    } else {
    }
    %eq3A = arith.constant 0 : i32
    %eq3A_27 = vector.broadcast %eq3A : i32 to vector<16xi32>
    %eq3A_28 = arith.cmpi eq, %iota3A, %eq3A_27 : vector<16xi32>
    %parallel_loop3A_29 = arith.constant 0 : i32
    %parallel_loop3A_30 = arith.constant 256 : i32
    %parallel_loop3A_31 = arith.constant 1 : i32
    scf.for %parallel_loop3A_42 = %parallel_loop3A_29 to %parallel_loop3A_30 step %parallel_loop3A_31  : i32 {
      %parallel_loop3A_43 = arith.constant 16 : i32
      %parallel_loop3A_44 = arith.muli %parallel_loop3A_42, %parallel_loop3A_43 : i32
      %parallel_loop3A_45 = arith.index_cast %parallel_loop3A_44 : i32 to index
      %parallel_loop3A_46 = tpu.vector_load %arg15[%parallel_loop3A_45] {strides = array<i32>} : memref<4096xf32, #tpu.memory_space<vmem>>, vector<16xf32>,
      %parallel_loop3A_47 = arith.constant true
      %parallel_loop3A_48 = vector.broadcast %parallel_loop3A_47 : i1 to vector<16xi1>
      %parallel_loop3A_49 = tpu.scan <sum>, %parallel_loop3A_46 masked %parallel_loop3A_48 : vector<16xf32>, vector<16xi1> -> vector<16xf32>
      %parallel_loop3A_50 = vector.extract %parallel_loop3A_49[15] : f32 from vector<16xf32>
      %parallel_loop3A_51 = arith.constant 0 : i32
      %parallel_loop3A_52 = vector.broadcast %parallel_loop3A_51 : i32 to vector<16xi32>
      %parallel_loop3A_53 = arith.muli %iota3A, %parallel_loop3A_52 : vector<16xi32>
      %parallel_loop3A_54 = arith.constant 0 : i32
      %parallel_loop3A_55 = arith.addi %parallel_loop3A_54, %parallel_loop3A_42 : i32
      %parallel_loop3A_56 = vector.broadcast %parallel_loop3A_55 : i32 to vector<16xi32>
      %parallel_loop3A_57 = arith.addi %parallel_loop3A_53, %parallel_loop3A_56 : vector<16xi32>
      %parallel_loop3A_58 = vector.broadcast %parallel_loop3A_50 : f32 to vector<16xf32>
      %parallel_loop3A_59 = arith.addf %parallel_loop3A_58, %broadcast_in_dim3A_3 : vector<16xf32>
      tpu.vector_store_idx %arg18[%parallel_loop3A_57], %parallel_loop3A_59 masked %eq3A_28 : memref<768xf32, #tpu.memory_space<vmem>>[vector<16xi32>], vector<16xf32>, vector<16xi1>
    } {sc.loop_unroll_factor = 8 : i64, sc.parallel_access}
    %parallel_loop3A_32 = arith.constant 0 : i32
    %parallel_loop3A_33 = arith.constant 256 : i32
    %parallel_loop3A_34 = arith.constant 1 : i32
    scf.for %parallel_loop3A_42 = %parallel_loop3A_32 to %parallel_loop3A_33 step %parallel_loop3A_34  : i32 {
      %parallel_loop3A_43 = arith.constant 16 : i32
      %parallel_loop3A_44 = arith.muli %parallel_loop3A_42, %parallel_loop3A_43 : i32
      %parallel_loop3A_45 = arith.index_cast %parallel_loop3A_44 : i32 to index
      %parallel_loop3A_46 = tpu.vector_load %arg16[%parallel_loop3A_45] {strides = array<i32>} : memref<4096xf32, #tpu.memory_space<vmem>>, vector<16xf32>,
      %parallel_loop3A_47 = arith.constant true
      %parallel_loop3A_48 = vector.broadcast %parallel_loop3A_47 : i1 to vector<16xi1>
      %parallel_loop3A_49 = tpu.scan <sum>, %parallel_loop3A_46 masked %parallel_loop3A_48 : vector<16xf32>, vector<16xi1> -> vector<16xf32>
      %parallel_loop3A_50 = vector.extract %parallel_loop3A_49[15] : f32 from vector<16xf32>
      %parallel_loop3A_51 = arith.constant 0 : i32
      %parallel_loop3A_52 = vector.broadcast %parallel_loop3A_51 : i32 to vector<16xi32>
      %parallel_loop3A_53 = arith.muli %iota3A, %parallel_loop3A_52 : vector<16xi32>
      %parallel_loop3A_54 = arith.constant 256 : i32
      %parallel_loop3A_55 = arith.addi %parallel_loop3A_54, %parallel_loop3A_42 : i32
      %parallel_loop3A_56 = vector.broadcast %parallel_loop3A_55 : i32 to vector<16xi32>
      %parallel_loop3A_57 = arith.addi %parallel_loop3A_53, %parallel_loop3A_56 : vector<16xi32>
      %parallel_loop3A_58 = vector.broadcast %parallel_loop3A_50 : f32 to vector<16xf32>
      %parallel_loop3A_59 = arith.addf %parallel_loop3A_58, %broadcast_in_dim3A_3 : vector<16xf32>
      tpu.vector_store_idx %arg18[%parallel_loop3A_57], %parallel_loop3A_59 masked %eq3A_28 : memref<768xf32, #tpu.memory_space<vmem>>[vector<16xi32>], vector<16xf32>, vector<16xi1>
    } {sc.loop_unroll_factor = 8 : i64, sc.parallel_access}
    %parallel_loop3A_35 = arith.constant 0 : i32
    %parallel_loop3A_36 = arith.constant 256 : i32
    %parallel_loop3A_37 = arith.constant 1 : i32
    scf.for %parallel_loop3A_42 = %parallel_loop3A_35 to %parallel_loop3A_36 step %parallel_loop3A_37  : i32 {
      %parallel_loop3A_43 = arith.constant 16 : i32
      %parallel_loop3A_44 = arith.muli %parallel_loop3A_42, %parallel_loop3A_43 : i32
      %parallel_loop3A_45 = arith.index_cast %parallel_loop3A_44 : i32 to index
      %parallel_loop3A_46 = tpu.vector_load %arg17[%parallel_loop3A_45] {strides = array<i32>} : memref<4096xf32, #tpu.memory_space<vmem>>, vector<16xf32>,
      %parallel_loop3A_47 = arith.constant true
      %parallel_loop3A_48 = vector.broadcast %parallel_loop3A_47 : i1 to vector<16xi1>
      %parallel_loop3A_49 = tpu.scan <sum>, %parallel_loop3A_46 masked %parallel_loop3A_48 : vector<16xf32>, vector<16xi1> -> vector<16xf32>
      %parallel_loop3A_50 = vector.extract %parallel_loop3A_49[15] : f32 from vector<16xf32>
      %parallel_loop3A_51 = arith.constant 0 : i32
      %parallel_loop3A_52 = vector.broadcast %parallel_loop3A_51 : i32 to vector<16xi32>
      %parallel_loop3A_53 = arith.muli %iota3A, %parallel_loop3A_52 : vector<16xi32>
      %parallel_loop3A_54 = arith.constant 512 : i32
      %parallel_loop3A_55 = arith.addi %parallel_loop3A_54, %parallel_loop3A_42 : i32
      %parallel_loop3A_56 = vector.broadcast %parallel_loop3A_55 : i32 to vector<16xi32>
      %parallel_loop3A_57 = arith.addi %parallel_loop3A_53, %parallel_loop3A_56 : vector<16xi32>
      %parallel_loop3A_58 = vector.broadcast %parallel_loop3A_50 : f32 to vector<16xf32>
      %parallel_loop3A_59 = arith.addf %parallel_loop3A_58, %broadcast_in_dim3A_3 : vector<16xf32>
      tpu.vector_store_idx %arg18[%parallel_loop3A_57], %parallel_loop3A_59 masked %eq3A_28 : memref<768xf32, #tpu.memory_space<vmem>>[vector<16xi32>], vector<16xf32>, vector<16xi1>
    } {sc.loop_unroll_factor = 8 : i64, sc.parallel_access}
    %mul3A_38 = arith.constant 3 : i32
    %mul3A_39 = arith.muli %add3A, %mul3A_38 : i32
    %mul3A_40 = arith.constant 256 : i32
    %mul3A_41 = arith.muli %mul3A_39, %mul3A_40 : i32
    "tpu.region"() ({
      %run_scoped3A = tpu.sem_alloc : memref<!tpu.dma_semaphore, #tpu.memory_space<semaphore_mem>>
      %dma_start3A_42 = tpu.memref_slice %arg5[%mul3A_41] : memref<24576xf32, #tpu.memory_space<hbm>> -> memref<768xf32, #tpu.memory_space<hbm>>
      %dma_start3A_43 = tpu.memref_slice %arg5[%mul3A_41] : memref<24576xf32, #tpu.memory_space<hbm>> -> memref<768xf32, #tpu.memory_space<hbm>>
      tpu.enqueue_dma source(%arg18 : memref<768xf32, #tpu.memory_space<vmem>>) target(%dma_start3A_43 : memref<768xf32, #tpu.memory_space<hbm>>) target_semaphore(%run_scoped3A : memref<!tpu.dma_semaphore, #tpu.memory_space<semaphore_mem>>)
      %dma_wait3A = tpu.memref_slice %arg5[%mul3A_41] : memref<24576xf32, #tpu.memory_space<hbm>> -> memref<768xf32, #tpu.memory_space<hbm>>
      %dma_wait3A_44 = tpu.memref_slice %arg5[%mul3A_41] : memref<24576xf32, #tpu.memory_space<hbm>> -> memref<768xf32, #tpu.memory_space<hbm>>
      tpu.wait_dma2 semaphore(%run_scoped3A : memref<!tpu.dma_semaphore, #tpu.memory_space<semaphore_mem>>) src(%arg18 : memref<768xf32, #tpu.memory_space<vmem>>) dst(%dma_wait3A_44 : memref<768xf32, #tpu.memory_space<hbm>>)
      tpu.yield
    }) : () -> ()
    return
  }
}

#map = affine_map<(d0, d1) -> (0)>
module attributes {stable_mosaic.version = 14 : i64} {
  func.func @_eval_body(%arg0: i32, %arg1: i32, %arg2: memref<2000000xf32, #tpu.memory_space<hbm>>, %arg3: memref<2000000xf32, #tpu.memory_space<hbm>>, %arg4: memref<2000000xf32, #tpu.memory_space<hbm>>, %arg5: memref<24576xf32, #tpu.memory_space<hbm>>, %arg6: memref<1024xf32, #tpu.memory_space<hbm>>, %arg7: memref<3472xf32, #tpu.memory_space<vmem>>, %arg8: memref<3472xf32, #tpu.memory_space<vmem>>, %arg9: memref<3472xf32, #tpu.memory_space<vmem>>, %arg10: memref<3472xf32, #tpu.memory_space<vmem>>, %arg11: memref<3472xf32, #tpu.memory_space<vmem>>, %arg12: memref<3472xf32, #tpu.memory_space<vmem>>, %arg13: memref<16xf32, #tpu.memory_space<vmem>>, %arg14: memref<16xf32, #tpu.memory_space<vmem>>, %arg15: memref<16xf32, #tpu.memory_space<vmem>>, %arg16: memref<6144xf32, #tpu.memory_space<vmem>>, %arg17: memref<768xf32, #tpu.memory_space<vmem>>, %arg18: memref<864xf32, #tpu.memory_space<vmem>>, %arg19: memref<864xf32, #tpu.memory_space<vmem>>, %arg20: memref<4608xf32, #tpu.memory_space<vmem>>, %arg21: memref<4608xf32, #tpu.memory_space<vmem>>, %arg22: memref<4608xf32, #tpu.memory_space<vmem>>, %arg23: memref<16xf32, #tpu.memory_space<vmem>>, %arg24: memref<16xf32, #tpu.memory_space<vmem>>, %arg25: memref<!tpu.dma_semaphore, #tpu.memory_space<semaphore_mem>>, %arg26: memref<!tpu.dma_semaphore, #tpu.memory_space<semaphore_mem>>) attributes {dimension_semantics = [#tpu.dimension_semantics<core_parallel>, #tpu.dimension_semantics<subcore_parallel>], iteration_bounds = array<i64: 2, 16>, scalar_prefetch = 0 : i64, scratch_operands = 20 : i64, tpu.core_type = #tpu.core_type<sc_vector_subcore>, window_params = [{transform_indices = #map}, {transform_indices = #map}, {transform_indices = #map}, {transform_indices = #map}, {transform_indices = #map}]} {
    %mul3A = arith.constant 2 : i32
    %mul3A_0 = arith.muli %arg1, %mul3A : i32
    %add3A = arith.addi %mul3A_0, %arg0 : i32
    %mul3A_1 = arith.constant 62496 : i32
    %mul3A_2 = arith.muli %add3A, %mul3A_1 : i32
    %iota3A = tpu.iota {dimensions = array<i32: 0>} : vector<16xi32>
    %broadcast_in_dim3A = arith.constant 0.000000e+00 : f32
    %broadcast_in_dim3A_3 = vector.broadcast %broadcast_in_dim3A : f32 to vector<16xf32>
    %dma_start3A = tpu.memref_slice %arg2[%mul3A_2] : memref<2000000xf32, #tpu.memory_space<hbm>> -> memref<3472xf32, #tpu.memory_space<hbm>>
    %dma_start3A_4 = tpu.memref_slice %arg2[%mul3A_2] : memref<2000000xf32, #tpu.memory_space<hbm>> -> memref<3472xf32, #tpu.memory_space<hbm>>
    tpu.enqueue_dma source(%dma_start3A_4 : memref<3472xf32, #tpu.memory_space<hbm>>) target(%arg7 : memref<3472xf32, #tpu.memory_space<vmem>>) target_semaphore(%arg25 : memref<!tpu.dma_semaphore, #tpu.memory_space<semaphore_mem>>)
    %dma_start3A_5 = tpu.memref_slice %arg3[%mul3A_2] : memref<2000000xf32, #tpu.memory_space<hbm>> -> memref<3472xf32, #tpu.memory_space<hbm>>
    %dma_start3A_6 = tpu.memref_slice %arg3[%mul3A_2] : memref<2000000xf32, #tpu.memory_space<hbm>> -> memref<3472xf32, #tpu.memory_space<hbm>>
    tpu.enqueue_dma source(%dma_start3A_6 : memref<3472xf32, #tpu.memory_space<hbm>>) target(%arg8 : memref<3472xf32, #tpu.memory_space<vmem>>) target_semaphore(%arg25 : memref<!tpu.dma_semaphore, #tpu.memory_space<semaphore_mem>>)
    %dma_start3A_7 = tpu.memref_slice %arg4[%mul3A_2] : memref<2000000xf32, #tpu.memory_space<hbm>> -> memref<3472xf32, #tpu.memory_space<hbm>>
    %dma_start3A_8 = tpu.memref_slice %arg4[%mul3A_2] : memref<2000000xf32, #tpu.memory_space<hbm>> -> memref<3472xf32, #tpu.memory_space<hbm>>
    tpu.enqueue_dma source(%dma_start3A_8 : memref<3472xf32, #tpu.memory_space<hbm>>) target(%arg9 : memref<3472xf32, #tpu.memory_space<vmem>>) target_semaphore(%arg25 : memref<!tpu.dma_semaphore, #tpu.memory_space<semaphore_mem>>)
    %add3A_9 = arith.constant 3472 : i32
    %add3A_10 = arith.addi %mul3A_2, %add3A_9 : i32
    %dma_start3A_11 = tpu.memref_slice %arg2[%add3A_10] : memref<2000000xf32, #tpu.memory_space<hbm>> -> memref<3472xf32, #tpu.memory_space<hbm>>
    %dma_start3A_12 = tpu.memref_slice %arg2[%add3A_10] : memref<2000000xf32, #tpu.memory_space<hbm>> -> memref<3472xf32, #tpu.memory_space<hbm>>
    tpu.enqueue_dma source(%dma_start3A_12 : memref<3472xf32, #tpu.memory_space<hbm>>) target(%arg10 : memref<3472xf32, #tpu.memory_space<vmem>>) target_semaphore(%arg26 : memref<!tpu.dma_semaphore, #tpu.memory_space<semaphore_mem>>)
    %dma_start3A_13 = tpu.memref_slice %arg3[%add3A_10] : memref<2000000xf32, #tpu.memory_space<hbm>> -> memref<3472xf32, #tpu.memory_space<hbm>>
    %dma_start3A_14 = tpu.memref_slice %arg3[%add3A_10] : memref<2000000xf32, #tpu.memory_space<hbm>> -> memref<3472xf32, #tpu.memory_space<hbm>>
    tpu.enqueue_dma source(%dma_start3A_14 : memref<3472xf32, #tpu.memory_space<hbm>>) target(%arg11 : memref<3472xf32, #tpu.memory_space<vmem>>) target_semaphore(%arg26 : memref<!tpu.dma_semaphore, #tpu.memory_space<semaphore_mem>>)
    %dma_start3A_15 = tpu.memref_slice %arg4[%add3A_10] : memref<2000000xf32, #tpu.memory_space<hbm>> -> memref<3472xf32, #tpu.memory_space<hbm>>
    %dma_start3A_16 = tpu.memref_slice %arg4[%add3A_10] : memref<2000000xf32, #tpu.memory_space<hbm>> -> memref<3472xf32, #tpu.memory_space<hbm>>
    tpu.enqueue_dma source(%dma_start3A_16 : memref<3472xf32, #tpu.memory_space<hbm>>) target(%arg12 : memref<3472xf32, #tpu.memory_space<vmem>>) target_semaphore(%arg26 : memref<!tpu.dma_semaphore, #tpu.memory_space<semaphore_mem>>)
    %parallel_loop3A = arith.constant 0 : i32
    %parallel_loop3A_17 = arith.constant 768 : i32
    %parallel_loop3A_18 = arith.constant 16 : i32
    scf.for %parallel_loop3A_105 = %parallel_loop3A to %parallel_loop3A_17 step %parallel_loop3A_18  : i32 {
      %parallel_loop3A_106 = arith.index_cast %parallel_loop3A_105 : i32 to index
      %parallel_loop3A_107 = tpu.vector_load %arg17[%parallel_loop3A_106] {strides = array<i32>} : memref<768xf32, #tpu.memory_space<vmem>>, vector<16xf32>,
      tpu.vector_store %arg17[%parallel_loop3A_106], %broadcast_in_dim3A_3 {strides = array<i32>} : memref<768xf32, #tpu.memory_space<vmem>>, vector<16xf32>,
    } {sc.loop_unroll_factor = 4 : i64, sc.parallel_access}
    %scan3A = arith.constant 0 : i32
    %scan3A_19 = arith.constant 0 : i32
    %scan3A_20 = arith.constant 4 : i32
    %scan3A_21 = arith.addi %scan3A_19, %scan3A_20 : i32
    %scan3A_22 = arith.constant 1 : i32
    %scan3A_23 = scf.for %scan3A_105 = %scan3A_19 to %scan3A_21 step %scan3A_22 iter_args(%scan3A_106 = %scan3A) -> (i32)  : i32 {
      %mul3A_107 = arith.constant 8 : i32
      %mul3A_108 = arith.muli %scan3A_105, %mul3A_107 : i32
      %mul3A_109 = arith.constant 3 : i32
      %mul3A_110 = arith.muli %mul3A_108, %mul3A_109 : i32
      %mul3A_111 = arith.constant 256 : i32
      %mul3A_112 = arith.muli %mul3A_110, %mul3A_111 : i32
      "tpu.region"() ({
        %run_scoped3A = tpu.sem_alloc : memref<!tpu.dma_semaphore, #tpu.memory_space<semaphore_mem>>
        %dma_start3A_117 = tpu.memref_slice %arg5[%mul3A_112] : memref<24576xf32, #tpu.memory_space<hbm>> -> memref<6144xf32, #tpu.memory_space<hbm>>
        %dma_start3A_118 = tpu.memref_slice %arg5[%mul3A_112] : memref<24576xf32, #tpu.memory_space<hbm>> -> memref<6144xf32, #tpu.memory_space<hbm>>
        tpu.enqueue_dma source(%dma_start3A_118 : memref<6144xf32, #tpu.memory_space<hbm>>) target(%arg16 : memref<6144xf32, #tpu.memory_space<vmem>>) target_semaphore(%run_scoped3A : memref<!tpu.dma_semaphore, #tpu.memory_space<semaphore_mem>>)
        %dma_wait3A = tpu.memref_slice %arg5[%mul3A_112] : memref<24576xf32, #tpu.memory_space<hbm>> -> memref<6144xf32, #tpu.memory_space<hbm>>
        %dma_wait3A_119 = tpu.memref_slice %arg5[%mul3A_112] : memref<24576xf32, #tpu.memory_space<hbm>> -> memref<6144xf32, #tpu.memory_space<hbm>>
        tpu.wait_dma2 semaphore(%run_scoped3A : memref<!tpu.dma_semaphore, #tpu.memory_space<semaphore_mem>>) src(%dma_wait3A_119 : memref<6144xf32, #tpu.memory_space<hbm>>) dst(%arg16 : memref<6144xf32, #tpu.memory_space<vmem>>)
        tpu.yield
      }) : () -> ()
      %parallel_loop3A_113 = arith.constant 0 : i32
      %parallel_loop3A_114 = arith.constant 768 : i32
      %parallel_loop3A_115 = arith.constant 16 : i32
      scf.for %parallel_loop3A_117 = %parallel_loop3A_113 to %parallel_loop3A_114 step %parallel_loop3A_115  : i32 {
        %parallel_loop3A_118 = arith.index_cast %parallel_loop3A_117 : i32 to index
        %parallel_loop3A_119 = tpu.vector_load %arg17[%parallel_loop3A_118] {strides = array<i32>} : memref<768xf32, #tpu.memory_space<vmem>>, vector<16xf32>,
        %parallel_loop3A_120 = arith.constant 0 : i32
        %parallel_loop3A_121 = arith.addi %parallel_loop3A_120, %parallel_loop3A_117 : i32
        %parallel_loop3A_122 = arith.index_cast %parallel_loop3A_121 : i32 to index
        %parallel_loop3A_123 = tpu.vector_load %arg16[%parallel_loop3A_122] {strides = array<i32>} : memref<6144xf32, #tpu.memory_space<vmem>>, vector<16xf32>,
        %parallel_loop3A_124 = arith.addf %parallel_loop3A_119, %parallel_loop3A_123 : vector<16xf32>
        %parallel_loop3A_125 = arith.constant 768 : i32
        %parallel_loop3A_126 = arith.addi %parallel_loop3A_125, %parallel_loop3A_117 : i32
        %parallel_loop3A_127 = arith.index_cast %parallel_loop3A_126 : i32 to index
        %parallel_loop3A_128 = tpu.vector_load %arg16[%parallel_loop3A_127] {strides = array<i32>} : memref<6144xf32, #tpu.memory_space<vmem>>, vector<16xf32>,
        %parallel_loop3A_129 = arith.addf %parallel_loop3A_124, %parallel_loop3A_128 : vector<16xf32>
        %parallel_loop3A_130 = arith.constant 1536 : i32
        %parallel_loop3A_131 = arith.addi %parallel_loop3A_130, %parallel_loop3A_117 : i32
        %parallel_loop3A_132 = arith.index_cast %parallel_loop3A_131 : i32 to index
        %parallel_loop3A_133 = tpu.vector_load %arg16[%parallel_loop3A_132] {strides = array<i32>} : memref<6144xf32, #tpu.memory_space<vmem>>, vector<16xf32>,
        %parallel_loop3A_134 = arith.addf %parallel_loop3A_129, %parallel_loop3A_133 : vector<16xf32>
        %parallel_loop3A_135 = arith.constant 2304 : i32
        %parallel_loop3A_136 = arith.addi %parallel_loop3A_135, %parallel_loop3A_117 : i32
        %parallel_loop3A_137 = arith.index_cast %parallel_loop3A_136 : i32 to index
        %parallel_loop3A_138 = tpu.vector_load %arg16[%parallel_loop3A_137] {strides = array<i32>} : memref<6144xf32, #tpu.memory_space<vmem>>, vector<16xf32>,
        %parallel_loop3A_139 = arith.addf %parallel_loop3A_134, %parallel_loop3A_138 : vector<16xf32>
        %parallel_loop3A_140 = arith.constant 3072 : i32
        %parallel_loop3A_141 = arith.addi %parallel_loop3A_140, %parallel_loop3A_117 : i32
        %parallel_loop3A_142 = arith.index_cast %parallel_loop3A_141 : i32 to index
        %parallel_loop3A_143 = tpu.vector_load %arg16[%parallel_loop3A_142] {strides = array<i32>} : memref<6144xf32, #tpu.memory_space<vmem>>, vector<16xf32>,
        %parallel_loop3A_144 = arith.addf %parallel_loop3A_139, %parallel_loop3A_143 : vector<16xf32>
        %parallel_loop3A_145 = arith.constant 3840 : i32
        %parallel_loop3A_146 = arith.addi %parallel_loop3A_145, %parallel_loop3A_117 : i32
        %parallel_loop3A_147 = arith.index_cast %parallel_loop3A_146 : i32 to index
        %parallel_loop3A_148 = tpu.vector_load %arg16[%parallel_loop3A_147] {strides = array<i32>} : memref<6144xf32, #tpu.memory_space<vmem>>, vector<16xf32>,
        %parallel_loop3A_149 = arith.addf %parallel_loop3A_144, %parallel_loop3A_148 : vector<16xf32>
        %parallel_loop3A_150 = arith.constant 4608 : i32
        %parallel_loop3A_151 = arith.addi %parallel_loop3A_150, %parallel_loop3A_117 : i32
        %parallel_loop3A_152 = arith.index_cast %parallel_loop3A_151 : i32 to index
        %parallel_loop3A_153 = tpu.vector_load %arg16[%parallel_loop3A_152] {strides = array<i32>} : memref<6144xf32, #tpu.memory_space<vmem>>, vector<16xf32>,
        %parallel_loop3A_154 = arith.addf %parallel_loop3A_149, %parallel_loop3A_153 : vector<16xf32>
        %parallel_loop3A_155 = arith.constant 5376 : i32
        %parallel_loop3A_156 = arith.addi %parallel_loop3A_155, %parallel_loop3A_117 : i32
        %parallel_loop3A_157 = arith.index_cast %parallel_loop3A_156 : i32 to index
        %parallel_loop3A_158 = tpu.vector_load %arg16[%parallel_loop3A_157] {strides = array<i32>} : memref<6144xf32, #tpu.memory_space<vmem>>, vector<16xf32>,
        %parallel_loop3A_159 = arith.addf %parallel_loop3A_154, %parallel_loop3A_158 : vector<16xf32>
        %parallel_loop3A_160 = arith.index_cast %parallel_loop3A_117 : i32 to index
        %parallel_loop3A_161 = tpu.vector_load %arg17[%parallel_loop3A_160] {strides = array<i32>} : memref<768xf32, #tpu.memory_space<vmem>>, vector<16xf32>,
        tpu.vector_store %arg17[%parallel_loop3A_160], %parallel_loop3A_159 {strides = array<i32>} : memref<768xf32, #tpu.memory_space<vmem>>, vector<16xf32>,
      } {sc.loop_unroll_factor = 4 : i64, sc.parallel_access}
      %scan3A_116 = arith.constant 0 : i32
      scf.yield %scan3A_116 : i32
    }
    %scan3A_24 = arith.constant 4 : i32
    %scan3A_25 = arith.constant 0.000000e+00 : f32
    %scan3A_26 = arith.constant 0 : i32
    %scan3A_27 = arith.constant 16 : i32
    %scan3A_28 = arith.addi %scan3A_26, %scan3A_27 : i32
    %scan3A_29 = arith.constant 1 : i32
    %scan3A_30 = scf.for %scan3A_105 = %scan3A_26 to %scan3A_28 step %scan3A_29 iter_args(%scan3A_106 = %scan3A_25) -> (f32)  : i32 {
      %mul3A_107 = arith.constant 16 : i32
      %mul3A_108 = arith.muli %scan3A_105, %mul3A_107 : i32
      %add3A_109 = arith.constant 0 : i32
      %add3A_110 = arith.addi %add3A_109, %mul3A_108 : i32
      %get3A = arith.index_cast %add3A_110 : i32 to index
      %get3A_111 = tpu.vector_load %arg17[%get3A] {strides = array<i32>} : memref<768xf32, #tpu.memory_space<vmem>>, vector<16xf32>,
      %broadcast_in_dim3A_112 = arith.constant true
      %broadcast_in_dim3A_113 = vector.broadcast %broadcast_in_dim3A_112 : i1 to vector<16xi1>
      %masked_cumsum3A = tpu.scan <sum>, %get3A_111 masked %broadcast_in_dim3A_113 : vector<16xf32>, vector<16xi1> -> vector<16xf32>
      %add3A_114 = vector.broadcast %scan3A_106 : f32 to vector<16xf32>
      %add3A_115 = arith.addf %masked_cumsum3A, %add3A_114 : vector<16xf32>
      %sub3A = arith.subf %add3A_115, %get3A_111 : vector<16xf32>
      %mul3A_116 = arith.constant 16 : i32
      %mul3A_117 = arith.muli %scan3A_105, %mul3A_116 : i32
      %add3A_118 = arith.constant 0 : i32
      %add3A_119 = arith.addi %add3A_118, %mul3A_117 : i32
      %swap3A_120 = arith.index_cast %add3A_119 : i32 to index
      %swap3A_121 = tpu.vector_load %arg18[%swap3A_120] {strides = array<i32>} : memref<864xf32, #tpu.memory_space<vmem>>, vector<16xf32>,
      tpu.vector_store %arg18[%swap3A_120], %sub3A {strides = array<i32>} : memref<864xf32, #tpu.memory_space<vmem>>, vector<16xf32>,
      %reduce_sum3A = arith.constant true
      %reduce_sum3A_122 = vector.broadcast %reduce_sum3A : i1 to vector<16xi1>
      %reduce_sum3A_123 = tpu.scan <sum>, %get3A_111 masked %reduce_sum3A_122 : vector<16xf32>, vector<16xi1> -> vector<16xf32>
      %reduce_sum3A_124 = vector.extract %reduce_sum3A_123[15] : f32 from vector<16xf32>
      %add3A_125 = arith.addf %scan3A_106, %reduce_sum3A_124 : f32
      scf.yield %add3A_125 : f32
    }
    %scan3A_31 = arith.constant 16 : i32
    %add3A_32 = vector.broadcast %scan3A_30 : f32 to vector<16xf32>
    %add3A_33 = arith.addf %add3A_32, %broadcast_in_dim3A_3 : vector<16xf32>
    %swap3A = arith.constant 256 : index
    %swap3A_34 = tpu.vector_load %arg18[%swap3A] {strides = array<i32>} : memref<864xf32, #tpu.memory_space<vmem>>, vector<16xf32>,
    tpu.vector_store %arg18[%swap3A], %add3A_33 {strides = array<i32>} : memref<864xf32, #tpu.memory_space<vmem>>, vector<16xf32>,
    %add3A_35 = vector.broadcast %scan3A_30 : f32 to vector<16xf32>
    %add3A_36 = arith.addf %add3A_35, %broadcast_in_dim3A_3 : vector<16xf32>
    %swap3A_37 = arith.constant 272 : index
    %swap3A_38 = tpu.vector_load %arg18[%swap3A_37] {strides = array<i32>} : memref<864xf32, #tpu.memory_space<vmem>>, vector<16xf32>,
    tpu.vector_store %arg18[%swap3A_37], %add3A_36 {strides = array<i32>} : memref<864xf32, #tpu.memory_space<vmem>>, vector<16xf32>,
    %scan3A_39 = arith.constant 0.000000e+00 : f32
    %scan3A_40 = arith.constant 0 : i32
    %scan3A_41 = arith.constant 16 : i32
    %scan3A_42 = arith.addi %scan3A_40, %scan3A_41 : i32
    %scan3A_43 = arith.constant 1 : i32
    %scan3A_44 = scf.for %scan3A_105 = %scan3A_40 to %scan3A_42 step %scan3A_43 iter_args(%scan3A_106 = %scan3A_39) -> (f32)  : i32 {
      %mul3A_107 = arith.constant 16 : i32
      %mul3A_108 = arith.muli %scan3A_105, %mul3A_107 : i32
      %add3A_109 = arith.constant 256 : i32
      %add3A_110 = arith.addi %add3A_109, %mul3A_108 : i32
      %get3A = arith.index_cast %add3A_110 : i32 to index
      %get3A_111 = tpu.vector_load %arg17[%get3A] {strides = array<i32>} : memref<768xf32, #tpu.memory_space<vmem>>, vector<16xf32>,
      %broadcast_in_dim3A_112 = arith.constant true
      %broadcast_in_dim3A_113 = vector.broadcast %broadcast_in_dim3A_112 : i1 to vector<16xi1>
      %masked_cumsum3A = tpu.scan <sum>, %get3A_111 masked %broadcast_in_dim3A_113 : vector<16xf32>, vector<16xi1> -> vector<16xf32>
      %add3A_114 = vector.broadcast %scan3A_106 : f32 to vector<16xf32>
      %add3A_115 = arith.addf %masked_cumsum3A, %add3A_114 : vector<16xf32>
      %sub3A = arith.subf %add3A_115, %get3A_111 : vector<16xf32>
      %mul3A_116 = arith.constant 16 : i32
      %mul3A_117 = arith.muli %scan3A_105, %mul3A_116 : i32
      %add3A_118 = arith.constant 288 : i32
      %add3A_119 = arith.addi %add3A_118, %mul3A_117 : i32
      %swap3A_120 = arith.index_cast %add3A_119 : i32 to index
      %swap3A_121 = tpu.vector_load %arg18[%swap3A_120] {strides = array<i32>} : memref<864xf32, #tpu.memory_space<vmem>>, vector<16xf32>,
      tpu.vector_store %arg18[%swap3A_120], %sub3A {strides = array<i32>} : memref<864xf32, #tpu.memory_space<vmem>>, vector<16xf32>,
      %reduce_sum3A = arith.constant true
      %reduce_sum3A_122 = vector.broadcast %reduce_sum3A : i1 to vector<16xi1>
      %reduce_sum3A_123 = tpu.scan <sum>, %get3A_111 masked %reduce_sum3A_122 : vector<16xf32>, vector<16xi1> -> vector<16xf32>
      %reduce_sum3A_124 = vector.extract %reduce_sum3A_123[15] : f32 from vector<16xf32>
      %add3A_125 = arith.addf %scan3A_106, %reduce_sum3A_124 : f32
      scf.yield %add3A_125 : f32
    }
    %scan3A_45 = arith.constant 16 : i32
    %add3A_46 = vector.broadcast %scan3A_44 : f32 to vector<16xf32>
    %add3A_47 = arith.addf %add3A_46, %broadcast_in_dim3A_3 : vector<16xf32>
    %swap3A_48 = arith.constant 544 : index
    %swap3A_49 = tpu.vector_load %arg18[%swap3A_48] {strides = array<i32>} : memref<864xf32, #tpu.memory_space<vmem>>, vector<16xf32>,
    tpu.vector_store %arg18[%swap3A_48], %add3A_47 {strides = array<i32>} : memref<864xf32, #tpu.memory_space<vmem>>, vector<16xf32>,
    %add3A_50 = vector.broadcast %scan3A_44 : f32 to vector<16xf32>
    %add3A_51 = arith.addf %add3A_50, %broadcast_in_dim3A_3 : vector<16xf32>
    %swap3A_52 = arith.constant 560 : index
    %swap3A_53 = tpu.vector_load %arg18[%swap3A_52] {strides = array<i32>} : memref<864xf32, #tpu.memory_space<vmem>>, vector<16xf32>,
    tpu.vector_store %arg18[%swap3A_52], %add3A_51 {strides = array<i32>} : memref<864xf32, #tpu.memory_space<vmem>>, vector<16xf32>,
    %scan3A_54 = arith.constant 0.000000e+00 : f32
    %scan3A_55 = arith.constant 0 : i32
    %scan3A_56 = arith.constant 16 : i32
    %scan3A_57 = arith.addi %scan3A_55, %scan3A_56 : i32
    %scan3A_58 = arith.constant 1 : i32
    %scan3A_59 = scf.for %scan3A_105 = %scan3A_55 to %scan3A_57 step %scan3A_58 iter_args(%scan3A_106 = %scan3A_54) -> (f32)  : i32 {
      %mul3A_107 = arith.constant 16 : i32
      %mul3A_108 = arith.muli %scan3A_105, %mul3A_107 : i32
      %add3A_109 = arith.constant 512 : i32
      %add3A_110 = arith.addi %add3A_109, %mul3A_108 : i32
      %get3A = arith.index_cast %add3A_110 : i32 to index
      %get3A_111 = tpu.vector_load %arg17[%get3A] {strides = array<i32>} : memref<768xf32, #tpu.memory_space<vmem>>, vector<16xf32>,
      %broadcast_in_dim3A_112 = arith.constant true
      %broadcast_in_dim3A_113 = vector.broadcast %broadcast_in_dim3A_112 : i1 to vector<16xi1>
      %masked_cumsum3A = tpu.scan <sum>, %get3A_111 masked %broadcast_in_dim3A_113 : vector<16xf32>, vector<16xi1> -> vector<16xf32>
      %add3A_114 = vector.broadcast %scan3A_106 : f32 to vector<16xf32>
      %add3A_115 = arith.addf %masked_cumsum3A, %add3A_114 : vector<16xf32>
      %sub3A = arith.subf %add3A_115, %get3A_111 : vector<16xf32>
      %mul3A_116 = arith.constant 16 : i32
      %mul3A_117 = arith.muli %scan3A_105, %mul3A_116 : i32
      %add3A_118 = arith.constant 576 : i32
      %add3A_119 = arith.addi %add3A_118, %mul3A_117 : i32
      %swap3A_120 = arith.index_cast %add3A_119 : i32 to index
      %swap3A_121 = tpu.vector_load %arg18[%swap3A_120] {strides = array<i32>} : memref<864xf32, #tpu.memory_space<vmem>>, vector<16xf32>,
      tpu.vector_store %arg18[%swap3A_120], %sub3A {strides = array<i32>} : memref<864xf32, #tpu.memory_space<vmem>>, vector<16xf32>,
      %reduce_sum3A = arith.constant true
      %reduce_sum3A_122 = vector.broadcast %reduce_sum3A : i1 to vector<16xi1>
      %reduce_sum3A_123 = tpu.scan <sum>, %get3A_111 masked %reduce_sum3A_122 : vector<16xf32>, vector<16xi1> -> vector<16xf32>
      %reduce_sum3A_124 = vector.extract %reduce_sum3A_123[15] : f32 from vector<16xf32>
      %add3A_125 = arith.addf %scan3A_106, %reduce_sum3A_124 : f32
      scf.yield %add3A_125 : f32
    }
    %scan3A_60 = arith.constant 16 : i32
    %add3A_61 = vector.broadcast %scan3A_59 : f32 to vector<16xf32>
    %add3A_62 = arith.addf %add3A_61, %broadcast_in_dim3A_3 : vector<16xf32>
    %swap3A_63 = arith.constant 832 : index
    %swap3A_64 = tpu.vector_load %arg18[%swap3A_63] {strides = array<i32>} : memref<864xf32, #tpu.memory_space<vmem>>, vector<16xf32>,
    tpu.vector_store %arg18[%swap3A_63], %add3A_62 {strides = array<i32>} : memref<864xf32, #tpu.memory_space<vmem>>, vector<16xf32>,
    %add3A_65 = vector.broadcast %scan3A_59 : f32 to vector<16xf32>
    %add3A_66 = arith.addf %add3A_65, %broadcast_in_dim3A_3 : vector<16xf32>
    %swap3A_67 = arith.constant 848 : index
    %swap3A_68 = tpu.vector_load %arg18[%swap3A_67] {strides = array<i32>} : memref<864xf32, #tpu.memory_space<vmem>>, vector<16xf32>,
    tpu.vector_store %arg18[%swap3A_67], %add3A_66 {strides = array<i32>} : memref<864xf32, #tpu.memory_space<vmem>>, vector<16xf32>,
    %add3A_69 = arith.constant 1.000000e+00 : f32
    %add3A_70 = vector.broadcast %add3A_69 : f32 to vector<16xf32>
    %add3A_71 = arith.addf %add3A_70, %broadcast_in_dim3A_3 : vector<16xf32>
    %add3A_72 = vector.broadcast %scan3A_30 : f32 to vector<16xf32>
    %add3A_73 = arith.addf %add3A_72, %broadcast_in_dim3A_3 : vector<16xf32>
    %div3A = arith.divf %add3A_71, %add3A_73 : vector<16xf32>
    %parallel_loop3A_74 = arith.constant 0 : i32
    %parallel_loop3A_75 = arith.constant 272 : i32
    %parallel_loop3A_76 = arith.constant 16 : i32
    scf.for %parallel_loop3A_105 = %parallel_loop3A_74 to %parallel_loop3A_75 step %parallel_loop3A_76  : i32 {
      %parallel_loop3A_106 = arith.index_cast %parallel_loop3A_105 : i32 to index
      %parallel_loop3A_107 = tpu.vector_load %arg18[%parallel_loop3A_106] {strides = array<i32>} : memref<864xf32, #tpu.memory_space<vmem>>, vector<16xf32>,
      %parallel_loop3A_108 = arith.constant 288 : i32
      %parallel_loop3A_109 = arith.addi %parallel_loop3A_108, %parallel_loop3A_105 : i32
      %parallel_loop3A_110 = arith.index_cast %parallel_loop3A_109 : i32 to index
      %parallel_loop3A_111 = tpu.vector_load %arg18[%parallel_loop3A_110] {strides = array<i32>} : memref<864xf32, #tpu.memory_space<vmem>>, vector<16xf32>,
      %parallel_loop3A_112 = arith.constant 576 : i32
      %parallel_loop3A_113 = arith.addi %parallel_loop3A_112, %parallel_loop3A_105 : i32
      %parallel_loop3A_114 = arith.index_cast %parallel_loop3A_113 : i32 to index
      %parallel_loop3A_115 = tpu.vector_load %arg18[%parallel_loop3A_114] {strides = array<i32>} : memref<864xf32, #tpu.memory_space<vmem>>, vector<16xf32>,
      %parallel_loop3A_116 = arith.constant 8 : i32
      %parallel_loop3A_117 = arith.addi %parallel_loop3A_105, %parallel_loop3A_116 : i32
      %parallel_loop3A_118 = arith.index_cast %parallel_loop3A_117 : i32 to index
      %parallel_loop3A_119 = tpu.vector_load %arg18[%parallel_loop3A_118] {strides = array<i32>} : memref<864xf32, #tpu.memory_space<vmem>>, vector<16xf32>,
      %parallel_loop3A_120 = arith.subf %parallel_loop3A_119, %parallel_loop3A_107 : vector<16xf32>
      %parallel_loop3A_121 = arith.constant 288 : i32
      %parallel_loop3A_122 = arith.addi %parallel_loop3A_121, %parallel_loop3A_105 : i32
      %parallel_loop3A_123 = arith.constant 8 : i32
      %parallel_loop3A_124 = arith.addi %parallel_loop3A_122, %parallel_loop3A_123 : i32
      %parallel_loop3A_125 = arith.index_cast %parallel_loop3A_124 : i32 to index
      %parallel_loop3A_126 = tpu.vector_load %arg18[%parallel_loop3A_125] {strides = array<i32>} : memref<864xf32, #tpu.memory_space<vmem>>, vector<16xf32>,
      %parallel_loop3A_127 = arith.subf %parallel_loop3A_126, %parallel_loop3A_111 : vector<16xf32>
      %parallel_loop3A_128 = arith.constant 576 : i32
      %parallel_loop3A_129 = arith.addi %parallel_loop3A_128, %parallel_loop3A_105 : i32
      %parallel_loop3A_130 = arith.constant 8 : i32
      %parallel_loop3A_131 = arith.addi %parallel_loop3A_129, %parallel_loop3A_130 : i32
      %parallel_loop3A_132 = arith.index_cast %parallel_loop3A_131 : i32 to index
      %parallel_loop3A_133 = tpu.vector_load %arg18[%parallel_loop3A_132] {strides = array<i32>} : memref<864xf32, #tpu.memory_space<vmem>>, vector<16xf32>,
      %parallel_loop3A_134 = arith.subf %parallel_loop3A_133, %parallel_loop3A_115 : vector<16xf32>
      %parallel_loop3A_135 = arith.constant 1.000000e+00 : f32
      %parallel_loop3A_136 = vector.broadcast %parallel_loop3A_135 : f32 to vector<16xf32>
      %parallel_loop3A_137 = arith.mulf %parallel_loop3A_120, %parallel_loop3A_136 : vector<16xf32>
      %parallel_loop3A_138 = arith.constant 0.699999988 : f32
      %parallel_loop3A_139 = vector.broadcast %parallel_loop3A_138 : f32 to vector<16xf32>
      %parallel_loop3A_140 = arith.mulf %parallel_loop3A_139, %parallel_loop3A_120 : vector<16xf32>
      %parallel_loop3A_141 = arith.constant 2.000000e+00 : f32
      %parallel_loop3A_142 = vector.broadcast %parallel_loop3A_141 : f32 to vector<16xf32>
      %parallel_loop3A_143 = arith.mulf %parallel_loop3A_142, %parallel_loop3A_127 : vector<16xf32>
      %parallel_loop3A_144 = arith.subf %parallel_loop3A_140, %parallel_loop3A_143 : vector<16xf32>
      %parallel_loop3A_145 = arith.constant 1.000000e+00 : f32
      %parallel_loop3A_146 = vector.broadcast %parallel_loop3A_145 : f32 to vector<16xf32>
      %parallel_loop3A_147 = arith.mulf %parallel_loop3A_144, %parallel_loop3A_146 : vector<16xf32>
      %parallel_loop3A_148 = arith.addf %parallel_loop3A_107, %parallel_loop3A_147 : vector<16xf32>
      %parallel_loop3A_149 = arith.constant 1.000000e-01 : f32
      %parallel_loop3A_150 = vector.broadcast %parallel_loop3A_149 : f32 to vector<16xf32>
      %parallel_loop3A_151 = arith.mulf %parallel_loop3A_150, %parallel_loop3A_107 : vector<16xf32>
      %parallel_loop3A_152 = arith.subf %parallel_loop3A_151, %parallel_loop3A_111 : vector<16xf32>
      %parallel_loop3A_153 = arith.constant 1.225000e-01 : f32
      %parallel_loop3A_154 = vector.broadcast %parallel_loop3A_153 : f32 to vector<16xf32>
      %parallel_loop3A_155 = arith.mulf %parallel_loop3A_154, %parallel_loop3A_120 : vector<16xf32>
      %parallel_loop3A_156 = arith.constant 0.699999988 : f32
      %parallel_loop3A_157 = vector.broadcast %parallel_loop3A_156 : f32 to vector<16xf32>
      %parallel_loop3A_158 = arith.mulf %parallel_loop3A_157, %parallel_loop3A_127 : vector<16xf32>
      %parallel_loop3A_159 = arith.subf %parallel_loop3A_155, %parallel_loop3A_158 : vector<16xf32>
      %parallel_loop3A_160 = arith.addf %parallel_loop3A_159, %parallel_loop3A_134 : vector<16xf32>
      %parallel_loop3A_161 = arith.constant 1.000000e+00 : f32
      %parallel_loop3A_162 = vector.broadcast %parallel_loop3A_161 : f32 to vector<16xf32>
      %parallel_loop3A_163 = arith.mulf %parallel_loop3A_160, %parallel_loop3A_162 : vector<16xf32>
      %parallel_loop3A_164 = arith.addf %parallel_loop3A_152, %parallel_loop3A_163 : vector<16xf32>
      %parallel_loop3A_165 = arith.mulf %parallel_loop3A_164, %div3A : vector<16xf32>
      %parallel_loop3A_166 = arith.index_cast %parallel_loop3A_105 : i32 to index
      %parallel_loop3A_167 = tpu.vector_load %arg19[%parallel_loop3A_166] {strides = array<i32>} : memref<864xf32, #tpu.memory_space<vmem>>, vector<16xf32>,
      tpu.vector_store %arg19[%parallel_loop3A_166], %parallel_loop3A_165 {strides = array<i32>} : memref<864xf32, #tpu.memory_space<vmem>>, vector<16xf32>,
      %parallel_loop3A_168 = arith.mulf %parallel_loop3A_148, %div3A : vector<16xf32>
      %parallel_loop3A_169 = arith.constant 288 : i32
      %parallel_loop3A_170 = arith.addi %parallel_loop3A_169, %parallel_loop3A_105 : i32
      %parallel_loop3A_171 = arith.index_cast %parallel_loop3A_170 : i32 to index
      %parallel_loop3A_172 = tpu.vector_load %arg19[%parallel_loop3A_171] {strides = array<i32>} : memref<864xf32, #tpu.memory_space<vmem>>, vector<16xf32>,
      tpu.vector_store %arg19[%parallel_loop3A_171], %parallel_loop3A_168 {strides = array<i32>} : memref<864xf32, #tpu.memory_space<vmem>>, vector<16xf32>,
      %parallel_loop3A_173 = arith.mulf %parallel_loop3A_137, %div3A : vector<16xf32>
      %parallel_loop3A_174 = arith.constant 576 : i32
      %parallel_loop3A_175 = arith.addi %parallel_loop3A_174, %parallel_loop3A_105 : i32
      %parallel_loop3A_176 = arith.index_cast %parallel_loop3A_175 : i32 to index
      %parallel_loop3A_177 = tpu.vector_load %arg19[%parallel_loop3A_176] {strides = array<i32>} : memref<864xf32, #tpu.memory_space<vmem>>, vector<16xf32>,
      tpu.vector_store %arg19[%parallel_loop3A_176], %parallel_loop3A_173 {strides = array<i32>} : memref<864xf32, #tpu.memory_space<vmem>>, vector<16xf32>,
    } {sc.loop_unroll_factor = 4 : i64, sc.parallel_access}
    %parallel_loop3A_77 = arith.constant 0 : i32
    %parallel_loop3A_78 = arith.constant 257 : i32
    %parallel_loop3A_79 = arith.constant 1 : i32
    scf.for %parallel_loop3A_105 = %parallel_loop3A_77 to %parallel_loop3A_78 step %parallel_loop3A_79  : i32 {
      %parallel_loop3A_106 = arith.constant 0 : i32
      %parallel_loop3A_107 = arith.addi %parallel_loop3A_106, %parallel_loop3A_105 : i32
      %parallel_loop3A_108 = arith.index_cast %parallel_loop3A_107 : i32 to index
      %parallel_loop3A_109 = tpu.vector_load %arg19[%parallel_loop3A_108] {strides = array<i32>} : memref<864xf32, #tpu.memory_space<vmem>>, vector<16xf32>,
      %parallel_loop3A_110 = vector.extract_strided_slice %parallel_loop3A_109 {offsets = [0], sizes = [1], strides = [1]} : vector<16xf32> to vector<1xf32>
      %parallel_loop3A_111 = vector.extract %parallel_loop3A_110[0] : f32 from vector<1xf32>
      %parallel_loop3A_112 = vector.broadcast %parallel_loop3A_111 : f32 to vector<16xf32>
      %parallel_loop3A_113 = arith.addf %parallel_loop3A_112, %broadcast_in_dim3A_3 : vector<16xf32>
      %parallel_loop3A_114 = arith.constant 16 : i32
      %parallel_loop3A_115 = arith.muli %parallel_loop3A_105, %parallel_loop3A_114 : i32
      %parallel_loop3A_116 = arith.index_cast %parallel_loop3A_115 : i32 to index
      %parallel_loop3A_117 = tpu.vector_load %arg20[%parallel_loop3A_116] {strides = array<i32>} : memref<4608xf32, #tpu.memory_space<vmem>>, vector<16xf32>,
      tpu.vector_store %arg20[%parallel_loop3A_116], %parallel_loop3A_113 {strides = array<i32>} : memref<4608xf32, #tpu.memory_space<vmem>>, vector<16xf32>,
    } {sc.loop_unroll_factor = 8 : i64, sc.parallel_access}
    %parallel_loop3A_80 = arith.constant 0 : i32
    %parallel_loop3A_81 = arith.constant 257 : i32
    %parallel_loop3A_82 = arith.constant 1 : i32
    scf.for %parallel_loop3A_105 = %parallel_loop3A_80 to %parallel_loop3A_81 step %parallel_loop3A_82  : i32 {
      %parallel_loop3A_106 = arith.constant 288 : i32
      %parallel_loop3A_107 = arith.addi %parallel_loop3A_106, %parallel_loop3A_105 : i32
      %parallel_loop3A_108 = arith.index_cast %parallel_loop3A_107 : i32 to index
      %parallel_loop3A_109 = tpu.vector_load %arg19[%parallel_loop3A_108] {strides = array<i32>} : memref<864xf32, #tpu.memory_space<vmem>>, vector<16xf32>,
      %parallel_loop3A_110 = vector.extract_strided_slice %parallel_loop3A_109 {offsets = [0], sizes = [1], strides = [1]} : vector<16xf32> to vector<1xf32>
      %parallel_loop3A_111 = vector.extract %parallel_loop3A_110[0] : f32 from vector<1xf32>
      %parallel_loop3A_112 = vector.broadcast %parallel_loop3A_111 : f32 to vector<16xf32>
      %parallel_loop3A_113 = arith.addf %parallel_loop3A_112, %broadcast_in_dim3A_3 : vector<16xf32>
      %parallel_loop3A_114 = arith.constant 16 : i32
      %parallel_loop3A_115 = arith.muli %parallel_loop3A_105, %parallel_loop3A_114 : i32
      %parallel_loop3A_116 = arith.index_cast %parallel_loop3A_115 : i32 to index
      %parallel_loop3A_117 = tpu.vector_load %arg21[%parallel_loop3A_116] {strides = array<i32>} : memref<4608xf32, #tpu.memory_space<vmem>>, vector<16xf32>,
      tpu.vector_store %arg21[%parallel_loop3A_116], %parallel_loop3A_113 {strides = array<i32>} : memref<4608xf32, #tpu.memory_space<vmem>>, vector<16xf32>,
    } {sc.loop_unroll_factor = 8 : i64, sc.parallel_access}
    %parallel_loop3A_83 = arith.constant 0 : i32
    %parallel_loop3A_84 = arith.constant 257 : i32
    %parallel_loop3A_85 = arith.constant 1 : i32
    scf.for %parallel_loop3A_105 = %parallel_loop3A_83 to %parallel_loop3A_84 step %parallel_loop3A_85  : i32 {
      %parallel_loop3A_106 = arith.constant 576 : i32
      %parallel_loop3A_107 = arith.addi %parallel_loop3A_106, %parallel_loop3A_105 : i32
      %parallel_loop3A_108 = arith.index_cast %parallel_loop3A_107 : i32 to index
      %parallel_loop3A_109 = tpu.vector_load %arg19[%parallel_loop3A_108] {strides = array<i32>} : memref<864xf32, #tpu.memory_space<vmem>>, vector<16xf32>,
      %parallel_loop3A_110 = vector.extract_strided_slice %parallel_loop3A_109 {offsets = [0], sizes = [1], strides = [1]} : vector<16xf32> to vector<1xf32>
      %parallel_loop3A_111 = vector.extract %parallel_loop3A_110[0] : f32 from vector<1xf32>
      %parallel_loop3A_112 = vector.broadcast %parallel_loop3A_111 : f32 to vector<16xf32>
      %parallel_loop3A_113 = arith.addf %parallel_loop3A_112, %broadcast_in_dim3A_3 : vector<16xf32>
      %parallel_loop3A_114 = arith.constant 16 : i32
      %parallel_loop3A_115 = arith.muli %parallel_loop3A_105, %parallel_loop3A_114 : i32
      %parallel_loop3A_116 = arith.index_cast %parallel_loop3A_115 : i32 to index
      %parallel_loop3A_117 = tpu.vector_load %arg22[%parallel_loop3A_116] {strides = array<i32>} : memref<4608xf32, #tpu.memory_space<vmem>>, vector<16xf32>,
      tpu.vector_store %arg22[%parallel_loop3A_116], %parallel_loop3A_113 {strides = array<i32>} : memref<4608xf32, #tpu.memory_space<vmem>>, vector<16xf32>,
    } {sc.loop_unroll_factor = 8 : i64, sc.parallel_access}
    %scan3A_86 = arith.constant 0 : i32
    %scan3A_87 = arith.constant 9 : i32
    %scan3A_88 = arith.addi %scan3A_86, %scan3A_87 : i32
    %scan3A_89 = arith.constant 1 : i32
    %scan3A_90:2 = scf.for %scan3A_105 = %scan3A_86 to %scan3A_88 step %scan3A_89 iter_args(%scan3A_106 = %broadcast_in_dim3A_3, %scan3A_107 = %broadcast_in_dim3A_3) -> (vector<16xf32>, vector<16xf32>)  : i32 {
      %mul3A_108 = arith.constant 2 : i32
      %mul3A_109 = arith.muli %mul3A_108, %scan3A_105 : i32
      %dma_wait3A = arith.constant 0 : i32
      %dma_wait3A_110 = tpu.memref_slice %arg2[%dma_wait3A] : memref<2000000xf32, #tpu.memory_space<hbm>> -> memref<3472xf32, #tpu.memory_space<hbm>>
      %dma_wait3A_111 = arith.constant 0 : i32
      %dma_wait3A_112 = tpu.memref_slice %arg2[%dma_wait3A_111] : memref<2000000xf32, #tpu.memory_space<hbm>> -> memref<3472xf32, #tpu.memory_space<hbm>>
      tpu.wait_dma2 semaphore(%arg25 : memref<!tpu.dma_semaphore, #tpu.memory_space<semaphore_mem>>) src(%dma_wait3A_112 : memref<3472xf32, #tpu.memory_space<hbm>>) dst(%arg7 : memref<3472xf32, #tpu.memory_space<vmem>>)
      %dma_wait3A_113 = arith.constant 0 : i32
      %dma_wait3A_114 = tpu.memref_slice %arg2[%dma_wait3A_113] : memref<2000000xf32, #tpu.memory_space<hbm>> -> memref<3472xf32, #tpu.memory_space<hbm>>
      %dma_wait3A_115 = arith.constant 0 : i32
      %dma_wait3A_116 = tpu.memref_slice %arg2[%dma_wait3A_115] : memref<2000000xf32, #tpu.memory_space<hbm>> -> memref<3472xf32, #tpu.memory_space<hbm>>
      tpu.wait_dma2 semaphore(%arg25 : memref<!tpu.dma_semaphore, #tpu.memory_space<semaphore_mem>>) src(%dma_wait3A_116 : memref<3472xf32, #tpu.memory_space<hbm>>) dst(%arg8 : memref<3472xf32, #tpu.memory_space<vmem>>)
      %dma_wait3A_117 = arith.constant 0 : i32
      %dma_wait3A_118 = tpu.memref_slice %arg2[%dma_wait3A_117] : memref<2000000xf32, #tpu.memory_space<hbm>> -> memref<3472xf32, #tpu.memory_space<hbm>>
      %dma_wait3A_119 = arith.constant 0 : i32
      %dma_wait3A_120 = tpu.memref_slice %arg2[%dma_wait3A_119] : memref<2000000xf32, #tpu.memory_space<hbm>> -> memref<3472xf32, #tpu.memory_space<hbm>>
      tpu.wait_dma2 semaphore(%arg25 : memref<!tpu.dma_semaphore, #tpu.memory_space<semaphore_mem>>) src(%dma_wait3A_120 : memref<3472xf32, #tpu.memory_space<hbm>>) dst(%arg9 : memref<3472xf32, #tpu.memory_space<vmem>>)
      %parallel_loop3A_121 = arith.constant 0 : i32
      %parallel_loop3A_122 = arith.constant 3472 : i32
      %parallel_loop3A_123 = arith.constant 16 : i32
      %parallel_loop3A_124:2 = scf.for %parallel_loop3A_155 = %parallel_loop3A_121 to %parallel_loop3A_122 step %parallel_loop3A_123 iter_args(%parallel_loop3A_156 = %scan3A_106, %parallel_loop3A_157 = %scan3A_107) -> (vector<16xf32>, vector<16xf32>)  : i32 {
        %parallel_loop3A_158 = arith.index_cast %parallel_loop3A_155 : i32 to index
        %parallel_loop3A_159 = tpu.vector_load %arg8[%parallel_loop3A_158] {strides = array<i32>} : memref<3472xf32, #tpu.memory_space<vmem>>, vector<16xf32>,
        %parallel_loop3A_160 = arith.index_cast %parallel_loop3A_155 : i32 to index
        %parallel_loop3A_161 = tpu.vector_load %arg9[%parallel_loop3A_160] {strides = array<i32>} : memref<3472xf32, #tpu.memory_space<vmem>>, vector<16xf32>,
        %parallel_loop3A_162 = arith.index_cast %parallel_loop3A_155 : i32 to index
        %parallel_loop3A_163 = tpu.vector_load %arg7[%parallel_loop3A_162] {strides = array<i32>} : memref<3472xf32, #tpu.memory_space<vmem>>, vector<16xf32>,
        %parallel_loop3A_164 = arith.constant 5.000000e-01 : f32
        %parallel_loop3A_165 = vector.broadcast %parallel_loop3A_164 : f32 to vector<16xf32>
        %parallel_loop3A_166 = arith.cmpf ogt, %parallel_loop3A_163, %parallel_loop3A_165 : vector<16xf32>
        %parallel_loop3A_167 = arith.constant 0.000000e+00 : f32
        %parallel_loop3A_168 = vector.broadcast %parallel_loop3A_167 : f32 to vector<16xf32>
        %parallel_loop3A_169 = arith.select %parallel_loop3A_166, %parallel_loop3A_168, %parallel_loop3A_161 : vector<16xi1>, vector<16xf32>
        %parallel_loop3A_170 = arith.constant -1.500000e-01 : f32
        %parallel_loop3A_171 = vector.broadcast %parallel_loop3A_170 : f32 to vector<16xf32>
        %parallel_loop3A_172 = arith.addf %parallel_loop3A_159, %parallel_loop3A_171 : vector<16xf32>
        %parallel_loop3A_173 = arith.constant -8.000000e+00 : f32
        %parallel_loop3A_174 = arith.constant 8.000000e+00 : f32
        %parallel_loop3A_175 = vector.broadcast %parallel_loop3A_173 : f32 to vector<16xf32>
        %parallel_loop3A_176 = arith.maximumf %parallel_loop3A_175, %parallel_loop3A_172 : vector<16xf32>
        %parallel_loop3A_177 = vector.broadcast %parallel_loop3A_174 : f32 to vector<16xf32>
        %parallel_loop3A_178 = arith.minimumf %parallel_loop3A_177, %parallel_loop3A_176 : vector<16xf32>
        %parallel_loop3A_179 = arith.constant -8.000000e+00 : f32
        %parallel_loop3A_180 = vector.broadcast %parallel_loop3A_179 : f32 to vector<16xf32>
        %parallel_loop3A_181 = arith.subf %parallel_loop3A_178, %parallel_loop3A_180 : vector<16xf32>
        %parallel_loop3A_182 = arith.constant 1.600000e+01 : f32
        %parallel_loop3A_183 = vector.broadcast %parallel_loop3A_182 : f32 to vector<16xf32>
        %parallel_loop3A_184 = arith.mulf %parallel_loop3A_181, %parallel_loop3A_183 : vector<16xf32>
        %parallel_loop3A_185 = arith.fptosi %parallel_loop3A_184 : vector<16xf32> to vector<16xi32>
        %parallel_loop3A_186 = arith.constant 16 : i32
        %parallel_loop3A_187 = vector.broadcast %parallel_loop3A_186 : i32 to vector<16xi32>
        %parallel_loop3A_188 = arith.muli %parallel_loop3A_185, %parallel_loop3A_187 : vector<16xi32>
        %parallel_loop3A_189 = arith.addi %parallel_loop3A_188, %iota3A : vector<16xi32>
        %parallel_loop3A_190 = tpu.vector_load_idx %arg20[%parallel_loop3A_189] : memref<4608xf32, #tpu.memory_space<vmem>>[vector<16xi32>], vector<16xf32>,
        %parallel_loop3A_191 = tpu.vector_load_idx %arg21[%parallel_loop3A_189] : memref<4608xf32, #tpu.memory_space<vmem>>[vector<16xi32>], vector<16xf32>,
        %parallel_loop3A_192 = tpu.vector_load_idx %arg22[%parallel_loop3A_189] : memref<4608xf32, #tpu.memory_space<vmem>>[vector<16xi32>], vector<16xf32>,
        %parallel_loop3A_193 = arith.mulf %parallel_loop3A_192, %parallel_loop3A_159 : vector<16xf32>
        %parallel_loop3A_194 = arith.addf %parallel_loop3A_193, %parallel_loop3A_191 : vector<16xf32>
        %parallel_loop3A_195 = arith.mulf %parallel_loop3A_194, %parallel_loop3A_159 : vector<16xf32>
        %parallel_loop3A_196 = arith.addf %parallel_loop3A_195, %parallel_loop3A_190 : vector<16xf32>
        %parallel_loop3A_197 = arith.mulf %parallel_loop3A_169, %parallel_loop3A_196 : vector<16xf32>
        %parallel_loop3A_198 = arith.addf %parallel_loop3A_156, %parallel_loop3A_197 : vector<16xf32>
        %parallel_loop3A_199 = arith.addf %parallel_loop3A_157, %parallel_loop3A_169 : vector<16xf32>
        scf.yield %parallel_loop3A_198, %parallel_loop3A_199 : vector<16xf32>, vector<16xf32>
      } {sc.loop_unroll_factor = 7 : i64, sc.parallel_access}
      %add3A_125 = arith.constant 2 : i32
      %add3A_126 = arith.addi %mul3A_109, %add3A_125 : i32
      %lt3A_127 = arith.constant 18 : i32
      %lt3A_128 = arith.cmpi slt, %add3A_126, %lt3A_127 : i32
      %convert_element_type3A_129 = arith.extui %lt3A_128 : i1 to i32
      %cond3A_130 = arith.constant 0 : i32
      %cond3A_131 = arith.cmpi ne, %convert_element_type3A_129, %cond3A_130 : i32
      scf.if %cond3A_131 {
        %add3A_155 = arith.constant 2 : i32
        %add3A_156 = arith.addi %mul3A_109, %add3A_155 : i32
        %mul3A_157 = arith.constant 3472 : i32
        %mul3A_158 = arith.muli %add3A_156, %mul3A_157 : i32
        %add3A_159 = arith.addi %mul3A_2, %mul3A_158 : i32
        %dma_start3A_160 = tpu.memref_slice %arg2[%add3A_159] : memref<2000000xf32, #tpu.memory_space<hbm>> -> memref<3472xf32, #tpu.memory_space<hbm>>
        %dma_start3A_161 = tpu.memref_slice %arg2[%add3A_159] : memref<2000000xf32, #tpu.memory_space<hbm>> -> memref<3472xf32, #tpu.memory_space<hbm>>
        tpu.enqueue_dma source(%dma_start3A_161 : memref<3472xf32, #tpu.memory_space<hbm>>) target(%arg7 : memref<3472xf32, #tpu.memory_space<vmem>>) target_semaphore(%arg25 : memref<!tpu.dma_semaphore, #tpu.memory_space<semaphore_mem>>)
        %dma_start3A_162 = tpu.memref_slice %arg3[%add3A_159] : memref<2000000xf32, #tpu.memory_space<hbm>> -> memref<3472xf32, #tpu.memory_space<hbm>>
        %dma_start3A_163 = tpu.memref_slice %arg3[%add3A_159] : memref<2000000xf32, #tpu.memory_space<hbm>> -> memref<3472xf32, #tpu.memory_space<hbm>>
        tpu.enqueue_dma source(%dma_start3A_163 : memref<3472xf32, #tpu.memory_space<hbm>>) target(%arg8 : memref<3472xf32, #tpu.memory_space<vmem>>) target_semaphore(%arg25 : memref<!tpu.dma_semaphore, #tpu.memory_space<semaphore_mem>>)
        %dma_start3A_164 = tpu.memref_slice %arg4[%add3A_159] : memref<2000000xf32, #tpu.memory_space<hbm>> -> memref<3472xf32, #tpu.memory_space<hbm>>
        %dma_start3A_165 = tpu.memref_slice %arg4[%add3A_159] : memref<2000000xf32, #tpu.memory_space<hbm>> -> memref<3472xf32, #tpu.memory_space<hbm>>
        tpu.enqueue_dma source(%dma_start3A_165 : memref<3472xf32, #tpu.memory_space<hbm>>) target(%arg9 : memref<3472xf32, #tpu.memory_space<vmem>>) target_semaphore(%arg25 : memref<!tpu.dma_semaphore, #tpu.memory_space<semaphore_mem>>)
      } else {
      }
      %dma_wait3A_132 = arith.constant 0 : i32
      %dma_wait3A_133 = tpu.memref_slice %arg2[%dma_wait3A_132] : memref<2000000xf32, #tpu.memory_space<hbm>> -> memref<3472xf32, #tpu.memory_space<hbm>>
      %dma_wait3A_134 = arith.constant 0 : i32
      %dma_wait3A_135 = tpu.memref_slice %arg2[%dma_wait3A_134] : memref<2000000xf32, #tpu.memory_space<hbm>> -> memref<3472xf32, #tpu.memory_space<hbm>>
      tpu.wait_dma2 semaphore(%arg26 : memref<!tpu.dma_semaphore, #tpu.memory_space<semaphore_mem>>) src(%dma_wait3A_135 : memref<3472xf32, #tpu.memory_space<hbm>>) dst(%arg10 : memref<3472xf32, #tpu.memory_space<vmem>>)
      %dma_wait3A_136 = arith.constant 0 : i32
      %dma_wait3A_137 = tpu.memref_slice %arg2[%dma_wait3A_136] : memref<2000000xf32, #tpu.memory_space<hbm>> -> memref<3472xf32, #tpu.memory_space<hbm>>
      %dma_wait3A_138 = arith.constant 0 : i32
      %dma_wait3A_139 = tpu.memref_slice %arg2[%dma_wait3A_138] : memref<2000000xf32, #tpu.memory_space<hbm>> -> memref<3472xf32, #tpu.memory_space<hbm>>
      tpu.wait_dma2 semaphore(%arg26 : memref<!tpu.dma_semaphore, #tpu.memory_space<semaphore_mem>>) src(%dma_wait3A_139 : memref<3472xf32, #tpu.memory_space<hbm>>) dst(%arg11 : memref<3472xf32, #tpu.memory_space<vmem>>)
      %dma_wait3A_140 = arith.constant 0 : i32
      %dma_wait3A_141 = tpu.memref_slice %arg2[%dma_wait3A_140] : memref<2000000xf32, #tpu.memory_space<hbm>> -> memref<3472xf32, #tpu.memory_space<hbm>>
      %dma_wait3A_142 = arith.constant 0 : i32
      %dma_wait3A_143 = tpu.memref_slice %arg2[%dma_wait3A_142] : memref<2000000xf32, #tpu.memory_space<hbm>> -> memref<3472xf32, #tpu.memory_space<hbm>>
      tpu.wait_dma2 semaphore(%arg26 : memref<!tpu.dma_semaphore, #tpu.memory_space<semaphore_mem>>) src(%dma_wait3A_143 : memref<3472xf32, #tpu.memory_space<hbm>>) dst(%arg12 : memref<3472xf32, #tpu.memory_space<vmem>>)
      %parallel_loop3A_144 = arith.constant 0 : i32
      %parallel_loop3A_145 = arith.constant 3472 : i32
      %parallel_loop3A_146 = arith.constant 16 : i32
      %parallel_loop3A_147:2 = scf.for %parallel_loop3A_155 = %parallel_loop3A_144 to %parallel_loop3A_145 step %parallel_loop3A_146 iter_args(%parallel_loop3A_156 = %parallel_loop3A_124#0, %parallel_loop3A_157 = %parallel_loop3A_124#1) -> (vector<16xf32>, vector<16xf32>)  : i32 {
        %parallel_loop3A_158 = arith.index_cast %parallel_loop3A_155 : i32 to index
        %parallel_loop3A_159 = tpu.vector_load %arg11[%parallel_loop3A_158] {strides = array<i32>} : memref<3472xf32, #tpu.memory_space<vmem>>, vector<16xf32>,
        %parallel_loop3A_160 = arith.index_cast %parallel_loop3A_155 : i32 to index
        %parallel_loop3A_161 = tpu.vector_load %arg12[%parallel_loop3A_160] {strides = array<i32>} : memref<3472xf32, #tpu.memory_space<vmem>>, vector<16xf32>,
        %parallel_loop3A_162 = arith.index_cast %parallel_loop3A_155 : i32 to index
        %parallel_loop3A_163 = tpu.vector_load %arg10[%parallel_loop3A_162] {strides = array<i32>} : memref<3472xf32, #tpu.memory_space<vmem>>, vector<16xf32>,
        %parallel_loop3A_164 = arith.constant 5.000000e-01 : f32
        %parallel_loop3A_165 = vector.broadcast %parallel_loop3A_164 : f32 to vector<16xf32>
        %parallel_loop3A_166 = arith.cmpf ogt, %parallel_loop3A_163, %parallel_loop3A_165 : vector<16xf32>
        %parallel_loop3A_167 = arith.constant 0.000000e+00 : f32
        %parallel_loop3A_168 = vector.broadcast %parallel_loop3A_167 : f32 to vector<16xf32>
        %parallel_loop3A_169 = arith.select %parallel_loop3A_166, %parallel_loop3A_168, %parallel_loop3A_161 : vector<16xi1>, vector<16xf32>
        %parallel_loop3A_170 = arith.constant -1.500000e-01 : f32
        %parallel_loop3A_171 = vector.broadcast %parallel_loop3A_170 : f32 to vector<16xf32>
        %parallel_loop3A_172 = arith.addf %parallel_loop3A_159, %parallel_loop3A_171 : vector<16xf32>
        %parallel_loop3A_173 = arith.constant -8.000000e+00 : f32
        %parallel_loop3A_174 = arith.constant 8.000000e+00 : f32
        %parallel_loop3A_175 = vector.broadcast %parallel_loop3A_173 : f32 to vector<16xf32>
        %parallel_loop3A_176 = arith.maximumf %parallel_loop3A_175, %parallel_loop3A_172 : vector<16xf32>
        %parallel_loop3A_177 = vector.broadcast %parallel_loop3A_174 : f32 to vector<16xf32>
        %parallel_loop3A_178 = arith.minimumf %parallel_loop3A_177, %parallel_loop3A_176 : vector<16xf32>
        %parallel_loop3A_179 = arith.constant -8.000000e+00 : f32
        %parallel_loop3A_180 = vector.broadcast %parallel_loop3A_179 : f32 to vector<16xf32>
        %parallel_loop3A_181 = arith.subf %parallel_loop3A_178, %parallel_loop3A_180 : vector<16xf32>
        %parallel_loop3A_182 = arith.constant 1.600000e+01 : f32
        %parallel_loop3A_183 = vector.broadcast %parallel_loop3A_182 : f32 to vector<16xf32>
        %parallel_loop3A_184 = arith.mulf %parallel_loop3A_181, %parallel_loop3A_183 : vector<16xf32>
        %parallel_loop3A_185 = arith.fptosi %parallel_loop3A_184 : vector<16xf32> to vector<16xi32>
        %parallel_loop3A_186 = arith.constant 16 : i32
        %parallel_loop3A_187 = vector.broadcast %parallel_loop3A_186 : i32 to vector<16xi32>
        %parallel_loop3A_188 = arith.muli %parallel_loop3A_185, %parallel_loop3A_187 : vector<16xi32>
        %parallel_loop3A_189 = arith.addi %parallel_loop3A_188, %iota3A : vector<16xi32>
        %parallel_loop3A_190 = tpu.vector_load_idx %arg20[%parallel_loop3A_189] : memref<4608xf32, #tpu.memory_space<vmem>>[vector<16xi32>], vector<16xf32>,
        %parallel_loop3A_191 = tpu.vector_load_idx %arg21[%parallel_loop3A_189] : memref<4608xf32, #tpu.memory_space<vmem>>[vector<16xi32>], vector<16xf32>,
        %parallel_loop3A_192 = tpu.vector_load_idx %arg22[%parallel_loop3A_189] : memref<4608xf32, #tpu.memory_space<vmem>>[vector<16xi32>], vector<16xf32>,
        %parallel_loop3A_193 = arith.mulf %parallel_loop3A_192, %parallel_loop3A_159 : vector<16xf32>
        %parallel_loop3A_194 = arith.addf %parallel_loop3A_193, %parallel_loop3A_191 : vector<16xf32>
        %parallel_loop3A_195 = arith.mulf %parallel_loop3A_194, %parallel_loop3A_159 : vector<16xf32>
        %parallel_loop3A_196 = arith.addf %parallel_loop3A_195, %parallel_loop3A_190 : vector<16xf32>
        %parallel_loop3A_197 = arith.mulf %parallel_loop3A_169, %parallel_loop3A_196 : vector<16xf32>
        %parallel_loop3A_198 = arith.addf %parallel_loop3A_156, %parallel_loop3A_197 : vector<16xf32>
        %parallel_loop3A_199 = arith.addf %parallel_loop3A_157, %parallel_loop3A_169 : vector<16xf32>
        scf.yield %parallel_loop3A_198, %parallel_loop3A_199 : vector<16xf32>, vector<16xf32>
      } {sc.loop_unroll_factor = 7 : i64, sc.parallel_access}
      %add3A_148 = arith.constant 3 : i32
      %add3A_149 = arith.addi %mul3A_109, %add3A_148 : i32
      %lt3A_150 = arith.constant 18 : i32
      %lt3A_151 = arith.cmpi slt, %add3A_149, %lt3A_150 : i32
      %convert_element_type3A_152 = arith.extui %lt3A_151 : i1 to i32
      %cond3A_153 = arith.constant 0 : i32
      %cond3A_154 = arith.cmpi ne, %convert_element_type3A_152, %cond3A_153 : i32
      scf.if %cond3A_154 {
        %add3A_155 = arith.constant 3 : i32
        %add3A_156 = arith.addi %mul3A_109, %add3A_155 : i32
        %mul3A_157 = arith.constant 3472 : i32
        %mul3A_158 = arith.muli %add3A_156, %mul3A_157 : i32
        %add3A_159 = arith.addi %mul3A_2, %mul3A_158 : i32
        %dma_start3A_160 = tpu.memref_slice %arg2[%add3A_159] : memref<2000000xf32, #tpu.memory_space<hbm>> -> memref<3472xf32, #tpu.memory_space<hbm>>
        %dma_start3A_161 = tpu.memref_slice %arg2[%add3A_159] : memref<2000000xf32, #tpu.memory_space<hbm>> -> memref<3472xf32, #tpu.memory_space<hbm>>
        tpu.enqueue_dma source(%dma_start3A_161 : memref<3472xf32, #tpu.memory_space<hbm>>) target(%arg10 : memref<3472xf32, #tpu.memory_space<vmem>>) target_semaphore(%arg26 : memref<!tpu.dma_semaphore, #tpu.memory_space<semaphore_mem>>)
        %dma_start3A_162 = tpu.memref_slice %arg3[%add3A_159] : memref<2000000xf32, #tpu.memory_space<hbm>> -> memref<3472xf32, #tpu.memory_space<hbm>>
        %dma_start3A_163 = tpu.memref_slice %arg3[%add3A_159] : memref<2000000xf32, #tpu.memory_space<hbm>> -> memref<3472xf32, #tpu.memory_space<hbm>>
        tpu.enqueue_dma source(%dma_start3A_163 : memref<3472xf32, #tpu.memory_space<hbm>>) target(%arg11 : memref<3472xf32, #tpu.memory_space<vmem>>) target_semaphore(%arg26 : memref<!tpu.dma_semaphore, #tpu.memory_space<semaphore_mem>>)
        %dma_start3A_164 = tpu.memref_slice %arg4[%add3A_159] : memref<2000000xf32, #tpu.memory_space<hbm>> -> memref<3472xf32, #tpu.memory_space<hbm>>
        %dma_start3A_165 = tpu.memref_slice %arg4[%add3A_159] : memref<2000000xf32, #tpu.memory_space<hbm>> -> memref<3472xf32, #tpu.memory_space<hbm>>
        tpu.enqueue_dma source(%dma_start3A_165 : memref<3472xf32, #tpu.memory_space<hbm>>) target(%arg12 : memref<3472xf32, #tpu.memory_space<vmem>>) target_semaphore(%arg26 : memref<!tpu.dma_semaphore, #tpu.memory_space<semaphore_mem>>)
      } else {
      }
      scf.yield %parallel_loop3A_147#0, %parallel_loop3A_147#1 : vector<16xf32>, vector<16xf32>
    }
    %scan3A_91 = arith.constant 9 : i32
    %lt3A = arith.constant 8 : i32
    %lt3A_92 = arith.cmpi slt, %add3A, %lt3A : i32
    %convert_element_type3A = arith.extui %lt3A_92 : i1 to i32
    %cond3A = arith.constant 0 : i32
    %cond3A_93 = arith.cmpi ne, %convert_element_type3A, %cond3A : i32
    %cond3A_94:2 = scf.if %cond3A_93 -> (vector<16xf32>, vector<16xf32>) {
      %mul3A_105 = arith.constant 16 : i32
      %mul3A_106 = arith.muli %add3A, %mul3A_105 : i32
      %add3A_107 = arith.constant 1999872 : i32
      %add3A_108 = arith.addi %add3A_107, %mul3A_106 : i32
      "tpu.region"() ({
        %run_scoped3A = tpu.sem_alloc : memref<!tpu.dma_semaphore, #tpu.memory_space<semaphore_mem>>
        %dma_start3A_143 = tpu.memref_slice %arg2[%add3A_108] : memref<2000000xf32, #tpu.memory_space<hbm>> -> memref<16xf32, #tpu.memory_space<hbm>>
        %dma_start3A_144 = tpu.memref_slice %arg2[%add3A_108] : memref<2000000xf32, #tpu.memory_space<hbm>> -> memref<16xf32, #tpu.memory_space<hbm>>
        tpu.enqueue_dma source(%dma_start3A_144 : memref<16xf32, #tpu.memory_space<hbm>>) target(%arg13 : memref<16xf32, #tpu.memory_space<vmem>>) target_semaphore(%run_scoped3A : memref<!tpu.dma_semaphore, #tpu.memory_space<semaphore_mem>>)
        %dma_wait3A = tpu.memref_slice %arg2[%add3A_108] : memref<2000000xf32, #tpu.memory_space<hbm>> -> memref<16xf32, #tpu.memory_space<hbm>>
        %dma_wait3A_145 = tpu.memref_slice %arg2[%add3A_108] : memref<2000000xf32, #tpu.memory_space<hbm>> -> memref<16xf32, #tpu.memory_space<hbm>>
        tpu.wait_dma2 semaphore(%run_scoped3A : memref<!tpu.dma_semaphore, #tpu.memory_space<semaphore_mem>>) src(%dma_wait3A_145 : memref<16xf32, #tpu.memory_space<hbm>>) dst(%arg13 : memref<16xf32, #tpu.memory_space<vmem>>)
        tpu.yield
      }) : () -> ()
      "tpu.region"() ({
        %run_scoped3A = tpu.sem_alloc : memref<!tpu.dma_semaphore, #tpu.memory_space<semaphore_mem>>
        %dma_start3A_143 = tpu.memref_slice %arg3[%add3A_108] : memref<2000000xf32, #tpu.memory_space<hbm>> -> memref<16xf32, #tpu.memory_space<hbm>>
        %dma_start3A_144 = tpu.memref_slice %arg3[%add3A_108] : memref<2000000xf32, #tpu.memory_space<hbm>> -> memref<16xf32, #tpu.memory_space<hbm>>
        tpu.enqueue_dma source(%dma_start3A_144 : memref<16xf32, #tpu.memory_space<hbm>>) target(%arg14 : memref<16xf32, #tpu.memory_space<vmem>>) target_semaphore(%run_scoped3A : memref<!tpu.dma_semaphore, #tpu.memory_space<semaphore_mem>>)
        %dma_wait3A = tpu.memref_slice %arg3[%add3A_108] : memref<2000000xf32, #tpu.memory_space<hbm>> -> memref<16xf32, #tpu.memory_space<hbm>>
        %dma_wait3A_145 = tpu.memref_slice %arg3[%add3A_108] : memref<2000000xf32, #tpu.memory_space<hbm>> -> memref<16xf32, #tpu.memory_space<hbm>>
        tpu.wait_dma2 semaphore(%run_scoped3A : memref<!tpu.dma_semaphore, #tpu.memory_space<semaphore_mem>>) src(%dma_wait3A_145 : memref<16xf32, #tpu.memory_space<hbm>>) dst(%arg14 : memref<16xf32, #tpu.memory_space<vmem>>)
        tpu.yield
      }) : () -> ()
      "tpu.region"() ({
        %run_scoped3A = tpu.sem_alloc : memref<!tpu.dma_semaphore, #tpu.memory_space<semaphore_mem>>
        %dma_start3A_143 = tpu.memref_slice %arg4[%add3A_108] : memref<2000000xf32, #tpu.memory_space<hbm>> -> memref<16xf32, #tpu.memory_space<hbm>>
        %dma_start3A_144 = tpu.memref_slice %arg4[%add3A_108] : memref<2000000xf32, #tpu.memory_space<hbm>> -> memref<16xf32, #tpu.memory_space<hbm>>
        tpu.enqueue_dma source(%dma_start3A_144 : memref<16xf32, #tpu.memory_space<hbm>>) target(%arg15 : memref<16xf32, #tpu.memory_space<vmem>>) target_semaphore(%run_scoped3A : memref<!tpu.dma_semaphore, #tpu.memory_space<semaphore_mem>>)
        %dma_wait3A = tpu.memref_slice %arg4[%add3A_108] : memref<2000000xf32, #tpu.memory_space<hbm>> -> memref<16xf32, #tpu.memory_space<hbm>>
        %dma_wait3A_145 = tpu.memref_slice %arg4[%add3A_108] : memref<2000000xf32, #tpu.memory_space<hbm>> -> memref<16xf32, #tpu.memory_space<hbm>>
        tpu.wait_dma2 semaphore(%run_scoped3A : memref<!tpu.dma_semaphore, #tpu.memory_space<semaphore_mem>>) src(%dma_wait3A_145 : memref<16xf32, #tpu.memory_space<hbm>>) dst(%arg15 : memref<16xf32, #tpu.memory_space<vmem>>)
        tpu.yield
      }) : () -> ()
      %get3A = arith.constant 0 : index
      %get3A_109 = tpu.vector_load %arg14[%get3A] {strides = array<i32>} : memref<16xf32, #tpu.memory_space<vmem>>, vector<16xf32>,
      %get3A_110 = arith.constant 0 : index
      %get3A_111 = tpu.vector_load %arg15[%get3A_110] {strides = array<i32>} : memref<16xf32, #tpu.memory_space<vmem>>, vector<16xf32>,
      %get3A_112 = arith.constant 0 : index
      %get3A_113 = tpu.vector_load %arg13[%get3A_112] {strides = array<i32>} : memref<16xf32, #tpu.memory_space<vmem>>, vector<16xf32>,
      %gt3A = arith.constant 5.000000e-01 : f32
      %gt3A_114 = vector.broadcast %gt3A : f32 to vector<16xf32>
      %gt3A_115 = arith.cmpf ogt, %get3A_113, %gt3A_114 : vector<16xf32>
      %jit3A = arith.constant 0.000000e+00 : f32
      %broadcast_in_dim3A_116 = vector.broadcast %jit3A : f32 to vector<16xf32>
      %select_n3A = arith.select %gt3A_115, %broadcast_in_dim3A_116, %get3A_111 : vector<16xi1>, vector<16xf32>
      %add3A_117 = arith.constant -1.500000e-01 : f32
      %add3A_118 = vector.broadcast %add3A_117 : f32 to vector<16xf32>
      %add3A_119 = arith.addf %get3A_109, %add3A_118 : vector<16xf32>
      %jit3A_120 = arith.constant -8.000000e+00 : f32
      %jit3A_121 = arith.constant 8.000000e+00 : f32
      %max3A = vector.broadcast %jit3A_120 : f32 to vector<16xf32>
      %max3A_122 = arith.maximumf %max3A, %add3A_119 : vector<16xf32>
      %min3A = vector.broadcast %jit3A_121 : f32 to vector<16xf32>
      %min3A_123 = arith.minimumf %min3A, %max3A_122 : vector<16xf32>
      %sub3A = arith.constant -8.000000e+00 : f32
      %sub3A_124 = vector.broadcast %sub3A : f32 to vector<16xf32>
      %sub3A_125 = arith.subf %min3A_123, %sub3A_124 : vector<16xf32>
      %mul3A_126 = arith.constant 1.600000e+01 : f32
      %mul3A_127 = vector.broadcast %mul3A_126 : f32 to vector<16xf32>
      %mul3A_128 = arith.mulf %sub3A_125, %mul3A_127 : vector<16xf32>
      %convert_element_type3A_129 = arith.fptosi %mul3A_128 : vector<16xf32> to vector<16xi32>
      %mul3A_130 = arith.constant 16 : i32
      %mul3A_131 = vector.broadcast %mul3A_130 : i32 to vector<16xi32>
      %mul3A_132 = arith.muli %convert_element_type3A_129, %mul3A_131 : vector<16xi32>
      %add3A_133 = arith.addi %mul3A_132, %iota3A : vector<16xi32>
      %gather3A = tpu.vector_load_idx %arg20[%add3A_133] : memref<4608xf32, #tpu.memory_space<vmem>>[vector<16xi32>], vector<16xf32>,
      %gather3A_134 = tpu.vector_load_idx %arg21[%add3A_133] : memref<4608xf32, #tpu.memory_space<vmem>>[vector<16xi32>], vector<16xf32>,
      %gather3A_135 = tpu.vector_load_idx %arg22[%add3A_133] : memref<4608xf32, #tpu.memory_space<vmem>>[vector<16xi32>], vector<16xf32>,
      %mul3A_136 = arith.mulf %gather3A_135, %get3A_109 : vector<16xf32>
      %add3A_137 = arith.addf %mul3A_136, %gather3A_134 : vector<16xf32>
      %mul3A_138 = arith.mulf %add3A_137, %get3A_109 : vector<16xf32>
      %add3A_139 = arith.addf %mul3A_138, %gather3A : vector<16xf32>
      %mul3A_140 = arith.mulf %select_n3A, %add3A_139 : vector<16xf32>
      %add3A_141 = arith.addf %scan3A_90#0, %mul3A_140 : vector<16xf32>
      %add3A_142 = arith.addf %scan3A_90#1, %select_n3A : vector<16xf32>
      scf.yield %add3A_141, %add3A_142 : vector<16xf32>, vector<16xf32>
    } else {
      scf.yield %scan3A_90#0, %scan3A_90#1 : vector<16xf32>, vector<16xf32>
    }
    %swap3A_95 = arith.constant 0 : index
    %swap3A_96 = tpu.vector_load %arg23[%swap3A_95] {strides = array<i32>} : memref<16xf32, #tpu.memory_space<vmem>>, vector<16xf32>,
    tpu.vector_store %arg23[%swap3A_95], %cond3A_94#0 {strides = array<i32>} : memref<16xf32, #tpu.memory_space<vmem>>, vector<16xf32>,
    %swap3A_97 = arith.constant 0 : index
    %swap3A_98 = tpu.vector_load %arg24[%swap3A_97] {strides = array<i32>} : memref<16xf32, #tpu.memory_space<vmem>>, vector<16xf32>,
    tpu.vector_store %arg24[%swap3A_97], %cond3A_94#1 {strides = array<i32>} : memref<16xf32, #tpu.memory_space<vmem>>, vector<16xf32>,
    %mul3A_99 = arith.constant 16 : i32
    %mul3A_100 = arith.muli %add3A, %mul3A_99 : i32
    "tpu.region"() ({
      %run_scoped3A = tpu.sem_alloc : memref<!tpu.dma_semaphore, #tpu.memory_space<semaphore_mem>>
      %dma_start3A_105 = tpu.memref_slice %arg6[%mul3A_100] : memref<1024xf32, #tpu.memory_space<hbm>> -> memref<16xf32, #tpu.memory_space<hbm>>
      %dma_start3A_106 = tpu.memref_slice %arg6[%mul3A_100] : memref<1024xf32, #tpu.memory_space<hbm>> -> memref<16xf32, #tpu.memory_space<hbm>>
      tpu.enqueue_dma source(%arg23 : memref<16xf32, #tpu.memory_space<vmem>>) target(%dma_start3A_106 : memref<16xf32, #tpu.memory_space<hbm>>) target_semaphore(%run_scoped3A : memref<!tpu.dma_semaphore, #tpu.memory_space<semaphore_mem>>)
      %dma_wait3A = tpu.memref_slice %arg6[%mul3A_100] : memref<1024xf32, #tpu.memory_space<hbm>> -> memref<16xf32, #tpu.memory_space<hbm>>
      %dma_wait3A_107 = tpu.memref_slice %arg6[%mul3A_100] : memref<1024xf32, #tpu.memory_space<hbm>> -> memref<16xf32, #tpu.memory_space<hbm>>
      tpu.wait_dma2 semaphore(%run_scoped3A : memref<!tpu.dma_semaphore, #tpu.memory_space<semaphore_mem>>) src(%arg23 : memref<16xf32, #tpu.memory_space<vmem>>) dst(%dma_wait3A_107 : memref<16xf32, #tpu.memory_space<hbm>>)
      tpu.yield
    }) : () -> ()
    %add3A_101 = arith.constant 32 : i32
    %add3A_102 = arith.addi %add3A_101, %add3A : i32
    %mul3A_103 = arith.constant 16 : i32
    %mul3A_104 = arith.muli %add3A_102, %mul3A_103 : i32
    "tpu.region"() ({
      %run_scoped3A = tpu.sem_alloc : memref<!tpu.dma_semaphore, #tpu.memory_space<semaphore_mem>>
      %dma_start3A_105 = tpu.memref_slice %arg6[%mul3A_104] : memref<1024xf32, #tpu.memory_space<hbm>> -> memref<16xf32, #tpu.memory_space<hbm>>
      %dma_start3A_106 = tpu.memref_slice %arg6[%mul3A_104] : memref<1024xf32, #tpu.memory_space<hbm>> -> memref<16xf32, #tpu.memory_space<hbm>>
      tpu.enqueue_dma source(%arg24 : memref<16xf32, #tpu.memory_space<vmem>>) target(%dma_start3A_106 : memref<16xf32, #tpu.memory_space<hbm>>) target_semaphore(%run_scoped3A : memref<!tpu.dma_semaphore, #tpu.memory_space<semaphore_mem>>)
      %dma_wait3A = tpu.memref_slice %arg6[%mul3A_104] : memref<1024xf32, #tpu.memory_space<hbm>> -> memref<16xf32, #tpu.memory_space<hbm>>
      %dma_wait3A_107 = tpu.memref_slice %arg6[%mul3A_104] : memref<1024xf32, #tpu.memory_space<hbm>> -> memref<16xf32, #tpu.memory_space<hbm>>
      tpu.wait_dma2 semaphore(%run_scoped3A : memref<!tpu.dma_semaphore, #tpu.memory_space<semaphore_mem>>) src(%arg24 : memref<16xf32, #tpu.memory_space<vmem>>) dst(%dma_wait3A_107 : memref<16xf32, #tpu.memory_space<hbm>>)
      tpu.yield
    }) : () -> ()
    return
  }
}

module attributes {stable_mosaic.version = 14 : i64} {
  func.func @_final_body(%arg0: memref<2x512xf32, #tpu.memory_space<vmem>>, %arg1: memref<8x128xf32, #tpu.memory_space<vmem>>) attributes {dimension_semantics = [], scalar_prefetch = 0 : i64, scratch_operands = 0 : i64, tpu.core_type = #tpu.core_type<tc>} {
    %get3A = arith.constant 0 : index
    %get3A_0 = arith.constant 0 : index
    %get3A_1 = vector.load %arg0[%get3A, %get3A_0] : memref<2x512xf32, #tpu.memory_space<vmem>>, vector<1x512xf32>
    %get3A_2 = vector.shape_cast %get3A_1 : vector<1x512xf32> to vector<512xf32>
    %reduce_sum3A = vector.shape_cast %get3A_2 : vector<512xf32> to vector<1x512xf32>
    %reduce_sum3A_3 = arith.constant dense<0.000000e+00> : vector<1xf32>
    %reduce_sum3A_4 = vector.multi_reduction <add>, %reduce_sum3A, %reduce_sum3A_3 [1] : vector<1x512xf32> to vector<1xf32>
    %reduce_sum3A_5 = vector.shape_cast %reduce_sum3A_4 : vector<1xf32> to vector<1x1xf32>
    %reduce_sum3A_6 = vector.extract %reduce_sum3A_5[0, 0] : f32 from vector<1x1xf32>
    %get3A_7 = arith.constant 1 : index
    %get3A_8 = arith.constant 0 : index
    %get3A_9 = vector.load %arg0[%get3A_7, %get3A_8] : memref<2x512xf32, #tpu.memory_space<vmem>>, vector<1x512xf32>
    %get3A_10 = vector.shape_cast %get3A_9 : vector<1x512xf32> to vector<512xf32>
    %reduce_sum3A_11 = vector.shape_cast %get3A_10 : vector<512xf32> to vector<1x512xf32>
    %reduce_sum3A_12 = arith.constant dense<0.000000e+00> : vector<1xf32>
    %reduce_sum3A_13 = vector.multi_reduction <add>, %reduce_sum3A_11, %reduce_sum3A_12 [1] : vector<1x512xf32> to vector<1xf32>
    %reduce_sum3A_14 = vector.shape_cast %reduce_sum3A_13 : vector<1xf32> to vector<1x1xf32>
    %reduce_sum3A_15 = vector.extract %reduce_sum3A_14[0, 0] : f32 from vector<1x1xf32>
    %div3A = arith.divf %reduce_sum3A_6, %reduce_sum3A_15 : f32
    %broadcast_in_dim3A = vector.broadcast %div3A : f32 to vector<8x128xf32>
    %swap3A = arith.constant 0 : index
    %swap3A_16 = arith.constant 0 : index
    %swap3A_17 = vector.load %arg1[%swap3A, %swap3A_16] : memref<8x128xf32, #tpu.memory_space<vmem>>, vector<8x128xf32>
    tpu.vector_store %arg1[%swap3A, %swap3A_16], %broadcast_in_dim3A {strides = array<i32>} : memref<8x128xf32, #tpu.memory_space<vmem>>, vector<8x128xf32>,
    return
  }
}

</mosaic_0001>

<sc_bundles>
// kernel: kernel.5.cloned.1.call-start
scs
__scs_entry_jumppad:
0x0: {  	(pc) =	sbr.rel $0x88, $3  }
0x1: {  	(tag) =	ssettag $0x0;
	lr =	simm.s32 $0x1  }
0x2: {  	[smem:$0x3F9E] =	sst lr;
	_ =	strace $0xD0000000  }
0x3: {  	_ = 	snop  }
0x4: {  	_ = 	snop  }
0x5: {  	_ = 	snop  }
0x6: {  	_ = 	snop  }
0x7: {  	_ = 	snop  }
__scs_overlays_trampoline_lowered:
0x8: {  	[smem:$0x3FAD] =	sst s0  }
0x9: {  	[smem:$0x3FAE] =	sst s1  }
0xa: {  	[smem:$0x3FAF] =	sst s2  }
0xb: {  	[smem:$0x3FB0] =	sst s3  }
0xc: {  	[smem:$0x3FB1] =	sst s4  }
0xd: {  	[smem:$0x3FB2] =	sst s5  }
0xe: {  	[smem:$0x3FB3] =	sst s6  }
0xf: {  	[smem:$0x3FB4] =	sst s7  }
0x10: {  	[smem:$0x3FB5] =	sst s8  }
0x11: {  	[smem:$0x3FB6] =	sst s9;
	s0 =	simm.s32 @!p0 $0x0  }
0x12: {  	s1 =	sld [smem:$0x3F9C];
	s0 =	simm.s32 @p0 $0x1  }
0x13: {  	[smem:$0x3FB7] =	sst s0;
	s0 =	simm.s32 @!p1 $0x0  }
0x14: {  	s2 =	sld [smem:$0x3F9B];
	s0 =	simm.s32 @p1 $0x1  }
0x15: {  	[smem:$0x3FB8] =	sst s0;
	s0 =	simm.s32 @!p2 $0x0  }
0x16: {  	s3 =	sld [smem:$0x3FDB];
	s0 =	simm.s32 @p2 $0x1  }
0x17: {  	s4 =	simm.s32 $0x1BF5;
	[smem:$0x3FBA] =	sst s0  }
0x18: {  	s0 =	sld [smem:$0x3F9D];
	_ =	swait.ge [sflag:s4], $0x0  }
0x19: {  	s7 =	sld [smem:$0x3F9E]  }
0x1a: {  	s8 =	sadd.s32 $0xFFFFE003, lr  }
0x1b: {  	s9 =	sadd.s32 $0xFFFFFEF7, lr;
	s5 =	simm.s32 $0xFFFFFFFF;
	p2 =	slt.u32 s8, $0xFFFFF086  }
0x1c: {  	p1 =	slt.u32 s9, $0xF7A;
	s5 =	simm.s32 @!p2 $0x0  }
0x1d: {  	s5 =	simm.s32 @p1 $0x1;
	p0 =	seq.s32 s7, s2  }
0x1e: {  	s7 =	smul.u32 @!p0 $0xF7A, s2;
	p2 =	seq.s32 @!p0 s5, $0x0  }
0x1f: {  	s9 =	smul.u32 $0xF7A, s1;
	s8 =	simm.s32 @!p0 $0x1BF5;
	p2 =	por !p2, p0  }
0x20: {  	[sflag:s8] =	ssyncset.s32 @!p0 $0xFFFFF086;
	s6 =	sadd.s32 @!p0 s3, s7;
	s7 =	simm.s32 @!p0 $0x108  }
0x21: {  	s3 =	sadd.s32 s3, s9;
	s6 =	sadd.s32 @!p0 $0x88, s6;
	s7 =	simm.s32 @p2 $0x1082  }
0x22: {  	[simem:s7], [sflag:s8] =	dma.local @!p0 [hbm:s6], $0xF7A  }
0x23: {  	s9 =	sor.u32 $0xD0000000, s2;
	s6 =	simm.s32 $0x108;
	_ =	swait.ge @!p0 [sflag:s8], $0x0  }
0x24: {  	s3 =	sadd.s32 $0x88, s3;
	s6 =	simm.s32 @!p1 $0x1082;
	[sflag:s4] =	ssyncset.s32 $0xFFFFF086  }
0x25: {  	[simem:s6], [sflag:s4] =	dma.local [hbm:s3], $0xF7A  }
0x26: {  	[smem:$0x3F9E] =	sst s1;
	(tag) =	ssettag s2;
	_ =	strace s9  }
0x27: {  	s1 =	sld [smem:$0x3FAE]  }
0x28: {  	s2 =	sld [smem:$0x3FAF]  }
0x29: {  	s4 =	sld [smem:$0x3FB1]  }
0x2a: {  	p0 =	seq.s32 s5, $0x0;
	s5 =	sld [smem:$0x3FB2]  }
0x2b: {  	s6 =	sld [smem:$0x3FB3]  }
0x2c: {  	s7 =	sld [smem:$0x3FB4]  }
0x2d: {  	s3 =	simm.s32 $0x108;
	s8 =	sld [smem:$0x3FB5]  }
0x2e: {  	s3 =	simm.s32 @!p0 $0x1082;
	s9 =	sld [smem:$0x3FB6]  }
0x2f: {  	lr =	sadd.s32 s0, s3;
	s0 =	sld [smem:$0x3FAD]  }
0x30: {  	s3 =	sld [smem:$0x3FB0]  }
0x31: {  	[smem:$0x3FB9] =	sst s10  }
0x32: {  	s10 =	sld [smem:$0x3FB7];
	_ =	sdelay $0x3  }
0x33: {  	p0 =	seq.s32 s10, $0x1;
	s10 =	sld [smem:$0x3FB9];
	_ =	sdelay $0x3  }
0x34: {  	[smem:$0x3FB9] =	sst s10  }
0x35: {  	s10 =	sld [smem:$0x3FB8];
	_ =	sdelay $0x3  }
0x36: {  	p1 =	seq.s32 s10, $0x1;
	s10 =	sld [smem:$0x3FB9];
	_ =	sdelay $0x3  }
0x37: {  	[smem:$0x3FB9] =	sst s10  }
0x38: {  	s10 =	sld [smem:$0x3FBA]  }
0x39: {  	_ = 	snop;
	(pc) =	sbr.ind lr, $3  }
0x3a: {  	_ = 	snop  }
0x3b: {  	_ = 	snop  }
0x3c: {  	p2 =	seq.s32 s10, $0x1;
	s10 =	sld [smem:$0x3FB9]  }
0x3d: {  	_ =	shalt  }
0x3e: {  	_ =	shalt  }
0x3f: {  	_ =	shalt  }
0x40: {  	_ =	shalt  }
0x41: {  	_ =	shalt  }
0x42: {  	_ =	shalt  }
0x43: {  	_ =	shalt  }
0x44: {  	_ =	shalt  }
0x45: {  	_ =	shalt  }
0x46: {  	_ =	shalt  }
0x47: {  	_ =	shalt  }
0x48: {  	_ =	shalt  }
0x49: {  	_ =	shalt  }
0x4a: {  	_ =	shalt  }
0x4b: {  	_ =	shalt  }
0x4c: {  	_ =	shalt  }
0x4d: {  	_ =	shalt  }
0x4e: {  	_ =	shalt  }
0x4f: {  	_ =	shalt  }
0x50: {  	_ =	shalt  }
0x51: {  	_ =	shalt  }
0x52: {  	_ =	shalt  }
0x53: {  	_ =	shalt  }
0x54: {  	_ =	shalt  }
0x55: {  	_ =	shalt  }
0x56: {  	_ =	shalt  }
0x57: {  	_ =	shalt  }
0x58: {  	_ =	shalt  }
0x59: {  	_ =	shalt  }
0x5a: {  	_ =	shalt  }
0x5b: {  	_ =	shalt  }
0x5c: {  	_ =	shalt  }
0x5d: {  	_ =	shalt  }
0x5e: {  	_ =	shalt  }
0x5f: {  	_ =	shalt  }
0x60: {  	_ =	shalt  }
0x61: {  	_ =	shalt  }
0x62: {  	_ =	shalt  }
0x63: {  	_ =	shalt  }
0x64: {  	_ =	shalt  }
0x65: {  	_ =	shalt  }
0x66: {  	_ =	shalt  }
0x67: {  	_ =	shalt  }
0x68: {  	_ =	shalt  }
0x69: {  	_ =	shalt  }
0x6a: {  	_ =	shalt  }
0x6b: {  	_ =	shalt  }
0x6c: {  	_ =	shalt  }
0x6d: {  	_ =	shalt  }
0x6e: {  	_ =	shalt  }
0x6f: {  	_ =	shalt  }
0x70: {  	_ =	shalt  }
0x71: {  	_ =	shalt  }
0x72: {  	_ =	shalt  }
0x73: {  	_ =	shalt  }
0x74: {  	_ =	shalt  }
0x75: {  	_ =	shalt  }
0x76: {  	_ =	shalt  }
0x77: {  	_ =	shalt  }
0x78: {  	_ =	shalt  }
0x79: {  	_ =	shalt  }
0x7a: {  	_ =	shalt  }
0x7b: {  	_ =	shalt  }
0x7c: {  	_ =	shalt  }
0x7d: {  	_ =	shalt  }
0x7e: {  	_ =	shalt  }
0x7f: {  	_ =	shalt  }
0x80: {  	_ =	shalt  }
0x81: {  	_ =	shalt  }
0x82: {  	_ =	shalt  }
0x83: {  	_ =	shalt  }
0x84: {  	_ =	shalt  }
0x85: {  	_ =	shalt  }
0x86: {  	_ =	shalt  }
0x87: {  	_ =	shalt  }
.Lfunc_end0:
.L_simem_size_0:
called_computation_lowered:
.L_overlay_start_0:
0x88: {  	s2 =	sld [smem:$0x3FD9]  }
0x89: {  	s3 =	sld [smem:$0x3FFE];
	_ =	sdelay $0x1  }
0x8a: {  	s1 =	srdreg.scid  }
0x8b: {  	s0 =	sand.u32 $0x1, s1  }
0x8c: {  	s17 =	sshll.u32 s0, $0xA;
	s2 =	sadd.s32 s3, s2  }
0x8d: {  	s2 =	sadd.s32 s2, s17  }
0x8e: {  	[smem:$0x3FC5] =	sst s2  }
0x8f: {  	_ = 	snop  }
0x90: {  	s2 =	sld [smem:$0x3FC9]  }
0x91: {  	s18 =	sld [smem:$0x3FC8]  }
0x92: {  	s4 =	sld [smem:$0x3FC7];
	(tm) =	ssettm $0x1  }
0x93: {  	s5 =	sld [smem:$0x3FFB];
	_ =	sdelay $0x3  }
0x94: {  	_ =	strace s5  }
0x95: {  	s5 =	sld [smem:$0x3FFC];
	_ =	sdelay $0x3  }
0x96: {  	_ =	strace s5  }
0x97: {  	s5 =	sld [smem:$0x3FFD];
	_ =	sdelay $0x3  }
0x98: {  	_ =	strace s5  }
0x99: {  	_ =	strace $0x8FFFFFFF  }
0x9a: {  	s19 =	sld [smem:$0x3FDB];
	_ =	sdelay $0x1  }
0x9b: {  	s6 =	simm.s32 $_scs_section_size  }
0x9c: {  	s7 =	simm.s32 $_size__tile_overlayer_lowered;
	s8 =	simm.s32 $_tile_overlayer_lowered  }
0x9d: {  	s22 =	simm.s32 $0x1BFF;
	s21 =	sshll.u32 s8, $0x1;
	s5 =	sadd.s32 s6, s19  }
0x9e: {  	s9 =	simm.s32 $0x0;
	s20 =	sshll.u32 s7, $0x1;
	s7 =	sadd.s32 s21, s5  }
0x9f: {  	[timem:s9], [sflag:s22] =	dma.local [hbm:s7], s20  }
0xa0: {  	_ =	swait.ge [sflag:s22], s20  }
0xa1: {  	s6 =	ssub.s32 $0x0, s20;
	[sflag:s22] =	ssyncset.done $0x0  }
0xa2: {  	[sflag:s22] =	ssyncadd.s32 s6;
	_ =	sdelay $0x1  }
0xa3: {  	s23 =	simm.s32 $0x1B8B  }
0xa4: {  	_ =	swait.ge [sflag:s23], $0x1  }
0xa5: {  	[sflag:s23] =	ssyncset.done $0x0  }
0xa6: {  	s25 =	simm.s32 $0x1B8E;
	s24 =	sld [smem:$0x3FFE];
	[sflag:s23] =	ssyncadd.s32 $0xFFFFFFFF  }
0xa7: {  	s26 =	simm.s32 $execute0_lowered;
	[smem:$0x3FD2] =	sst s25  }
0xa8: {  	s7 =	sshll.u32 s26, $0x1;
	_ =	strace $0x80000046;
	[dreg:$0x1] =	wrdreg $0xFFFFFFFF  }
0xa9: {  	s28 =	simm.s32 $_size_execute0_lowered;
	s5 =	sadd.s32 s5, s7;
	[dreg:$0x0] =	wrdreg $0x0  }
0xaa: {  	s7 =	sshll.u32 s28, $0x1;
	[dreg:$0x2] =	wrdreg s5  }
0xab: {  	[dreg:$0x3] =	wrdreg s7  }
0xac: {  	[dreg:$0x4] =	wrdreg $0xC0  }
0xad: {  	_ =	task [dreg:s9], $0x5FFFF  }
0xae: {  	[dreg:$0x1] =	wrdreg $0xFFFFFFFF  }
0xaf: {  	[dreg:$0x0] =	wrdreg $0x60  }
0xb0: {  	[dreg:$0x2] =	wrdreg s2  }
0xb1: {  	[dreg:$0x3] =	wrdreg s18  }
0xb2: {  	[dreg:$0x4] =	wrdreg s4  }
0xb3: {  	[dreg:$0x5] =	wrdreg s24  }
0xb4: {  	[dreg:$0x6] =	wrdreg $0x9  }
0xb5: {  	_ =	task.clear_ibuf [dreg:s9], $0x7FFFF;
	_ =	strace $0x90000046  }
0xb6: {  	s29 =	simm.s32 $0x9;
	_ =	strace $0x80000048  }
0xb7: {  	_ =	swait.ge [sflag:s29], $0x1  }
0xb8: {  	[sflag:s29] =	ssyncadd.s32 $0xFFFFFFFF  }
0xb9: {  	_ =	strace $0x90000048  }
0xba: {  	_ =	sfence  }
0xbb: {  	s30 =	sld [smem:$0x0];
	_ =	sdelay $0x2  }
0xbc: {  	s31 =	sshll.u32 s1, $0xD;
	s1 =	sshrl.u32 s1, $0x2  }
0xbd: {  	s3 =	sand.u32 $0x4000, s31;
	s1 =	sadd.s32 s1, s30  }
0xbe: {  	s0 =	sor.u32 s3, s0;
	s1 =	sshll.u32 s1, $0x11  }
0xbf: {  	s0 =	sor.u32 s1, s0  }
0xc0: {  	s0 =	sadd.s32 $0x8F2B, s0  }
0xc1: {  	[sflag:s0] =	ssyncadd.remote.s32 $0x1  }
0xc2: {  	_ =	sfence.sel $0xFFFF  }
0xc3: {  	[dreg:$0x0] =	wrdreg $0xFFFFFFFF;
	(pc) =	sbr.abs _section_cstart, $3  }
0xc4: {  	[dreg:$0x1] =	wrdreg $0xFFFFFFFF  }
0xc5: {  	_ =	task.clear_ibuf [dreg:s9], $0x2FFFF;
	_ =	strace $0x9FFFFFFF  }
0xc6: {  	(tm) =	ssettm $0x7FFFFFFF  }
0xc7: {  	_ =	shalt  }
tec
execute0_lowered:
.L_overlay_start_1:
0x0: {  	(tag) =	ssettag $0x1  }
0x1: {  	s1 =	rddreg [dreg:$0x0]  }
0x2: {  	s2 =	rddreg [dreg:$0x1]  }
0x3: {  	s0 =	srdreg.scid;
	s4 =	rddreg [dreg:$0x2]  }
0x4: {  	s10 =	stileid.u32;
	s6 =	rddreg [dreg:$0x3];
	s5 =	simm.s32 $0x0  }
0x5: {  	s21 =	simm.s32 $0x7B00;
	s28 =	simm.s32 $0x11780;
	s29 =	simm.s32 $0x2  }
0x6: {  	s30 =	simm.s32 $0x12780;
	s0 =	sand.u32 $0x1, s0;
	s3 =	sshll.u32 s10, $0x1  }
0x7: {  	s31 =	simm.s32 $0x3;
	[smem:$0x7FF] =	sst s5;
	s3 =	sor.u32 s0, s3  }
0x8: {  	p0 =	sgt.u32 s10, $0x3;
	s0 =	ssub.s32 $0x2, s0;
	s7 =	smul.u32 $0x60, s3  }
0x9: {  	s8 =	smul.u32 $0xF420, s3;
	s9 =	sshrl.u32 s0, $0x1;
	s3 =	sshll.u32 s3, $0x1  }
0xa: {  	_ =	strace $0x80000047;
	s0 =	ssub.s32 s0, s9;
	s3 =	sor.u32 $0x3D080, s3  }
0xb: {  	s6 =	sadd.s32 s7, s6;
	s22 =	sshrl.u32 s8, $0x3;
	s12 =	sadd.s32 $0x5160, s8  }
0xc: {  	s13 =	sadd.s32 $0x7A10, s8;
	s14 =	sadd.s32 s1, s3;
	s15 =	sadd.s32 s2, s3  }
0xd: {  	s16 =	sadd.s32 s4, s3;
	s18 =	smax.u32 s0, $0x1;
	s23 =	sadd.s32 s1, s22  }
0xe: {  	s3 =	simm.s32 $0x0;
	s24 =	sadd.s32 s2, s22;
	[dreg:$0x5] =	wrdreg s23  }
0xf: {  	s11 =	sadd.s32 $0x516, s22;
	s7 =	sadd.s32 s4, s22;
	[dreg:$0x6] =	wrdreg s24  }
0x10: {  	s17 =	sadd.s32 $0x800, s6;
	s22 =	simm.s32 $0xA400;
	[dreg:$0x7] =	wrdreg s7  }
0x11: {  	s25 =	sadd.s32 s1, s11;
	s26 =	sadd.s32 s2, s11;
	s11 =	sadd.s32 s4, s11  }
0x12: {  	s23 =	simm.s32 $0xCD00;
	s24 =	simm.s32 $0x1;
	[dreg:$0x8] =	wrdreg s25  }
0x13: {  	v0 =	vimm.f32 $0.0e+00;
	v1 =	vlaneseq.u32;
	[dreg:$0x9] =	wrdreg s26;
	s25 =	simm.s32 $0xF780;
	s26 =	simm.s32 $0x10780  }
.LBB2_1:
0x14: {  	s0 =	rddreg [dreg:$0x5]  }
0x15: {  	[tilespmem:s5], [sflag:$0x1] =	stream.linear.gather [hbm4b:s0+s5], $0x28B0, $0x38;
	[tilespmem:$0x12A80] =	vst v63  }
0x16: {  	s8 =	rddreg [dreg:$0x6];
	s6 =	simm.s32 $0x2900  }
0x17: {  	[tilespmem:s6], [sflag:$0x1] =	stream.linear.gather [hbm4b:s8+s5], $0x28B0, $0x38;
	[tilespmem:$0x12A80] =	vst v63  }
0x18: {  	s9 =	rddreg [dreg:$0x7];
	s10 =	simm.s32 $0x5200  }
0x19: {  	[tilespmem:s10], [sflag:$0x1] =	stream.linear.gather [hbm4b:s9+s5], $0x28B0, $0x38;
	[tilespmem:$0x12A80] =	vst v63  }
0x1a: {  	s19 =	rddreg [dreg:$0x8]  }
0x1b: {  	[tilespmem:s21], [sflag:$0x2] =	stream.linear.gather [hbm4b:s19+s5], $0x28B0, $0x38;
	[tilespmem:$0x12A80] =	vst v63  }
0x1c: {  	s20 =	rddreg [dreg:$0x9]  }
0x1d: {  	[tilespmem:s22], [sflag:$0x2] =	stream.linear.gather [hbm4b:s20+s5], $0x28B0, $0x38;
	[tilespmem:$0x12A80] =	vst v63  }
0x1e: {  	s6 =	simm.s32 $0xF7C0  }
0x1f: {  	[tilespmem:s23], [sflag:$0x2] =	stream.linear.gather [hbm4b:s11+s5], $0x28B0, $0x38;
	[tilespmem:$0x12A80] =	vst v63  }
0x20: {  	[tilespmem:s6+$0xFFFFFFD0] =	vst v0  }
0x21: {  	[tilespmem:s6+$0x0] =	vst v0  }
0x22: {  	[tilespmem:s6+$0xFFFFFFC0] =	vst v0  }
0x23: {  	[tilespmem:s6+$0x30] =	vst v0  }
0x24: {  	[tilespmem:s6+$0xFFFFFFF0] =	vst v0  }
0x25: {  	[tilespmem:s6+$0xFFFFFFE0] =	vst v0  }
0x26: {  	[tilespmem:s6+$0x10] =	vst v0  }
0x27: {  	s19 =	simm.s32 $0x107C0;
	[tilespmem:s6+$0x20] =	vst v0  }
0x28: {  	[tilespmem:s19+$0xFFFFFFC0] =	vst v0  }
0x29: {  	[tilespmem:s19+$0x30] =	vst v0  }
0x2a: {  	[tilespmem:s19+$0x0] =	vst v0  }
0x2b: {  	[tilespmem:s19+$0x20] =	vst v0  }
0x2c: {  	[tilespmem:s19+$0x10] =	vst v0  }
0x2d: {  	[tilespmem:s19+$0xFFFFFFD0] =	vst v0  }
0x2e: {  	[tilespmem:s19+$0xFFFFFFE0] =	vst v0  }
0x2f: {  	s7 =	simm.s32 $0x117C0;
	[tilespmem:s19+$0xFFFFFFF0] =	vst v0  }
0x30: {  	[tilespmem:s7+$0xFFFFFFC0] =	vst v0  }
0x31: {  	[tilespmem:s7+$0x30] =	vst v0  }
0x32: {  	[tilespmem:s7+$0x20] =	vst v0  }
0x33: {  	[tilespmem:s7+$0x10] =	vst v0  }
0x34: {  	s8 =	simm.s32 $0x11840;
	s20 =	simm.s32 $0x0;
	[tilespmem:s7+$0xFFFFFFD0] =	vst v0  }
.LBB2_2:
0x35: {  	s20 =	sadd.s32 $0x80, s20;
	[tilespmem:s7+$0xFFFFFFE0] =	vst v0;
	s6 =	sadd.s32 $0x80, s6;
	s19 =	sadd.s32 $0x80, s19  }
0x36: {  	p1 =	slt.u32 s20, $0xF80;
	[tilespmem:s7+$0x0] =	vst v0  }
0x37: {  	[tilespmem:s7+$0xFFFFFFF0] =	vst v0;
	s7 =	smov.u32 s8  }
0x38: {  	[tilespmem:s6+$0xFFFFFFD0] =	vst v0  }
0x39: {  	[tilespmem:s6+$0x0] =	vst v0  }
0x3a: {  	[tilespmem:s6+$0xFFFFFFC0] =	vst v0  }
0x3b: {  	[tilespmem:s19+$0xFFFFFFC0] =	vst v0  }
0x3c: {  	[tilespmem:s8+$0xFFFFFFC0] =	vst v0  }
0x3d: {  	[tilespmem:s6+$0x30] =	vst v0  }
0x3e: {  	[tilespmem:s19+$0x30] =	vst v0  }
0x3f: {  	[tilespmem:s8+$0x30] =	vst v0  }
0x40: {  	[tilespmem:s19+$0x0] =	vst v0  }
0x41: {  	[tilespmem:s6+$0xFFFFFFF0] =	vst v0  }
0x42: {  	[tilespmem:s6+$0xFFFFFFE0] =	vst v0  }
0x43: {  	[tilespmem:s6+$0x10] =	vst v0  }
0x44: {  	[tilespmem:s6+$0x20] =	vst v0  }
0x45: {  	[tilespmem:s19+$0x20] =	vst v0  }
0x46: {  	[tilespmem:s8+$0x20] =	vst v0  }
0x47: {  	[tilespmem:s19+$0x10] =	vst v0  }
.Ltmp0:
0x48: {  	[tilespmem:s8+$0x10] =	vst v0;
	(pc) =	sbr.rel @p1 .LBB2_2-.Ltmp0, $4  }
0x49: {  	[tilespmem:s19+$0xFFFFFFD0] =	vst v0  }
0x4a: {  	[tilespmem:s19+$0xFFFFFFE0] =	vst v0  }
0x4b: {  	[tilespmem:s8+$0xFFFFFFD0] =	vst v0  }
0x4c: {  	s0 =	simm.s32 $0x0;
	s8 =	sadd.s32 $0x80, s8;
	[tilespmem:s19+$0xFFFFFFF0] =	vst v0  }
0x4d: {  	[tilespmem:s7+$0xFFFFFFE0] =	vst v0  }
0x4e: {  	[tilespmem:s7+$0x0] =	vst v0  }
0x4f: {  	[tilespmem:s7+$0xFFFFFFF0] =	vst v0  }
.LBB2_4:
0x50: {  	_ =	swait.ge [sflag:s24], $0x28B0  }
0x51: {  	[sflag:s24] =	ssyncset.done $0x0  }
0x52: {  	[sflag:s24] =	ssyncadd.s32 $0xFFFFD750  }
0x53: {  	_ =	swait.ge [sflag:s24], $0x28B0  }
0x54: {  	[sflag:s24] =	ssyncset.done $0x0  }
0x55: {  	[sflag:s24] =	ssyncadd.s32 $0xFFFFD750  }
0x56: {  	_ =	swait.ge [sflag:s24], $0x28B0  }
0x57: {  	[sflag:s24] =	ssyncset.done $0x0  }
0x58: {  	s6 =	simm.s32 $0x2930;
	[sflag:s24] =	ssyncadd.s32 $0xFFFFD750  }
0x59: {  	v6 =	vld [tilespmem:s6+$0xFFFFFFD0]  }
0x5a: {  	v7 =	vld [tilespmem:s6+$0x30]  }
0x5b: {  	v15 =	vld [tilespmem:s6+$0x20]  }
0x5c: {  	v2 =	vld [tilespmem:s6+$0x10]  }
0x5d: {  	v4 =	vld [tilespmem:s6+$0x0]  }
0x5e: {  	v3 =	vld [tilespmem:s6+$0xFFFFFFF0];
	_ =	sdelay $0x2  }
0x5f: {  	v8 =	vmax.f32 v6, $-8.000000000e+00  }
0x60: {  	v9 =	vmax.f32 v7, $-8.000000000e+00;
	v10 =	vmax.f32 v15, $-8.000000000e+00;
	v11 =	vmax.f32 v2, $-8.000000000e+00  }
0x61: {  	v5 =	vld [tilespmem:s6+$0xFFFFFFE0];
	v12 =	vmax.f32 v4, $-8.000000000e+00;
	v13 =	vmax.f32 v3, $-8.000000000e+00;
	v8 =	vmin.f32 v8, $8.000000000e+00  }
0x62: {  	v9 =	vmin.f32 v9, $8.000000000e+00;
	v10 =	vmin.f32 v10, $8.000000000e+00;
	v12 =	vmin.f32 v12, $8.000000000e+00  }
0x63: {  	v11 =	vmin.f32 v11, $8.000000000e+00;
	v8 =	vadd.f32 $8.000000000e+00, v8;
	v9 =	vadd.f32 $8.000000000e+00, v9  }
0x64: {  	v13 =	vmin.f32 v13, $8.000000000e+00;
	v10 =	vadd.f32 $8.000000000e+00, v10;
	v12 =	vadd.f32 $8.000000000e+00, v12  }
0x65: {  	v11 =	vadd.f32 $8.000000000e+00, v11;
	v13 =	vadd.f32 $8.000000000e+00, v13;
	v14 =	vmul.f32 $1.600000000e+01, v8  }
0x66: {  	s19 =	simm.s32 $0x5230;
	v8 =	vmax.f32 v5, $-8.000000000e+00;
	v10 =	vmul.f32 $1.600000000e+01, v10;
	v17 =	vmul.f32 $1.600000000e+01, v9  }
0x67: {  	s20 =	simm.s32 $0x30;
	v20 =	vld [tilespmem:s19+$0x20];
	v12 =	vmul.f32 $1.600000000e+01, v12;
	v11 =	vmul.f32 $1.600000000e+01, v11;
	v8 =	vmin.f32 v8, $8.000000000e+00  }
0x68: {  	v26 =	vld [tilespmem:s20+$0x30];
	v21 =	vmul.f32 $1.600000000e+01, v13;
	v16 =	vadd.f32 $8.000000000e+00, v8;
	v10 =	vtrunc.f32 v10  }
0x69: {  	v9 =	vld [tilespmem:s19+$0x0];
	v17 =	vtrunc.f32 v17;
	v18 =	vcvt.f32.s32 v10  }
0x6a: {  	v10 =	vtrunc.f32 v14;
	v14 =	vmul.f32 $1.600000000e+01, v16;
	v16 =	vld [tilespmem:s20+$0x20]  }
0x6b: {  	v13 =	vld [tilespmem:s19+$0xFFFFFFF0];
	v22 =	vtrunc.f32 v11;
	v11 =	vtrunc.f32 v21;
	vm0 =	vlt.s32 v18, $0xFF  }
0x6c: {  	v8 =	vld [tilespmem:s19+$0x10];
	v12 =	vtrunc.f32 v12;
	v14 =	vtrunc.f32 v14;
	v18 =	vnsel vm0, $0xFF, v18  }
0x6d: {  	v24 =	vcvt.f32.s32 v10;
	v10 =	vld [tilespmem:s20+$0x10];
	v19 =	vcvt.f32.s32 v14;
	v18 =	vshll.u32 v18, $0x4  }
0x6e: {  	v17 =	vcvt.f32.s32 v17;
	v23 =	vcvt.f32.s32 v11;
	v14 =	vld [tilespmem:s20+$0x0];
	v25 =	vor.u32 v1, v18  }
0x6f: {  	vm2 =	vlt.s32 v24, $0xFF;
	vm0 =	vlt.s32 v19, $0xFF;
	vm1 =	vgt.f32 v16, $5.000000000e-01;
	v16 =	vld [tilespmem:s20+$0xFFFFFFE0]  }
0x70: {  	v12 =	vcvt.f32.s32 v12;
	v24 =	vnsel vm2, $0xFF, v24;
	v18 =	vnsel vm0, $0xFF, v19;
	v19 =	vld [tilespmem:s20+$0xFFFFFFF0]  }
0x71: {  	vm2 =	vgt.f32 v26, $5.000000000e-01;
	v27 =	vnsel vm1, $0x0, v20;
	v21 =	vshll.u32 v18, $0x4;
	v18 =	vld [tilespmem:s19+$0xFFFFFFE0]  }
0x72: {  	vm0 =	vlt.s32 v17, $0xFF;
	vm1 =	vlt.s32 v23, $0xFF;
	v11 =	vor.u32 v1, v21;
	v21 =	vld [tilespmem:s19+$0xFFFFFFD0]  }
0x73: {  	v20 =	vcvt.f32.s32 v22;
	v22 =	vnsel vm1, $0xFF, v23;
	v23 =	vmul.f32 v27, v15;
	[tilespmem:v25+s25+$0x0] =	vst.idx.add.f32.msk $0xffff, v27  }
0x74: {  	v17 =	vnsel vm0, $0xFF, v17;
	vm0 =	vlt.s32 v12, $0xFF;
	v27 =	vshll.u32 v22, $0x4;
	v22 =	vld [tilespmem:s19+$0x30]  }
0x75: {  	v28 =	vnsel vm0, $0xFF, v12;
	v17 =	vshll.u32 v17, $0x4;
	v63 =	vmul.f32 v23, v15;
	[tilespmem:v25+s26+$0x0] =	vst.idx.add.f32.msk $0xffff, v23  }
0x76: {  	v17 =	vor.u32 v1, v17;
	v12 =	vor.u32 v1, v27;
	v27 =	vshll.u32 v28, $0x4;
	v23 =	vld [tilespmem:s20+$0xFFFFFFD0]  }
0x77: {  	s7 =	simm.s32 $0x29A0;
	s6 =	simm.s32 $0x0;
	v24 =	vshll.u32 v24, $0x4;
	vm0 =	vlt.s32 v20, $0xFF;
	v15 =	vor.u32 v1, v27;
	[tilespmem:v25+s28+$0x0] =	vst.idx.add.f32.msk $0xffff, v63  }
.LBB2_5:
0x78: {  	v25 =	vld [tilespmem:s7+$0xFFFFFFF0];
	s6 =	sadd.s32 $0x70, s6;
	v24 =	vor.u32 v1, v24;
	vm1 =	vgt.f32 v19, $5.000000000e-01;
	s19 =	sadd.s32 $0x70, s19;
	s20 =	sadd.s32 $0x70, s20  }
0x79: {  	v19 =	vld [tilespmem:s7+$0x0];
	p1 =	slt.u32 s6, $0x2840;
	v22 =	vnsel vm2, $0x0, v22  }
0x7a: {  	v26 =	vld [tilespmem:s7+$0xFFFFFFE0];
	v27 =	vmul.f32 v22, v7  }
0x7b: {  	vm2 =	vgt.f32 v23, $5.000000000e-01;
	[tilespmem:v17+s25+$0x0] =	vst.idx.add.f32.msk $0xffff, v22  }
0x7c: {  	v21 =	vnsel vm2, $0x0, v21;
	[tilespmem:v17+s26+$0x0] =	vst.idx.add.f32.msk $0xffff, v27;
	v7 =	vmul.f32 v27, v7  }
0x7d: {  	[tilespmem:v24+s25+$0x0] =	vst.idx.add.f32.msk $0xffff, v21;
	v21 =	vmul.f32 v21, v6  }
0x7e: {  	[tilespmem:v17+s28+$0x0] =	vst.idx.add.f32.msk $0xffff, v7  }
0x7f: {  	v7 =	vnsel vm0, $0xFF, v20;
	[tilespmem:v24+s26+$0x0] =	vst.idx.add.f32.msk $0xffff, v21;
	v6 =	vmul.f32 v21, v6  }
0x80: {  	v7 =	vshll.u32 v7, $0x4;
	v20 =	vld [tilespmem:s7+$0x10]  }
0x81: {  	vm0 =	vgt.f32 v16, $5.000000000e-01;
	v16 =	vor.u32 v1, v7;
	[tilespmem:v24+s28+$0x0] =	vst.idx.add.f32.msk $0xffff, v6  }
0x82: {  	v7 =	vnsel vm0, $0x0, v18;
	v6 =	vld [tilespmem:s7+$0xFFFFFFD0]  }
0x83: {  	v18 =	vmul.f32 v7, v5;
	[tilespmem:v11+s25+$0x0] =	vst.idx.add.f32.msk $0xffff, v7  }
0x84: {  	v7 =	vld [tilespmem:s7+$0x30]  }
0x85: {  	vm0 =	vgt.f32 v14, $5.000000000e-01;
	v21 =	vmul.f32 v18, v5;
	v5 =	vmov v26;
	v17 =	vld [tilespmem:s7+$0x20]  }
0x86: {  	v13 =	vnsel vm1, $0x0, v13;
	v9 =	vnsel vm0, $0x0, v9;
	vm0 =	vgt.f32 v10, $5.000000000e-01;
	[tilespmem:v11+s26+$0x0] =	vst.idx.add.f32.msk $0xffff, v18  }
0x87: {  	v10 =	vmul.f32 v9, v4;
	v8 =	vnsel vm0, $0x0, v8;
	[tilespmem:v12+s25+$0x0] =	vst.idx.add.f32.msk $0xffff, v13  }
0x88: {  	v13 =	vmul.f32 v13, v3;
	[tilespmem:v16+s25+$0x0] =	vst.idx.add.f32.msk $0xffff, v8;
	v8 =	vmul.f32 v8, v2  }
0x89: {  	v14 =	vmax.f32 v6, $-8.000000000e+00;
	[tilespmem:v15+s25+$0x0] =	vst.idx.add.f32.msk $0xffff, v9;
	v9 =	vmul.f32 v10, v4;
	v4 =	vmov v19  }
0x8a: {  	v14 =	vmin.f32 v14, $8.000000000e+00;
	v18 =	vmax.f32 v7, $-8.000000000e+00;
	[tilespmem:v12+s26+$0x0] =	vst.idx.add.f32.msk $0xffff, v13;
	v13 =	vmul.f32 v13, v3;
	v3 =	vmovc v25  }
0x8b: {  	v14 =	vadd.f32 $8.000000000e+00, v14;
	v19 =	vmax.f32 v17, $-8.000000000e+00;
	v18 =	vmin.f32 v18, $8.000000000e+00;
	[tilespmem:v15+s26+$0x0] =	vst.idx.add.f32.msk $0xffff, v10  }
0x8c: {  	v10 =	vmax.f32 v20, $-8.000000000e+00;
	v19 =	vmin.f32 v19, $8.000000000e+00;
	v18 =	vadd.f32 $8.000000000e+00, v18;
	[tilespmem:v15+s28+$0x0] =	vst.idx.add.f32.msk $0xffff, v9  }
0x8d: {  	v9 =	vmax.f32 v4, $-8.000000000e+00;
	v15 =	vadd.f32 $8.000000000e+00, v19;
	[tilespmem:v11+s28+$0x0] =	vst.idx.add.f32.msk $0xffff, v21;
	v11 =	vmul.f32 v8, v2;
	v2 =	vmovc v20  }
0x8e: {  	v19 =	vmax.f32 v3, $-8.000000000e+00;
	v10 =	vmin.f32 v10, $8.000000000e+00;
	v9 =	vmin.f32 v9, $8.000000000e+00;
	[tilespmem:v16+s26+$0x0] =	vst.idx.add.f32.msk $0xffff, v8  }
0x8f: {  	v14 =	vmul.f32 $1.600000000e+01, v14;
	v8 =	vmax.f32 v5, $-8.000000000e+00;
	v15 =	vmul.f32 $1.600000000e+01, v15;
	[tilespmem:v16+s28+$0x0] =	vst.idx.add.f32.msk $0xffff, v11  }
0x90: {  	v10 =	vadd.f32 $8.000000000e+00, v10;
	v8 =	vmin.f32 v8, $8.000000000e+00;
	v11 =	vadd.f32 $8.000000000e+00, v9;
	[tilespmem:v12+s28+$0x0] =	vst.idx.add.f32.msk $0xffff, v13  }
0x91: {  	v12 =	vadd.f32 $8.000000000e+00, v8;
	v13 =	vtrunc.f32 v15;
	v15 =	vmul.f32 $1.600000000e+01, v18;
	v8 =	vld [tilespmem:s19+$0x10]  }
0x92: {  	v16 =	vmin.f32 v19, $8.000000000e+00;
	v11 =	vmul.f32 $1.600000000e+01, v11;
	v13 =	vcvt.f32.s32 v13;
	v9 =	vld [tilespmem:s19+$0x0]  }
0x93: {  	v14 =	vtrunc.f32 v14;
	v16 =	vadd.f32 $8.000000000e+00, v16;
	v12 =	vmul.f32 $1.600000000e+01, v12;
	v18 =	vld [tilespmem:s20+$0x20]  }
0x94: {  	v19 =	vmul.f32 $1.600000000e+01, v10;
	v15 =	vtrunc.f32 v15;
	vm0 =	vlt.s32 v13, $0xFF;
	v20 =	vld [tilespmem:s19+$0x20]  }
0x95: {  	v24 =	vcvt.f32.s32 v14;
	v12 =	vtrunc.f32 v12;
	v13 =	vnsel vm0, $0xFF, v13;
	v10 =	vld [tilespmem:s20+$0x10]  }
0x96: {  	v16 =	vmul.f32 $1.600000000e+01, v16;
	v12 =	vcvt.f32.s32 v12;
	v21 =	vshll.u32 v13, $0x4;
	v14 =	vld [tilespmem:s20+$0x0]  }
0x97: {  	v22 =	vtrunc.f32 v19;
	v15 =	vcvt.f32.s32 v15;
	v25 =	vor.u32 v1, v21;
	v13 =	vld [tilespmem:s19+$0xFFFFFFF0]  }
0x98: {  	v21 =	vtrunc.f32 v16;
	vm1 =	vlt.s32 v12, $0xFF;
	vm2 =	vgt.f32 v18, $5.000000000e-01;
	v26 =	vld [tilespmem:s20+$0x30]  }
0x99: {  	v23 =	vtrunc.f32 v11;
	vm0 =	vlt.s32 v24, $0xFF;
	v12 =	vnsel vm1, $0xFF, v12;
	v16 =	vld [tilespmem:s20+$0xFFFFFFE0]  }
0x9a: {  	v11 =	vshll.u32 v12, $0x4;
	v12 =	vcvt.f32.s32 v21;
	v27 =	vnsel vm2, $0x0, v20;
	v19 =	vld [tilespmem:s20+$0xFFFFFFF0]  }
0x9b: {  	v23 =	vcvt.f32.s32 v23;
	vm1 =	vlt.s32 v15, $0xFF;
	v11 =	vor.u32 v1, v11;
	v18 =	vld [tilespmem:s19+$0xFFFFFFE0]  }
0x9c: {  	v20 =	vcvt.f32.s32 v22;
	v15 =	vnsel vm1, $0xFF, v15;
	vm2 =	vlt.s32 v12, $0xFF;
	[tilespmem:v25+s25+$0x0] =	vst.idx.add.f32.msk $0xffff, v27  }
.Ltmp1:
0x9d: {  	vm1 =	vlt.s32 v23, $0xFF;
	v12 =	vnsel vm2, $0xFF, v12;
	v27 =	vmul.f32 v27, v17;
	v21 =	vld [tilespmem:s19+$0xFFFFFFD0];
	(pc) =	sbr.rel @p1 .LBB2_5-.Ltmp1, $4  }
0x9e: {  	v23 =	vnsel vm1, $0xFF, v23;
	v28 =	vshll.u32 v15, $0x4;
	v12 =	vshll.u32 v12, $0x4;
	v22 =	vld [tilespmem:s19+$0x30]  }
0x9f: {  	v15 =	vshll.u32 v23, $0x4;
	v12 =	vor.u32 v1, v12;
	[tilespmem:v25+s26+$0x0] =	vst.idx.add.f32.msk $0xffff, v27;
	v27 =	vmul.f32 v27, v17  }
0xa0: {  	v24 =	vnsel vm0, $0xFF, v24;
	v15 =	vor.u32 v1, v15;
	v17 =	vor.u32 v1, v28;
	v23 =	vld [tilespmem:s20+$0xFFFFFFD0]  }
0xa1: {  	s7 =	sadd.s32 $0x70, s7;
	v24 =	vshll.u32 v24, $0x4;
	vm0 =	vlt.s32 v20, $0xFF;
	vm2 =	vgt.f32 v26, $5.000000000e-01;
	[tilespmem:v25+s28+$0x0] =	vst.idx.add.f32.msk $0xffff, v27  }
0xa2: {  	_ =	sdelay $0x1  }
0xa3: {  	v24 =	vor.u32 v1, v24  }
0xa4: {  	v20 =	vnsel vm0, $0xFF, v20;
	vm0 =	vgt.f32 v16, $5.000000000e-01;
	v22 =	vnsel vm2, $0x0, v22  }
0xa5: {  	v16 =	vnsel vm0, $0x0, v18;
	vm0 =	vgt.f32 v19, $5.000000000e-01;
	[tilespmem:v17+s25+$0x0] =	vst.idx.add.f32.msk $0xffff, v22  }
0xa6: {  	v25 =	vmul.f32 v22, v7;
	[tilespmem:v11+s25+$0x0] =	vst.idx.add.f32.msk $0xffff, v16;
	v13 =	vnsel vm0, $0x0, v13  }
0xa7: {  	vm1 =	vgt.f32 v23, $5.000000000e-01;
	[tilespmem:v12+s25+$0x0] =	vst.idx.add.f32.msk $0xffff, v13  }
0xa8: {  	v13 =	vmul.f32 v13, v3;
	v21 =	vnsel vm1, $0x0, v21;
	[tilespmem:v17+s26+$0x0] =	vst.idx.add.f32.msk $0xffff, v25  }
0xa9: {  	v7 =	vmul.f32 v25, v7;
	[tilespmem:v24+s25+$0x0] =	vst.idx.add.f32.msk $0xffff, v21  }
0xaa: {  	vm1 =	vgt.f32 v14, $5.000000000e-01;
	[tilespmem:v12+s26+$0x0] =	vst.idx.add.f32.msk $0xffff, v13  }
0xab: {  	v22 =	vmul.f32 v21, v6;
	v9 =	vnsel vm1, $0x0, v9;
	[tilespmem:v17+s28+$0x0] =	vst.idx.add.f32.msk $0xffff, v7  }
0xac: {  	v3 =	vmul.f32 v13, v3;
	[tilespmem:v15+s25+$0x0] =	vst.idx.add.f32.msk $0xffff, v9  }
0xad: {  	vm0 =	vgt.f32 v10, $5.000000000e-01;
	v7 =	vshll.u32 v20, $0x4;
	v10 =	vmul.f32 v9, v4;
	[tilespmem:v24+s26+$0x0] =	vst.idx.add.f32.msk $0xffff, v22  }
0xae: {  	v6 =	vmul.f32 v22, v6;
	v7 =	vor.u32 v1, v7;
	[tilespmem:v12+s28+$0x0] =	vst.idx.add.f32.msk $0xffff, v3  }
0xaf: {  	v4 =	vmul.f32 v10, v4;
	[tilespmem:v15+s26+$0x0] =	vst.idx.add.f32.msk $0xffff, v10  }
0xb0: {  	[tilespmem:v24+s28+$0x0] =	vst.idx.add.f32.msk $0xffff, v6;
	v6 =	vmul.f32 v16, v5  }
0xb1: {  	p1 =	seq.s32 s0, $0x2;
	v8 =	vnsel vm0, $0x0, v8;
	[tilespmem:v15+s28+$0x0] =	vst.idx.add.f32.msk $0xffff, v4  }
0xb2: {  	s6 =	smul.u32 @!p1 $0x5160, s0;
	[tilespmem:v11+s26+$0x0] =	vst.idx.add.f32.msk $0xffff, v6;
	v5 =	vmul.f32 v6, v5;
	v6 =	vmul.f32 v8, v2  }
0xb3: {  	[tilespmem:v7+s25+$0x0] =	vst.idx.add.f32.msk $0xffff, v8  }
0xb4: {  	s6 =	sadd.s32 @!p1 s6, s12;
	[tilespmem:v11+s28+$0x0] =	vst.idx.add.f32.msk $0xffff, v5;
	v2 =	vmul.f32 v6, v2  }
0xb5: {  	s6 =	sshrl.u32 @!p1 s6, $0x3;
	[tilespmem:v7+s26+$0x0] =	vst.idx.add.f32.msk $0xffff, v6  }
0xb6: {  	s8 =	simm.s32 @!p1 $0x0;
	s7 =	sadd.s32 @!p1 s1, s6;
	[tilespmem:v7+s28+$0x0] =	vst.idx.add.f32.msk $0xffff, v2  }
0xb7: {  	[tilespmem:s8], [sflag:$0x1] =	stream.linear.gather @!p1 [hbm4b:s7+s8], $0x28B0, $0x38;
	[tilespmem:$0x12A80] =	vst v63  }
0xb8: {  	s19 =	simm.s32 @!p1 $0x2900;
	s7 =	sadd.s32 @!p1 s2, s6  }
0xb9: {  	[tilespmem:s19], [sflag:$0x1] =	stream.linear.gather @!p1 [hbm4b:s7+s8], $0x28B0, $0x38;
	[tilespmem:$0x12A80] =	vst v63  }
0xba: {  	s6 =	sadd.s32 @!p1 s4, s6;
	s7 =	simm.s32 @!p1 $0x5200  }
0xbb: {  	[tilespmem:s7], [sflag:$0x1] =	stream.linear.gather @!p1 [hbm4b:s6+s8], $0x28B0, $0x38;
	[tilespmem:$0x12A80] =	vst v63  }
0xbc: {  	_ =	swait.ge [sflag:s29], $0x28B0  }
0xbd: {  	[sflag:s29] =	ssyncset.done $0x0  }
0xbe: {  	[sflag:s29] =	ssyncadd.s32 $0xFFFFD750  }
0xbf: {  	_ =	swait.ge [sflag:s29], $0x28B0  }
0xc0: {  	[sflag:s29] =	ssyncset.done $0x0  }
0xc1: {  	[sflag:s29] =	ssyncadd.s32 $0xFFFFD750  }
0xc2: {  	_ =	swait.ge [sflag:s29], $0x28B0  }
0xc3: {  	[sflag:s29] =	ssyncset.done $0x0  }
0xc4: {  	s20 =	simm.s32 $0xA430;
	[sflag:s29] =	ssyncadd.s32 $0xFFFFD750  }
0xc5: {  	v6 =	vld [tilespmem:s20+$0xFFFFFFD0]  }
0xc6: {  	v7 =	vld [tilespmem:s20+$0x30]  }
0xc7: {  	v15 =	vld [tilespmem:s20+$0x20]  }
0xc8: {  	v2 =	vld [tilespmem:s20+$0x10]  }
0xc9: {  	v4 =	vld [tilespmem:s20+$0x0]  }
0xca: {  	v3 =	vld [tilespmem:s20+$0xFFFFFFF0];
	_ =	sdelay $0x2  }
0xcb: {  	v8 =	vmax.f32 v6, $-8.000000000e+00  }
0xcc: {  	v9 =	vmax.f32 v7, $-8.000000000e+00;
	v10 =	vmax.f32 v15, $-8.000000000e+00;
	v11 =	vmax.f32 v2, $-8.000000000e+00  }
0xcd: {  	v5 =	vld [tilespmem:s20+$0xFFFFFFE0];
	v12 =	vmax.f32 v4, $-8.000000000e+00;
	v13 =	vmax.f32 v3, $-8.000000000e+00;
	v8 =	vmin.f32 v8, $8.000000000e+00  }
0xce: {  	v9 =	vmin.f32 v9, $8.000000000e+00;
	v10 =	vmin.f32 v10, $8.000000000e+00;
	v12 =	vmin.f32 v12, $8.000000000e+00  }
0xcf: {  	v11 =	vmin.f32 v11, $8.000000000e+00;
	v8 =	vadd.f32 $8.000000000e+00, v8;
	v9 =	vadd.f32 $8.000000000e+00, v9  }
0xd0: {  	v13 =	vmin.f32 v13, $8.000000000e+00;
	v10 =	vadd.f32 $8.000000000e+00, v10;
	v12 =	vadd.f32 $8.000000000e+00, v12  }
0xd1: {  	v11 =	vadd.f32 $8.000000000e+00, v11;
	v13 =	vadd.f32 $8.000000000e+00, v13;
	v14 =	vmul.f32 $1.600000000e+01, v8  }
0xd2: {  	s19 =	simm.s32 $0xCD30;
	v8 =	vmax.f32 v5, $-8.000000000e+00;
	v10 =	vmul.f32 $1.600000000e+01, v10;
	v17 =	vmul.f32 $1.600000000e+01, v9  }
0xd3: {  	s20 =	simm.s32 $0x7B30;
	v20 =	vld [tilespmem:s19+$0x20];
	v18 =	vmul.f32 $1.600000000e+01, v12;
	v11 =	vmul.f32 $1.600000000e+01, v11;
	v8 =	vmin.f32 v8, $8.000000000e+00  }
0xd4: {  	v26 =	vld [tilespmem:s20+$0x30];
	v13 =	vmul.f32 $1.600000000e+01, v13;
	v16 =	vadd.f32 $8.000000000e+00, v8;
	v10 =	vtrunc.f32 v10  }
0xd5: {  	v9 =	vld [tilespmem:s19+$0x0];
	v17 =	vtrunc.f32 v17;
	v12 =	vcvt.f32.s32 v10  }
0xd6: {  	v8 =	vld [tilespmem:s19+$0x10];
	v10 =	vtrunc.f32 v14;
	v14 =	vmul.f32 $1.600000000e+01, v16  }
0xd7: {  	v22 =	vtrunc.f32 v11;
	v11 =	vtrunc.f32 v13;
	v16 =	vld [tilespmem:s20+$0x20];
	vm0 =	vlt.s32 v12, $0xFF  }
0xd8: {  	v24 =	vcvt.f32.s32 v10;
	v10 =	vld [tilespmem:s20+$0x10];
	v14 =	vtrunc.f32 v14;
	v12 =	vnsel vm0, $0xFF, v12  }
0xd9: {  	v17 =	vcvt.f32.s32 v17;
	v19 =	vcvt.f32.s32 v14;
	v14 =	vld [tilespmem:s20+$0x0];
	v21 =	vshll.u32 v12, $0x4  }
0xda: {  	v23 =	vcvt.f32.s32 v11;
	vm2 =	vlt.s32 v24, $0xFF;
	v12 =	vld [tilespmem:s19+$0xFFFFFFF0];
	v25 =	vor.u32 v1, v21  }
0xdb: {  	v24 =	vnsel vm2, $0xFF, v24;
	v21 =	vtrunc.f32 v18;
	v18 =	vld [tilespmem:s19+$0xFFFFFFE0];
	vm0 =	vlt.s32 v19, $0xFF  }
0xdc: {  	vm2 =	vgt.f32 v26, $5.000000000e-01;
	vm1 =	vgt.f32 v16, $5.000000000e-01;
	v16 =	vld [tilespmem:s20+$0xFFFFFFE0];
	v13 =	vnsel vm0, $0xFF, v19  }
0xdd: {  	v19 =	vld [tilespmem:s20+$0xFFFFFFF0];
	v27 =	vnsel vm1, $0x0, v20;
	vm0 =	vlt.s32 v17, $0xFF;
	v13 =	vshll.u32 v13, $0x4  }
0xde: {  	vm1 =	vlt.s32 v23, $0xFF;
	v11 =	vor.u32 v1, v13;
	v13 =	vcvt.f32.s32 v21;
	v21 =	vld [tilespmem:s19+$0xFFFFFFD0]  }
0xdf: {  	v20 =	vcvt.f32.s32 v22;
	v22 =	vnsel vm1, $0xFF, v23;
	v23 =	vmul.f32 v27, v15;
	[tilespmem:v25+s25+$0x0] =	vst.idx.add.f32.msk $0xffff, v27  }
0xe0: {  	v17 =	vnsel vm0, $0xFF, v17;
	v27 =	vshll.u32 v22, $0x4;
	v22 =	vld [tilespmem:s19+$0x30];
	vm0 =	vlt.s32 v13, $0xFF  }
0xe1: {  	v17 =	vshll.u32 v17, $0x4;
	v63 =	vmul.f32 v23, v15;
	[tilespmem:v25+s26+$0x0] =	vst.idx.add.f32.msk $0xffff, v23;
	v28 =	vnsel vm0, $0xFF, v13  }
0xe2: {  	v17 =	vor.u32 v1, v17;
	v23 =	vld [tilespmem:s20+$0xFFFFFFD0];
	v13 =	vor.u32 v1, v27;
	v27 =	vshll.u32 v28, $0x4  }
0xe3: {  	s6 =	simm.s32 $0x0;
	s7 =	simm.s32 $0xA4A0;
	v24 =	vshll.u32 v24, $0x4;
	vm0 =	vlt.s32 v20, $0xFF;
	[tilespmem:v25+s28+$0x0] =	vst.idx.add.f32.msk $0xffff, v63;
	v15 =	vor.u32 v1, v27  }
.LBB2_7:
0xe4: {  	v25 =	vld [tilespmem:s7+$0xFFFFFFF0];
	s6 =	sadd.s32 $0x70, s6;
	v24 =	vor.u32 v1, v24;
	vm1 =	vgt.f32 v19, $5.000000000e-01;
	s19 =	sadd.s32 $0x70, s19;
	s20 =	sadd.s32 $0x70, s20  }
0xe5: {  	v19 =	vld [tilespmem:s7+$0x0];
	p2 =	slt.u32 s6, $0x2840;
	v22 =	vnsel vm2, $0x0, v22  }
0xe6: {  	v26 =	vld [tilespmem:s7+$0xFFFFFFE0];
	v27 =	vmul.f32 v22, v7  }
0xe7: {  	vm2 =	vgt.f32 v23, $5.000000000e-01;
	[tilespmem:v17+s25+$0x0] =	vst.idx.add.f32.msk $0xffff, v22  }
0xe8: {  	v21 =	vnsel vm2, $0x0, v21;
	[tilespmem:v17+s26+$0x0] =	vst.idx.add.f32.msk $0xffff, v27;
	v7 =	vmul.f32 v27, v7  }
0xe9: {  	[tilespmem:v24+s25+$0x0] =	vst.idx.add.f32.msk $0xffff, v21;
	v21 =	vmul.f32 v21, v6  }
0xea: {  	[tilespmem:v17+s28+$0x0] =	vst.idx.add.f32.msk $0xffff, v7  }
0xeb: {  	v7 =	vnsel vm0, $0xFF, v20;
	[tilespmem:v24+s26+$0x0] =	vst.idx.add.f32.msk $0xffff, v21;
	v6 =	vmul.f32 v21, v6  }
0xec: {  	v7 =	vshll.u32 v7, $0x4;
	v20 =	vld [tilespmem:s7+$0x10]  }
0xed: {  	vm0 =	vgt.f32 v16, $5.000000000e-01;
	v16 =	vor.u32 v1, v7;
	[tilespmem:v24+s28+$0x0] =	vst.idx.add.f32.msk $0xffff, v6  }
0xee: {  	v7 =	vnsel vm0, $0x0, v18;
	v6 =	vld [tilespmem:s7+$0xFFFFFFD0]  }
0xef: {  	v18 =	vmul.f32 v7, v5;
	[tilespmem:v11+s25+$0x0] =	vst.idx.add.f32.msk $0xffff, v7  }
0xf0: {  	v7 =	vld [tilespmem:s7+$0x30]  }
0xf1: {  	vm0 =	vgt.f32 v14, $5.000000000e-01;
	v21 =	vmul.f32 v18, v5;
	v5 =	vmov v26;
	v17 =	vld [tilespmem:s7+$0x20]  }
0xf2: {  	v12 =	vnsel vm1, $0x0, v12;
	v9 =	vnsel vm0, $0x0, v9;
	vm0 =	vgt.f32 v10, $5.000000000e-01;
	[tilespmem:v11+s26+$0x0] =	vst.idx.add.f32.msk $0xffff, v18  }
0xf3: {  	v10 =	vmul.f32 v9, v4;
	v8 =	vnsel vm0, $0x0, v8;
	[tilespmem:v13+s25+$0x0] =	vst.idx.add.f32.msk $0xffff, v12  }
0xf4: {  	v12 =	vmul.f32 v12, v3;
	[tilespmem:v16+s25+$0x0] =	vst.idx.add.f32.msk $0xffff, v8;
	v8 =	vmul.f32 v8, v2  }
0xf5: {  	v14 =	vmax.f32 v6, $-8.000000000e+00;
	[tilespmem:v15+s25+$0x0] =	vst.idx.add.f32.msk $0xffff, v9;
	v9 =	vmul.f32 v10, v4;
	v4 =	vmov v19  }
0xf6: {  	v14 =	vmin.f32 v14, $8.000000000e+00;
	v18 =	vmax.f32 v7, $-8.000000000e+00;
	[tilespmem:v13+s26+$0x0] =	vst.idx.add.f32.msk $0xffff, v12;
	v12 =	vmul.f32 v12, v3;
	v3 =	vmovc v25  }
0xf7: {  	v14 =	vadd.f32 $8.000000000e+00, v14;
	v19 =	vmax.f32 v17, $-8.000000000e+00;
	v18 =	vmin.f32 v18, $8.000000000e+00;
	[tilespmem:v15+s26+$0x0] =	vst.idx.add.f32.msk $0xffff, v10  }
0xf8: {  	v10 =	vmax.f32 v20, $-8.000000000e+00;
	v19 =	vmin.f32 v19, $8.000000000e+00;
	v18 =	vadd.f32 $8.000000000e+00, v18;
	[tilespmem:v15+s28+$0x0] =	vst.idx.add.f32.msk $0xffff, v9  }
0xf9: {  	v9 =	vmax.f32 v4, $-8.000000000e+00;
	v15 =	vadd.f32 $8.000000000e+00, v19;
	[tilespmem:v11+s28+$0x0] =	vst.idx.add.f32.msk $0xffff, v21;
	v11 =	vmul.f32 v8, v2;
	v2 =	vmovc v20  }
0xfa: {  	v19 =	vmax.f32 v3, $-8.000000000e+00;
	v10 =	vmin.f32 v10, $8.000000000e+00;
	v9 =	vmin.f32 v9, $8.000000000e+00;
	[tilespmem:v16+s26+$0x0] =	vst.idx.add.f32.msk $0xffff, v8  }
0xfb: {  	v14 =	vmul.f32 $1.600000000e+01, v14;
	v8 =	vmax.f32 v5, $-8.000000000e+00;
	v15 =	vmul.f32 $1.600000000e+01, v15;
	[tilespmem:v16+s28+$0x0] =	vst.idx.add.f32.msk $0xffff, v11  }
0xfc: {  	v10 =	vadd.f32 $8.000000000e+00, v10;
	v8 =	vmin.f32 v8, $8.000000000e+00;
	v11 =	vadd.f32 $8.000000000e+00, v9;
	[tilespmem:v13+s28+$0x0] =	vst.idx.add.f32.msk $0xffff, v12  }
0xfd: {  	v12 =	vadd.f32 $8.000000000e+00, v8;
	v13 =	vtrunc.f32 v15;
	v15 =	vmul.f32 $1.600000000e+01, v18;
	v8 =	vld [tilespmem:s19+$0x10]  }
0xfe: {  	v16 =	vmin.f32 v19, $8.000000000e+00;
	v11 =	vmul.f32 $1.600000000e+01, v11;
	v13 =	vcvt.f32.s32 v13;
	v9 =	vld [tilespmem:s19+$0x0]  }
0xff: {  	v14 =	vtrunc.f32 v14;
	v16 =	vadd.f32 $8.000000000e+00, v16;
	v12 =	vmul.f32 $1.600000000e+01, v12;
	v18 =	vld [tilespmem:s20+$0x20]  }
0x100: {  	v19 =	vmul.f32 $1.600000000e+01, v10;
	v15 =	vtrunc.f32 v15;
	vm0 =	vlt.s32 v13, $0xFF;
	v20 =	vld [tilespmem:s19+$0x20]  }
0x101: {  	v24 =	vcvt.f32.s32 v14;
	v12 =	vtrunc.f32 v12;
	v13 =	vnsel vm0, $0xFF, v13;
	v10 =	vld [tilespmem:s20+$0x10]  }
0x102: {  	v16 =	vmul.f32 $1.600000000e+01, v16;
	v21 =	vcvt.f32.s32 v12;
	v13 =	vshll.u32 v13, $0x4;
	v14 =	vld [tilespmem:s20+$0x0]  }
0x103: {  	v22 =	vtrunc.f32 v19;
	v25 =	vor.u32 v1, v13;
	v13 =	vcvt.f32.s32 v15;
	v12 =	vld [tilespmem:s19+$0xFFFFFFF0]  }
0x104: {  	v15 =	vtrunc.f32 v16;
	vm1 =	vlt.s32 v21, $0xFF;
	vm2 =	vgt.f32 v18, $5.000000000e-01;
	v26 =	vld [tilespmem:s20+$0x30]  }
0x105: {  	vm0 =	vlt.s32 v24, $0xFF;
	v18 =	vnsel vm1, $0xFF, v21;
	v21 =	vtrunc.f32 v11;
	v16 =	vld [tilespmem:s20+$0xFFFFFFE0]  }
0x106: {  	v15 =	vcvt.f32.s32 v15;
	v11 =	vshll.u32 v18, $0x4;
	v23 =	vnsel vm2, $0x0, v20;
	v19 =	vld [tilespmem:s20+$0xFFFFFFF0]  }
0x107: {  	vm1 =	vlt.s32 v13, $0xFF;
	v27 =	vcvt.f32.s32 v21;
	v11 =	vor.u32 v1, v11;
	v18 =	vld [tilespmem:s19+$0xFFFFFFE0]  }
0x108: {  	vm2 =	vlt.s32 v15, $0xFF;
	v20 =	vcvt.f32.s32 v22;
	v13 =	vnsel vm1, $0xFF, v13;
	[tilespmem:v25+s25+$0x0] =	vst.idx.add.f32.msk $0xffff, v23  }
.Ltmp2:
0x109: {  	v15 =	vnsel vm2, $0xFF, v15;
	vm1 =	vlt.s32 v27, $0xFF;
	v23 =	vmul.f32 v23, v17;
	v21 =	vld [tilespmem:s19+$0xFFFFFFD0];
	(pc) =	sbr.rel @p2 .LBB2_7-.Ltmp2, $4  }
0x10a: {  	v28 =	vshll.u32 v13, $0x4;
	v15 =	vshll.u32 v15, $0x4;
	v27 =	vnsel vm1, $0xFF, v27;
	v22 =	vld [tilespmem:s19+$0x30]  }
0x10b: {  	v13 =	vor.u32 v1, v15;
	v15 =	vshll.u32 v27, $0x4;
	v27 =	vmul.f32 v23, v17;
	[tilespmem:v25+s26+$0x0] =	vst.idx.add.f32.msk $0xffff, v23  }
0x10c: {  	v24 =	vnsel vm0, $0xFF, v24;
	v15 =	vor.u32 v1, v15;
	v17 =	vor.u32 v1, v28;
	v23 =	vld [tilespmem:s20+$0xFFFFFFD0]  }
0x10d: {  	s7 =	sadd.s32 $0x70, s7;
	v24 =	vshll.u32 v24, $0x4;
	vm0 =	vlt.s32 v20, $0xFF;
	vm2 =	vgt.f32 v26, $5.000000000e-01;
	[tilespmem:v25+s28+$0x0] =	vst.idx.add.f32.msk $0xffff, v27  }
0x10e: {  	_ =	sdelay $0x2  }
0x10f: {  	vm12 =	vgt.f32 v16, $5.000000000e-01;
	v22 =	vnsel vm2, $0x0, v22  }
0x110: {  	vm13 =	vgt.f32 v19, $5.000000000e-01;
	v16 =	vnsel vm12, $0x0, v18;
	[tilespmem:v17+s25+$0x0] =	vst.idx.add.f32.msk $0xffff, v22  }
0x111: {  	vm14 =	vgt.f32 v14, $5.000000000e-01;
	v12 =	vnsel vm13, $0x0, v12;
	[tilespmem:v11+s25+$0x0] =	vst.idx.add.f32.msk $0xffff, v16  }
0x112: {  	v9 =	vnsel vm14, $0x0, v9;
	v58 =	vmul.f32 v22, v7;
	[tilespmem:v13+s25+$0x0] =	vst.idx.add.f32.msk $0xffff, v12  }
0x113: {  	v24 =	vor.u32 v1, v24;
	v61 =	vmul.f32 v16, v5;
	[tilespmem:v15+s25+$0x0] =	vst.idx.add.f32.msk $0xffff, v9  }
0x114: {  	v12 =	vmul.f32 v12, v3;
	[tilespmem:v17+s26+$0x0] =	vst.idx.add.f32.msk $0xffff, v58  }
0x115: {  	v62 =	vmul.f32 v9, v4;
	[tilespmem:v11+s26+$0x0] =	vst.idx.add.f32.msk $0xffff, v61  }
0x116: {  	vm1 =	vgt.f32 v23, $5.000000000e-01;
	[tilespmem:v13+s26+$0x0] =	vst.idx.add.f32.msk $0xffff, v12  }
0x117: {  	v21 =	vnsel vm1, $0x0, v21;
	v7 =	vmul.f32 v58, v7;
	[tilespmem:v15+s26+$0x0] =	vst.idx.add.f32.msk $0xffff, v62  }
0x118: {  	v20 =	vnsel vm0, $0xFF, v20;
	v4 =	vmul.f32 v62, v4;
	[tilespmem:v24+s25+$0x0] =	vst.idx.add.f32.msk $0xffff, v21  }
0x119: {  	v60 =	vshll.u32 v20, $0x4;
	v5 =	vmul.f32 v61, v5;
	v3 =	vmul.f32 v12, v3;
	[tilespmem:v17+s28+$0x0] =	vst.idx.add.f32.msk $0xffff, v7  }
0x11a: {  	v59 =	vmul.f32 v21, v6;
	v7 =	vor.u32 v1, v60;
	[tilespmem:v15+s28+$0x0] =	vst.idx.add.f32.msk $0xffff, v4  }
0x11b: {  	vm15 =	vgt.f32 v10, $5.000000000e-01;
	[tilespmem:v11+s28+$0x0] =	vst.idx.add.f32.msk $0xffff, v5  }
0x11c: {  	v8 =	vnsel vm15, $0x0, v8;
	[tilespmem:v13+s28+$0x0] =	vst.idx.add.f32.msk $0xffff, v3;
	v6 =	vmul.f32 v59, v6  }
.Ltmp3:
0x11d: {  	v63 =	vmul.f32 v8, v2;
	[tilespmem:v24+s26+$0x0] =	vst.idx.add.f32.msk $0xffff, v59;
	(pc) =	sbr.rel @p1 .LBB2_10-.Ltmp3, $4  }
0x11e: {  	[tilespmem:v24+s28+$0x0] =	vst.idx.add.f32.msk $0xffff, v6  }
0x11f: {  	v2 =	vmul.f32 v63, v2;
	[tilespmem:v7+s25+$0x0] =	vst.idx.add.f32.msk $0xffff, v8  }
0x120: {  	[tilespmem:v7+s26+$0x0] =	vst.idx.add.f32.msk $0xffff, v63  }
0x121: {  	[tilespmem:v7+s28+$0x0] =	vst.idx.add.f32.msk $0xffff, v2  }
0x122: {  	s6 =	smul.u32 $0x5160, s0;
	_ =	sdelay $0x1  }
0x123: {  	s6 =	sadd.s32 s6, s13  }
0x124: {  	s6 =	sshrl.u32 s6, $0x3  }
0x125: {  	s7 =	sadd.s32 s1, s6  }
0x126: {  	[tilespmem:s21], [sflag:$0x2] =	stream.linear.gather [hbm4b:s7+s5], $0x28B0, $0x38;
	[tilespmem:$0x12A80] =	vst v63  }
.Ltmp4:
0x127: {  	_ = 	snop;
	(pc) =	sbr.rel .LBB2_4-.Ltmp4, $4  }
0x128: {  	s20 =	sadd.s32 s2, s6  }
0x129: {  	[tilespmem:s22], [sflag:$0x2] =	stream.linear.gather [hbm4b:s20+s5], $0x28B0, $0x38;
	[tilespmem:$0x12A80] =	vst v63  }
0x12a: {  	s0 =	sadd.s32 $0x1, s0;
	s6 =	sadd.s32 s4, s6  }
0x12b: {  	[tilespmem:s23], [sflag:$0x2] =	stream.linear.gather [hbm4b:s6+s5], $0x28B0, $0x38;
	[tilespmem:$0x12A80] =	vst v63  }
.LBB2_10:
0x12c: {  	s0 =	simm.s32 @!p0 $0x0;
	s6 =	simm.s32 @!p0 $0xF600  }
0x12d: {  	[tilespmem:s6], [sflag:$0x3] =	stream.linear.gather @!p0 [hbm4b:s14+s0], $0x10, $0x38;
	[tilespmem:$0x12A80] =	vst v63  }
0x12e: {  	s6 =	simm.s32 @!p0 $0x3  }
0x12f: {  	_ =	swait.ge @!p0 [sflag:s6], $0x10  }
0x130: {  	[sflag:s6] =	ssyncset.done @!p0 $0x0  }
0x131: {  	s7 =	simm.s32 @!p0 $0xF680;
	[sflag:s6] =	ssyncadd.s32 @!p0 $0xFFFFFFF0  }
0x132: {  	[tilespmem:s7], [sflag:$0x3] =	stream.linear.gather @!p0 [hbm4b:s15+s0], $0x10, $0x38;
	[tilespmem:$0x12A80] =	vst v63  }
0x133: {  	_ =	swait.ge @!p0 [sflag:s6], $0x10  }
0x134: {  	[sflag:s6] =	ssyncset.done @!p0 $0x0  }
0x135: {  	s7 =	simm.s32 @!p0 $0xF700;
	[sflag:s6] =	ssyncadd.s32 @!p0 $0xFFFFFFF0  }
0x136: {  	[tilespmem:s7], [sflag:$0x3] =	stream.linear.gather @!p0 [hbm4b:s16+s0], $0x10, $0x38;
	[tilespmem:$0x12A80] =	vst v63  }
0x137: {  	_ =	swait.ge @!p0 [sflag:s6], $0x10  }
0x138: {  	[sflag:s6] =	ssyncset.done @!p0 $0x0  }
0x139: {  	[sflag:s6] =	ssyncadd.s32 @!p0 $0xFFFFFFF0  }
0x13a: {  	v2 =	vld @!p0 [tilespmem:$0xF680];
	_ =	sdelay $0x4  }
0x13b: {  	v3 =	vmax.f32 @!p0 v2, $-8.000000000e+00  }
0x13c: {  	v3 =	vmin.f32 @!p0 v3, $8.000000000e+00  }
0x13d: {  	v3 =	vadd.f32 @!p0 $8.000000000e+00, v3;
	_ =	sdelay $0x1  }
0x13e: {  	v3 =	vmul.f32 @!p0 $1.600000000e+01, v3;
	_ =	sdelay $0x1  }
0x13f: {  	v3 =	vtrunc.f32 @!p0 v3  }
0x140: {  	v3 =	vcvt.f32.s32 @!p0 v3  }
0x141: {  	v4 =	vld @!p0 [tilespmem:$0xF600]  }
0x142: {  	v5 =	vld @!p0 [tilespmem:$0xF700];
	vm0 =	vlt.s32 @!p0 v3, $0xFF  }
0x143: {  	v3 =	vnsel @!p0 vm0, $0xFF, v3  }
0x144: {  	v6 =	vlaneseq.u32 @!p0;
	v3 =	vshll.u32 @!p0 v3, $0x4  }
0x145: {  	v3 =	vor.u32 @!p0 v6, v3  }
0x146: {  	vm0 =	vgt.f32 @!p0 v4, $5.000000000e-01  }
0x147: {  	v4 =	vnsel @!p0 vm0, $0x0, v5  }
0x148: {  	v5 =	vmul.f32 @!p0 v4, v2  }
0x149: {  	s0 =	simm.s32 @!p0 $0xF780  }
0x14a: {  	v2 =	vmul.f32 @!p0 v5, v2;
	[tilespmem:v3+s0+$0x0] =	vst.idx.add.f32.msk @!p0 $0xffff, v4;
	s0 =	simm.s32 @!p0 $0x10780  }
0x14b: {  	[tilespmem:v3+s0+$0x0] =	vst.idx.add.f32.msk @!p0 $0xffff, v5;
	s0 =	simm.s32 @!p0 $0x11780  }
0x14c: {  	s10 =	simm.s32 $0xF7C0;
	[tilespmem:v3+s0+$0x0] =	vst.idx.add.f32.msk @!p0 $0xffff, v2  }
0x14d: {  	v2 =	vld [tilespmem:s10+$0x10]  }
0x14e: {  	v3 =	vld [tilespmem:s10+$0xFFFFFFC0];
	_ =	sdelay $0x3  }
0x14f: {  	(xrf2) =	vadd.scan.msk.f32 $0xffff, v2  }
0x150: {  	v4 =	vld [tilespmem:s10+$0x30];
	(xrf2) =	vadd.scan.msk.f32 $0xffff, v3  }
0x151: {  	v2 =	vld [tilespmem:s10+$0xFFFFFFE0];
	_ =	sdelay $0x2  }
0x152: {  	v3 =	vld [tilespmem:s10+$0x20]  }
0x153: {  	(xrf2) =	vadd.scan.msk.f32 $0xffff, v4;
	v4 =	vld [tilespmem:s10+$0x0]  }
0x154: {  	(xrf2) =	vadd.scan.msk.f32 $0xffff, v2  }
0x155: {  	s20 =	simm.s32 $0x5  }
0x156: {  	v6 =	vmov s20  }
0x157: {  	(xrf2) =	vadd.scan.msk.f32 $0xffff, v3;
	v3 =	vand.u32 $0xFFFFFFFD, v6;
	v5, _, _ =	vpop (xrf2)  }
0x158: {  	v8 =	vld [tilespmem:s10+$0xFFFFFFF0];
	v9, _, _ =	vpop (xrf2);
	(xrf2) =	vadd.scan.msk.f32 $0xffff, v4;
	v4 =	vbroadcast v3, $0x0;
	_ =	sdelay $0x1  }
0x159: {  	s19 =	simm.s32 $0x3;
	v7 =	vadd.f32 $0.0e+00, v5  }
0x15a: {  	v2 =	vmov s19;
	v6 =	vld [tilespmem:s10+$0xFFFFFFD0]  }
0x15b: {  	v2 =	vand.u32 $0xFFFFFFFB, v2;
	v7 =	vbroadcast v7, $0xF  }
0x15c: {  	s7 =	simm.s32 $0xF840;
	s6 =	simm.s32 $0x8;
	s0 =	simm.s32 $0x0;
	v2 =	vbroadcast v2, $0x0;
	v5, _, _ =	vpop (xrf2);
	v3 =	vadd.f32 $0.0e+00, v9;
	(xrf2) =	vadd.scan.msk.f32 $0xffff, v8  }
.LBB2_11:
0x15d: {  	v8 =	vld [tilespmem:s7+$0x10];
	p1 =	slt.u32 s6, $0xF8;
	[tilespmem:v4+s30+$0x0] =	vst.idx.msk $0x1, v7;
	v4, _, _ =	vpop (xrf2);
	s8 =	smov.u32 s6;
	s6 =	sadd.s32 $0x8, s6  }
0x15e: {  	v7 =	vld [tilespmem:s7+$0xFFFFFFC0]  }
0x15f: {  	v9 =	vld [tilespmem:s7+$0x30];
	(xrf2) =	vadd.scan.msk.f32 $0xffff, v6  }
0x160: {  	s19 =	sadd.s32 $0x7, s0;
	v6 =	vmov s0;
	v10 =	vld [tilespmem:s7+$0xFFFFFFF0];
	v11, _, _ =	vpop (xrf2)  }
0x161: {  	s20 =	sadd.s32 $0x6, s0;
	v13 =	vmov s19;
	v6 =	vand.u32 $0xFFFFFFF8, v6;
	v12 =	vld [tilespmem:s7+$0x0]  }
0x162: {  	v5 =	vadd.f32 $0.0e+00, v5;
	s19 =	sadd.s32 $0x2, s0;
	v6 =	vbroadcast v6, $0x0;
	(xrf2) =	vadd.scan.msk.f32 $0xffff, v8;
	v8 =	vmov s20  }
0x163: {  	v14 =	vmov s19;
	v8 =	vand.u32 $0xFFFFFFFE, v8;
	v15, _, _ =	vpop (xrf2)  }
0x164: {  	s19 =	sadd.s32 $0x4, s0;
	v18 =	vbroadcast v5, $0xF;
	v14 =	vand.u32 $0xFFFFFFFA, v14;
	v16 =	vld [tilespmem:s7+$0xFFFFFFE0];
	v8 =	vbroadcast v8, $0x0  }
0x165: {  	v11 =	vadd.f32 $0.0e+00, v11;
	s20 =	sadd.s32 $0x1, s0;
	s0 =	smov.u32 s8;
	(xrf2) =	vadd.scan.msk.f32 $0xffff, v7;
	v7 =	vbroadcast v14, $0x0;
	v14 =	vmov s19  }
0x166: {  	v3 =	vbroadcast v3, $0xF;
	v4 =	vadd.f32 $0.0e+00, v4;
	v17 =	vmov s20;
	[tilespmem:v13+s30+$0x0] =	vst.idx.msk $0x1, v18;
	v5, _, _ =	vpop (xrf2)  }
0x167: {  	v11 =	vbroadcast v11, $0xF;
	v15 =	vadd.f32 $0.0e+00, v15;
	v13 =	vld [tilespmem:s7+$0x20];
	v5 =	vadd.f32 $0.0e+00, v5  }
0x168: {  	v4 =	vbroadcast v4, $0xF;
	(xrf2) =	vadd.scan.msk.f32 $0xffff, v9;
	[tilespmem:v6+s30+$0x0] =	vst.idx.msk $0x1, v3;
	v3 =	vand.u32 $0xFFFFFFF9, v17  }
0x169: {  	v9 =	vbroadcast v15, $0xF;
	v6 =	vand.u32 $0xFFFFFFFC, v14;
	v5 =	vbroadcast v5, $0xF;
	v14, _, _ =	vpop (xrf2)  }
0x16a: {  	v3 =	vbroadcast v3, $0x0;
	v15 =	vbroadcast v6, $0x0;
	v14 =	vadd.f32 $0.0e+00, v14;
	[tilespmem:v8+s30+$0x0] =	vst.idx.msk $0x1, v11  }
0x16b: {  	s8 =	sadd.s32 $0x3, s0;
	(xrf2) =	vadd.scan.msk.f32 $0xffff, v16;
	[tilespmem:v7+s30+$0x0] =	vst.idx.msk $0x1, v4  }
0x16c: {  	v4 =	vmov s8;
	s8 =	sadd.s32 $0x5, s0;
	v7, _, _ =	vpop (xrf2);
	v8 =	vbroadcast v14, $0xF;
	[tilespmem:v2+s30+$0x0] =	vst.idx.msk $0x1, v5  }
0x16d: {  	v2 =	vand.u32 $0xFFFFFFFB, v4;
	v4 =	vmov s8  }
0x16e: {  	v2 =	vbroadcast v2, $0x0;
	v4 =	vand.u32 $0xFFFFFFFD, v4;
	v6 =	vld [tilespmem:s7+$0xFFFFFFD0];
	(xrf2) =	vadd.scan.msk.f32 $0xffff, v13  }
0x16f: {  	v4 =	vbroadcast v4, $0x0;
	v11, _, _ =	vpop (xrf2)  }
.Ltmp5:
0x170: {  	[tilespmem:v3+s30+$0x0] =	vst.idx.msk $0x1, v8;
	(pc) =	sbr.rel @p1 .LBB2_11-.Ltmp5, $4  }
0x171: {  	v7 =	vadd.f32 $0.0e+00, v7;
	(xrf2) =	vadd.scan.msk.f32 $0xffff, v12;
	[tilespmem:v15+s30+$0x0] =	vst.idx.msk $0x1, v9  }
0x172: {  	v5, _, _ =	vpop (xrf2)  }
0x173: {  	v7 =	vbroadcast v7, $0xF;
	v3 =	vadd.f32 $0.0e+00, v11  }
0x174: {  	s19 =	simm.s32 $0x107C0;
	s7 =	sadd.s32 $0x80, s7;
	(xrf2) =	vadd.scan.msk.f32 $0xffff, v10  }
0x175: {  	(xrf2) =	vadd.scan.msk.f32 $0xffff, v6;
	_ =	sdelay $0x1  }
0x176: {  	v6 =	vmov s0  }
0x177: {  	s6 =	sadd.s32 $0x7, s0;
	s20 =	sadd.s32 $0x2, s0;
	v6 =	vand.u32 $0xFFFFFFF8, v6  }
0x178: {  	s7 =	sadd.s32 $0x6, s0;
	v8 =	vmov s6;
	v10 =	vmov s20;
	v6 =	vbroadcast v6, $0x0  }
0x179: {  	v5 =	vadd.f32 $0.0e+00, v5;
	v9 =	vmov s7;
	v10 =	vand.u32 $0xFFFFFFFA, v10  }
0x17a: {  	v11, _, _ =	vpop (xrf2);
	s8 =	sadd.s32 $0x1, s0;
	v3 =	vbroadcast v3, $0xF;
	v9 =	vand.u32 $0xFFFFFFFE, v9;
	v10 =	vbroadcast v10, $0x0  }
0x17b: {  	s7 =	sadd.s32 $0x4, s0;
	v14 =	vmov s8;
	v5 =	vbroadcast v5, $0xF;
	v9 =	vbroadcast v9, $0x0;
	v12, _, _ =	vpop (xrf2)  }
0x17c: {  	[tilespmem:v4+s30+$0x0] =	vst.idx.msk $0x1, v7;
	v4 =	vadd.f32 $0.0e+00, v11;
	v13 =	vmov s7;
	v14 =	vand.u32 $0xFFFFFFF9, v14;
	v15, _, _ =	vpop (xrf2)  }
0x17d: {  	v52 =	vand.u32 $0xFFFFFFFC, v13;
	v53 =	vbroadcast v14, $0x0;
	v12 =	vadd.f32 $0.0e+00, v12;
	[tilespmem:v8+s30+$0x0] =	vst.idx.msk $0x1, v5;
	v7, _, _ =	vpop (xrf2)  }
0x17e: {  	v11 =	vbroadcast v52, $0x0;
	[tilespmem:v6+s30+$0x0] =	vst.idx.msk $0x1, v3;
	v3 =	vbroadcast v4, $0xF;
	v5 =	vadd.f32 $0.0e+00, v7;
	v8, _, _ =	vpop (xrf2)  }
0x17f: {  	v7 =	vbroadcast v12, $0xF;
	v4 =	vadd.f32 $0.0e+00, v8  }
0x180: {  	v6 =	vadd.f32 $0.0e+00, v15;
	[tilespmem:v10+s30+$0x0] =	vst.idx.msk $0x1, v3;
	v5 =	vbroadcast v5, $0xF  }
0x181: {  	[tilespmem:v9+s30+$0x0] =	vst.idx.msk $0x1, v7;
	v3 =	vbroadcast v4, $0xF  }
0x182: {  	v4 =	vbroadcast v6, $0xF;
	[tilespmem:v2+s30+$0x0] =	vst.idx.msk $0x1, v5  }
0x183: {  	[tilespmem:v53+s30+$0x0] =	vst.idx.msk $0x1, v3  }
0x184: {  	[tilespmem:v11+s30+$0x0] =	vst.idx.msk $0x1, v4  }
0x185: {  	v2 =	vld [tilespmem:s19+$0x10]  }
0x186: {  	v3 =	vld [tilespmem:s19+$0xFFFFFFE0]  }
0x187: {  	v4 =	vld [tilespmem:s19+$0x30];
	_ =	sdelay $0x2  }
0x188: {  	(xrf2) =	vadd.scan.msk.f32 $0xffff, v2  }
0x189: {  	(xrf2) =	vadd.scan.msk.f32 $0xffff, v3  }
0x18a: {  	v5 =	vld [tilespmem:s19+$0x20];
	(xrf2) =	vadd.scan.msk.f32 $0xffff, v4  }
0x18b: {  	v6 =	vld [tilespmem:s19+$0xFFFFFFF0]  }
0x18c: {  	v7 =	vld [tilespmem:s19+$0xFFFFFFD0]  }
0x18d: {  	v2 =	vld [tilespmem:s19+$0xFFFFFFC0]  }
0x18e: {  	s6 =	simm.s32 $0x10840;
	v3 =	vld [tilespmem:s19+$0x0]  }
0x18f: {  	v4 =	vld [tilespmem:s6+$0x10];
	(xrf2) =	vadd.scan.msk.f32 $0xffff, v5  }
0x190: {  	(xrf2) =	vadd.scan.msk.f32 $0xffff, v6  }
0x191: {  	(xrf2) =	vadd.scan.msk.f32 $0xffff, v7  }
0x192: {  	v5, _, _ =	vpop (xrf2);
	(xrf2) =	vadd.scan.msk.f32 $0xffff, v2  }
0x193: {  	s20 =	simm.s32 $0x106;
	v2, _, _ =	vpop (xrf2);
	(xrf2) =	vadd.scan.msk.f32 $0xffff, v3  }
0x194: {  	s10 =	simm.s32 $0x105;
	s8 =	simm.s32 $0x100;
	v57 =	vmov s20;
	v3, _, _ =	vpop (xrf2);
	(xrf2) =	vadd.scan.msk.f32 $0xffff, v4  }
0x195: {  	v58 =	vmov s8;
	v13 =	vand.u32 $0xFFFFFFFE, v57;
	v8 =	vld [tilespmem:s6+$0xFFFFFFE0];
	s19 =	simm.s32 $0x102;
	v7 =	vmov s10  }
0x196: {  	v14 =	vand.u32 $0xFFFFFFF8, v58;
	v55 =	vmov s19;
	v7 =	vand.u32 $0xFFFFFFFD, v7  }
0x197: {  	s9 =	simm.s32 $0x101;
	v13 =	vbroadcast v13, $0x0;
	v11 =	vand.u32 $0xFFFFFFFA, v55;
	v7 =	vbroadcast v7, $0x0  }
0x198: {  	v14 =	vbroadcast v14, $0x0;
	v10 =	vld [tilespmem:s6+$0x30];
	v6 =	vmov s9;
	v11 =	vbroadcast v11, $0x0;
	s9 =	simm.s32 $0x10D  }
0x199: {  	s7 =	simm.s32 $0x107;
	v6 =	vand.u32 $0xFFFFFFF9, v6;
	v59 =	vmov s9;
	v5 =	vadd.f32 $0.0e+00, v5;
	v4, _, _ =	vpop (xrf2)  }
0x19a: {  	v17 =	vld [tilespmem:s6+$0x20];
	s10 =	simm.s32 $0x103;
	v6 =	vbroadcast v6, $0x0;
	v2 =	vadd.f32 $0.0e+00, v2;
	(xrf2) =	vadd.scan.msk.f32 $0xffff, v8;
	v8 =	vmov s7;
	v54, _, _ =	vpop (xrf2)  }
0x19b: {  	v16 =	vmov s10;
	v5 =	vbroadcast v5, $0xF;
	v3 =	vadd.f32 $0.0e+00, v3;
	v56, _, _ =	vpop (xrf2)  }
0x19c: {  	v4 =	vadd.f32 $0.0e+00, v4;
	v2 =	vbroadcast v2, $0xF;
	v12 =	vadd.f32 $0.0e+00, v56;
	v60, _, _ =	vpop (xrf2)  }
0x19d: {  	(xrf2) =	vadd.scan.msk.f32 $0xffff, v10;
	v10 =	vand.u32 $0xFFFFFFFD, v59;
	v3 =	vbroadcast v3, $0xF;
	[tilespmem:v7+s30+$0x0] =	vst.idx.msk $0x1, v5;
	v5 =	vld [tilespmem:s6+$0xFFFFFFF0];
	v18, _, _ =	vpop (xrf2)  }
0x19e: {  	v4 =	vbroadcast v4, $0xF;
	[tilespmem:v11+s30+$0x0] =	vst.idx.msk $0x1, v2;
	v12 =	vbroadcast v12, $0xF;
	v2 =	vadd.f32 $0.0e+00, v60;
	v7, _, _ =	vpop (xrf2)  }
0x19f: {  	s20 =	simm.s32 $0x104;
	[tilespmem:v8+s30+$0x0] =	vst.idx.msk $0x1, v3;
	(xrf2) =	vadd.scan.msk.f32 $0xffff, v17;
	v3 =	vadd.f32 $0.0e+00, v7;
	v7 =	vadd.f32 $0.0e+00, v54  }
0x1a0: {  	v19 =	vld [tilespmem:s6+$0xFFFFFFD0];
	v16 =	vand.u32 $0xFFFFFFFB, v16;
	v10 =	vbroadcast v10, $0x0;
	[tilespmem:v13+s30+$0x0] =	vst.idx.msk $0x1, v4;
	v4 =	vmov s20  }
0x1a1: {  	[tilespmem:v6+s30+$0x0] =	vst.idx.msk $0x1, v12;
	v6 =	vbroadcast v2, $0xF;
	v63 =	vbroadcast v7, $0xF;
	v7 =	vadd.f32 $0.0e+00, v18  }
0x1a2: {  	v8 =	vbroadcast v16, $0x0;
	(xrf2) =	vadd.scan.msk.f32 $0xffff, v5;
	v5 =	vand.u32 $0xFFFFFFFC, v4  }
0x1a3: {  	v61 =	vld [tilespmem:s6+$0xFFFFFFC0];
	[tilespmem:v14+s30+$0x0] =	vst.idx.msk $0x1, v6;
	v6 =	vbroadcast v7, $0xF;
	v7 =	vbroadcast v5, $0x0  }
0x1a4: {  	v3 =	vbroadcast v3, $0xF  }
0x1a5: {  	v4, _, _ =	vpop (xrf2);
	(xrf2) =	vadd.scan.msk.f32 $0xffff, v19  }
0x1a6: {  	s19 =	simm.s32 $0x109;
	[tilespmem:v10+s30+$0x0] =	vst.idx.msk $0x1, v3;
	v3 =	vld [tilespmem:s6+$0x0]  }
0x1a7: {  	s0 =	simm.s32 $0x0;
	v62 =	vmov s19  }
0x1a8: {  	s19 =	simm.s32 $0x108C0;
	s7 =	simm.s32 $0x8;
	v2 =	vand.u32 $0xFFFFFFF9, v62;
	(xrf2) =	vadd.scan.msk.f32 $0xffff, v61;
	v5, _, _ =	vpop (xrf2);
	[tilespmem:v8+s30+$0x0] =	vst.idx.msk $0x1, v63;
	s6 =	simm.s32 $0x0  }
.LBB2_13:
0x1a9: {  	s8 =	sadd.s32 $0x109, s7;
	v8 =	vld [tilespmem:s19+$0x10];
	v9, _, _ =	vpop (xrf2);
	[tilespmem:v7+s30+$0x0] =	vst.idx.msk $0x1, v6;
	s20 =	smov.u32 s7;
	s7 =	sadd.s32 $0x8, s7  }
0x1aa: {  	v10 =	vld [tilespmem:s19+$0xFFFFFFC0];
	v6 =	vmov s8;
	p1 =	slt.u32 s7, $0xF8  }
0x1ab: {  	v6 =	vand.u32 $0xFFFFFFF9, v6;
	(xrf2) =	vadd.scan.msk.f32 $0xffff, v3;
	v3 =	vld [tilespmem:s19+$0x0]  }
0x1ac: {  	v7 =	vld [tilespmem:s19+$0xFFFFFFE0];
	v11, _, _ =	vpop (xrf2)  }
0x1ad: {  	v12 =	vld [tilespmem:s19+$0xFFFFFFD0]  }
0x1ae: {  	s8 =	sadd.s32 $0x10A, s6;
	(xrf2) =	vadd.scan.msk.f32 $0xffff, v8  }
0x1af: {  	v13 =	vbroadcast v2, $0x0;
	v14 =	vmov s8;
	s8 =	sadd.s32 $0x10E, s6;
	v2 =	vmov v6;
	v8 =	vld [tilespmem:s19+$0x30];
	v15, _, _ =	vpop (xrf2)  }
0x1b0: {  	s9 =	sadd.s32 $0x10B, s6;
	v14 =	vand.u32 $0xFFFFFFFA, v14;
	v16 =	vmov s8;
	s8 =	sadd.s32 $0x10F, s6;
	v6 =	vld [tilespmem:s19+$0x20];
	v15 =	vadd.f32 $0.0e+00, v15  }
0x1b1: {  	s10 =	sadd.s32 $0x108, s6;
	v5 =	vadd.f32 $0.0e+00, v5;
	v17 =	vld [tilespmem:s19+$0xFFFFFFF0];
	(xrf2) =	vadd.scan.msk.f32 $0xffff, v7;
	v7 =	vbroadcast v14, $0x0;
	v14 =	vmov s8  }
0x1b2: {  	v11 =	vadd.f32 $0.0e+00, v11;
	v16 =	vand.u32 $0xFFFFFFFE, v16;
	v15 =	vbroadcast v15, $0xF;
	v18, _, _ =	vpop (xrf2)  }
0x1b3: {  	v4 =	vadd.f32 $0.0e+00, v4;
	v19 =	vmov s10;
	v5 =	vbroadcast v5, $0xF  }
0x1b4: {  	v9 =	vadd.f32 $0.0e+00, v9;
	v11 =	vbroadcast v11, $0xF;
	s8 =	sadd.s32 $0x10D, s20;
	(xrf2) =	vadd.scan.msk.f32 $0xffff, v8;
	v8 =	vmov s9;
	s9 =	sadd.s32 $0x10C, s6;
	s6 =	smov.u32 s20  }
0x1b5: {  	v19 =	vand.u32 $0xFFFFFFF8, v19;
	v23 =	vbroadcast v4, $0xF;
	v20 =	vmov s8;
	v21, _, _ =	vpop (xrf2)  }
0x1b6: {  	v9 =	vbroadcast v9, $0xF;
	v20 =	vand.u32 $0xFFFFFFFD, v20;
	v22 =	vmov s9;
	[tilespmem:v14+s30+$0x0] =	vst.idx.msk $0x1, v5  }
0x1b7: {  	v5 =	vbroadcast v20, $0x0;
	v14 =	vbroadcast v16, $0x0;
	(xrf2) =	vadd.scan.msk.f32 $0xffff, v6;
	[tilespmem:v7+s30+$0x0] =	vst.idx.msk $0x1, v23  }
0x1b8: {  	v6 =	vand.u32 $0xFFFFFFFB, v8;
	v7 =	vadd.f32 $0.0e+00, v21;
	v8 =	vand.u32 $0xFFFFFFFC, v22;
	v4, _, _ =	vpop (xrf2)  }
0x1b9: {  	v16 =	vbroadcast v19, $0x0;
	v19 =	vbroadcast v6, $0x0;
	v20 =	vadd.f32 $0.0e+00, v4  }
0x1ba: {  	v6 =	vbroadcast v7, $0xF;
	v7 =	vbroadcast v8, $0x0;
	(xrf2) =	vadd.scan.msk.f32 $0xffff, v17;
	[tilespmem:v13+s30+$0x0] =	vst.idx.msk $0x1, v15  }
0x1bb: {  	v13 =	vadd.f32 $0.0e+00, v18;
	v8 =	vbroadcast v20, $0xF;
	v4, _, _ =	vpop (xrf2)  }
.Ltmp6:
0x1bc: {  	(pc) =	sbr.rel @p1 .LBB2_13-.Ltmp6, $4  }
0x1bd: {  	(xrf2) =	vadd.scan.msk.f32 $0xffff, v12;
	v12 =	vbroadcast v13, $0xF;
	[tilespmem:v14+s30+$0x0] =	vst.idx.msk $0x1, v9  }
0x1be: {  	[tilespmem:v5+s30+$0x0] =	vst.idx.msk $0x1, v8;
	v5, _, _ =	vpop (xrf2)  }
0x1bf: {  	[tilespmem:v16+s30+$0x0] =	vst.idx.msk $0x1, v12  }
0x1c0: {  	s19 =	sadd.s32 $0x80, s19;
	(xrf2) =	vadd.scan.msk.f32 $0xffff, v10;
	[tilespmem:v19+s30+$0x0] =	vst.idx.msk $0x1, v11  }
0x1c1: {  	(xrf2) =	vadd.scan.msk.f32 $0xffff, v3  }
0x1c2: {  	s7 =	sadd.s32 $0x10A, s6;
	v2 =	vbroadcast v2, $0x0  }
0x1c3: {  	s19 =	sadd.s32 $0x10E, s6;
	s20 =	sadd.s32 $0x10F, s6;
	v5 =	vadd.f32 $0.0e+00, v5;
	v4 =	vadd.f32 $0.0e+00, v4;
	v9 =	vmov s7  }
0x1c4: {  	s8 =	sadd.s32 $0x108, s6;
	v11 =	vmov s19;
	v12 =	vmov s20;
	v9 =	vand.u32 $0xFFFFFFFA, v9  }
0x1c5: {  	v8, _, _ =	vpop (xrf2);
	s9 =	sadd.s32 $0x10B, s6;
	v13 =	vmov s8;
	v11 =	vand.u32 $0xFFFFFFFE, v11;
	v9 =	vbroadcast v9, $0x0  }
0x1c6: {  	v14 =	vmov s9;
	s9 =	sadd.s32 $0x10C, s6;
	v8 =	vadd.f32 $0.0e+00, v8;
	v11 =	vbroadcast v11, $0x0  }
0x1c7: {  	v5 =	vbroadcast v5, $0xF;
	v15 =	vmov s9;
	v14 =	vand.u32 $0xFFFFFFFB, v14;
	v3, _, _ =	vpop (xrf2)  }
0x1c8: {  	[tilespmem:v7+s30+$0x0] =	vst.idx.msk $0x1, v6;
	v13 =	vand.u32 $0xFFFFFFF8, v13;
	v7 =	vand.u32 $0xFFFFFFFC, v15;
	v14 =	vbroadcast v14, $0x0;
	v10, _, _ =	vpop (xrf2)  }
0x1c9: {  	v4 =	vbroadcast v4, $0xF;
	v13 =	vbroadcast v13, $0x0;
	v10 =	vadd.f32 $0.0e+00, v10  }
0x1ca: {  	v8 =	vbroadcast v8, $0xF;
	v3 =	vadd.f32 $0.0e+00, v3;
	[tilespmem:v12+s30+$0x0] =	vst.idx.msk $0x1, v5;
	v5 =	vbroadcast v7, $0x0;
	v6, _, _ =	vpop (xrf2)  }
0x1cb: {  	v10 =	vbroadcast v10, $0xF;
	[tilespmem:v9+s30+$0x0] =	vst.idx.msk $0x1, v4;
	v6 =	vadd.f32 $0.0e+00, v6;
	v7, _, _ =	vpop (xrf2)  }
0x1cc: {  	v3 =	vbroadcast v3, $0xF;
	[tilespmem:v11+s30+$0x0] =	vst.idx.msk $0x1, v8;
	v4 =	vadd.f32 $0.0e+00, v7  }
0x1cd: {  	[tilespmem:v2+s30+$0x0] =	vst.idx.msk $0x1, v10;
	v2 =	vbroadcast v6, $0xF  }
0x1ce: {  	[tilespmem:v14+s30+$0x0] =	vst.idx.msk $0x1, v3;
	v4 =	vbroadcast v4, $0xF  }
0x1cf: {  	[tilespmem:v13+s30+$0x0] =	vst.idx.msk $0x1, v2  }
0x1d0: {  	s10 =	simm.s32 $0x117C0;
	[tilespmem:v5+s30+$0x0] =	vst.idx.msk $0x1, v4  }
0x1d1: {  	v2 =	vld [tilespmem:s10+$0x10]  }
0x1d2: {  	v3 =	vld [tilespmem:s10+$0xFFFFFFE0]  }
0x1d3: {  	v4 =	vld [tilespmem:s10+$0x30];
	_ =	sdelay $0x2  }
0x1d4: {  	(xrf2) =	vadd.scan.msk.f32 $0xffff, v2  }
0x1d5: {  	(xrf2) =	vadd.scan.msk.f32 $0xffff, v3  }
0x1d6: {  	v5 =	vld [tilespmem:s10+$0x20];
	(xrf2) =	vadd.scan.msk.f32 $0xffff, v4  }
0x1d7: {  	v6 =	vld [tilespmem:s10+$0xFFFFFFF0]  }
0x1d8: {  	v7 =	vld [tilespmem:s10+$0xFFFFFFD0]  }
0x1d9: {  	v2 =	vld [tilespmem:s10+$0xFFFFFFC0]  }
0x1da: {  	s7 =	simm.s32 $0x11840;
	v3 =	vld [tilespmem:s10+$0x0]  }
0x1db: {  	v4 =	vld [tilespmem:s7+$0x10];
	(xrf2) =	vadd.scan.msk.f32 $0xffff, v5  }
0x1dc: {  	(xrf2) =	vadd.scan.msk.f32 $0xffff, v6  }
0x1dd: {  	(xrf2) =	vadd.scan.msk.f32 $0xffff, v7  }
0x1de: {  	v5, _, _ =	vpop (xrf2);
	(xrf2) =	vadd.scan.msk.f32 $0xffff, v2  }
0x1df: {  	s9 =	simm.s32 $0x202;
	v2, _, _ =	vpop (xrf2);
	(xrf2) =	vadd.scan.msk.f32 $0xffff, v3  }
0x1e0: {  	s20 =	simm.s32 $0x205;
	v55 =	vmov s9;
	s9 =	simm.s32 $0x20D;
	v3, _, _ =	vpop (xrf2);
	(xrf2) =	vadd.scan.msk.f32 $0xffff, v4  }
0x1e1: {  	v59 =	vmov s9;
	v11 =	vand.u32 $0xFFFFFFFA, v55;
	v8 =	vld [tilespmem:s7+$0xFFFFFFE0];
	s10 =	simm.s32 $0x206;
	v7 =	vmov s20  }
0x1e2: {  	s19 =	simm.s32 $0x201;
	v11 =	vbroadcast v11, $0x0;
	v57 =	vmov s10;
	v7 =	vand.u32 $0xFFFFFFFD, v7  }
0x1e3: {  	s10 =	simm.s32 $0x203;
	v13 =	vand.u32 $0xFFFFFFFE, v57;
	v6 =	vmov s19;
	v7 =	vbroadcast v7, $0x0  }
0x1e4: {  	v10 =	vld [tilespmem:s7+$0x30];
	v16 =	vmov s10;
	v13 =	vbroadcast v13, $0x0;
	v6 =	vand.u32 $0xFFFFFFF9, v6;
	s20 =	simm.s32 $0x200  }
0x1e5: {  	s19 =	simm.s32 $0x207;
	v6 =	vbroadcast v6, $0x0;
	v58 =	vmov s20;
	v5 =	vadd.f32 $0.0e+00, v5;
	v4, _, _ =	vpop (xrf2)  }
0x1e6: {  	v17 =	vld [tilespmem:s7+$0x20];
	v14 =	vand.u32 $0xFFFFFFF8, v58;
	v2 =	vadd.f32 $0.0e+00, v2;
	(xrf2) =	vadd.scan.msk.f32 $0xffff, v8;
	v8 =	vmov s19;
	v54, _, _ =	vpop (xrf2)  }
0x1e7: {  	v14 =	vbroadcast v14, $0x0;
	v5 =	vbroadcast v5, $0xF;
	v3 =	vadd.f32 $0.0e+00, v3;
	v56, _, _ =	vpop (xrf2)  }
0x1e8: {  	v4 =	vadd.f32 $0.0e+00, v4;
	v2 =	vbroadcast v2, $0xF;
	v12 =	vadd.f32 $0.0e+00, v56;
	v60, _, _ =	vpop (xrf2)  }
0x1e9: {  	(xrf2) =	vadd.scan.msk.f32 $0xffff, v10;
	v10 =	vand.u32 $0xFFFFFFFD, v59;
	v3 =	vbroadcast v3, $0xF;
	[tilespmem:v7+s30+$0x0] =	vst.idx.msk $0x1, v5;
	v5 =	vld [tilespmem:s7+$0xFFFFFFF0];
	v18, _, _ =	vpop (xrf2)  }
0x1ea: {  	v4 =	vbroadcast v4, $0xF;
	[tilespmem:v11+s30+$0x0] =	vst.idx.msk $0x1, v2;
	v12 =	vbroadcast v12, $0xF;
	v2 =	vadd.f32 $0.0e+00, v60;
	v7, _, _ =	vpop (xrf2)  }
0x1eb: {  	s20 =	simm.s32 $0x204;
	[tilespmem:v8+s30+$0x0] =	vst.idx.msk $0x1, v3;
	(xrf2) =	vadd.scan.msk.f32 $0xffff, v17;
	v3 =	vadd.f32 $0.0e+00, v7;
	v7 =	vadd.f32 $0.0e+00, v54  }
0x1ec: {  	v19 =	vld [tilespmem:s7+$0xFFFFFFD0];
	v16 =	vand.u32 $0xFFFFFFFB, v16;
	v10 =	vbroadcast v10, $0x0;
	[tilespmem:v13+s30+$0x0] =	vst.idx.msk $0x1, v4;
	v4 =	vmov s20  }
0x1ed: {  	[tilespmem:v6+s30+$0x0] =	vst.idx.msk $0x1, v12;
	v6 =	vbroadcast v2, $0xF;
	v63 =	vbroadcast v7, $0xF;
	v7 =	vadd.f32 $0.0e+00, v18  }
0x1ee: {  	v8 =	vbroadcast v16, $0x0;
	(xrf2) =	vadd.scan.msk.f32 $0xffff, v5;
	v5 =	vand.u32 $0xFFFFFFFC, v4  }
0x1ef: {  	v61 =	vld [tilespmem:s7+$0xFFFFFFC0];
	[tilespmem:v14+s30+$0x0] =	vst.idx.msk $0x1, v6;
	v6 =	vbroadcast v7, $0xF;
	v7 =	vbroadcast v5, $0x0  }
0x1f0: {  	v3 =	vbroadcast v3, $0xF  }
0x1f1: {  	v4, _, _ =	vpop (xrf2);
	(xrf2) =	vadd.scan.msk.f32 $0xffff, v19  }
0x1f2: {  	s19 =	simm.s32 $0x209;
	[tilespmem:v10+s30+$0x0] =	vst.idx.msk $0x1, v3;
	v3 =	vld [tilespmem:s7+$0x0]  }
0x1f3: {  	v62 =	vmov s19  }
0x1f4: {  	s6 =	simm.s32 $0x8;
	v2 =	vand.u32 $0xFFFFFFF9, v62;
	(xrf2) =	vadd.scan.msk.f32 $0xffff, v61;
	v5, _, _ =	vpop (xrf2);
	s7 =	simm.s32 $0x118C0;
	[tilespmem:v8+s30+$0x0] =	vst.idx.msk $0x1, v63  }
.LBB2_15:
0x1f5: {  	s8 =	sadd.s32 $0x209, s6;
	v8 =	vld [tilespmem:s7+$0x10];
	v9, _, _ =	vpop (xrf2);
	[tilespmem:v7+s30+$0x0] =	vst.idx.msk $0x1, v6;
	s9 =	smov.u32 s6;
	s6 =	sadd.s32 $0x8, s6  }
0x1f6: {  	v10 =	vld [tilespmem:s7+$0xFFFFFFC0];
	v6 =	vmov s8;
	p1 =	slt.u32 s6, $0xF8  }
0x1f7: {  	v6 =	vand.u32 $0xFFFFFFF9, v6;
	(xrf2) =	vadd.scan.msk.f32 $0xffff, v3;
	v3 =	vld [tilespmem:s7+$0x0]  }
0x1f8: {  	v7 =	vld [tilespmem:s7+$0xFFFFFFE0];
	v11, _, _ =	vpop (xrf2)  }
0x1f9: {  	v12 =	vld [tilespmem:s7+$0xFFFFFFD0]  }
0x1fa: {  	s8 =	sadd.s32 $0x20A, s0;
	(xrf2) =	vadd.scan.msk.f32 $0xffff, v8  }
0x1fb: {  	v13 =	vbroadcast v2, $0x0;
	v14 =	vmov s8;
	s8 =	sadd.s32 $0x20E, s0;
	v2 =	vmov v6;
	v8 =	vld [tilespmem:s7+$0x30];
	v15, _, _ =	vpop (xrf2)  }
0x1fc: {  	s10 =	sadd.s32 $0x20B, s0;
	v14 =	vand.u32 $0xFFFFFFFA, v14;
	v16 =	vmov s8;
	s8 =	sadd.s32 $0x20F, s0;
	v6 =	vld [tilespmem:s7+$0x20];
	v15 =	vadd.f32 $0.0e+00, v15  }
0x1fd: {  	s19 =	sadd.s32 $0x208, s0;
	v5 =	vadd.f32 $0.0e+00, v5;
	v17 =	vld [tilespmem:s7+$0xFFFFFFF0];
	(xrf2) =	vadd.scan.msk.f32 $0xffff, v7;
	v7 =	vbroadcast v14, $0x0;
	v14 =	vmov s8  }
0x1fe: {  	v11 =	vadd.f32 $0.0e+00, v11;
	v16 =	vand.u32 $0xFFFFFFFE, v16;
	v15 =	vbroadcast v15, $0xF;
	v18, _, _ =	vpop (xrf2)  }
0x1ff: {  	v4 =	vadd.f32 $0.0e+00, v4;
	v19 =	vmov s19;
	v5 =	vbroadcast v5, $0xF  }
0x200: {  	v9 =	vadd.f32 $0.0e+00, v9;
	v11 =	vbroadcast v11, $0xF;
	s8 =	sadd.s32 $0x20D, s9;
	(xrf2) =	vadd.scan.msk.f32 $0xffff, v8;
	v8 =	vmov s10;
	s10 =	sadd.s32 $0x20C, s0;
	s0 =	smov.u32 s9  }
0x201: {  	v19 =	vand.u32 $0xFFFFFFF8, v19;
	v23 =	vbroadcast v4, $0xF;
	v20 =	vmov s8;
	v21, _, _ =	vpop (xrf2)  }
0x202: {  	v9 =	vbroadcast v9, $0xF;
	v20 =	vand.u32 $0xFFFFFFFD, v20;
	v22 =	vmov s10;
	[tilespmem:v14+s30+$0x0] =	vst.idx.msk $0x1, v5  }
0x203: {  	v5 =	vbroadcast v20, $0x0;
	v14 =	vbroadcast v16, $0x0;
	(xrf2) =	vadd.scan.msk.f32 $0xffff, v6;
	[tilespmem:v7+s30+$0x0] =	vst.idx.msk $0x1, v23  }
0x204: {  	v6 =	vand.u32 $0xFFFFFFFB, v8;
	v7 =	vadd.f32 $0.0e+00, v21;
	v8 =	vand.u32 $0xFFFFFFFC, v22;
	v4, _, _ =	vpop (xrf2)  }
0x205: {  	v16 =	vbroadcast v19, $0x0;
	v19 =	vbroadcast v6, $0x0;
	v20 =	vadd.f32 $0.0e+00, v4  }
0x206: {  	v6 =	vbroadcast v7, $0xF;
	v7 =	vbroadcast v8, $0x0;
	(xrf2) =	vadd.scan.msk.f32 $0xffff, v17;
	[tilespmem:v13+s30+$0x0] =	vst.idx.msk $0x1, v15  }
0x207: {  	v13 =	vadd.f32 $0.0e+00, v18;
	v8 =	vbroadcast v20, $0xF;
	v4, _, _ =	vpop (xrf2)  }
.Ltmp7:
0x208: {  	(pc) =	sbr.rel @p1 .LBB2_15-.Ltmp7, $4  }
0x209: {  	(xrf2) =	vadd.scan.msk.f32 $0xffff, v12;
	v12 =	vbroadcast v13, $0xF;
	[tilespmem:v14+s30+$0x0] =	vst.idx.msk $0x1, v9  }
0x20a: {  	[tilespmem:v5+s30+$0x0] =	vst.idx.msk $0x1, v8;
	v5, _, _ =	vpop (xrf2)  }
0x20b: {  	[tilespmem:v16+s30+$0x0] =	vst.idx.msk $0x1, v12  }
0x20c: {  	s7 =	sadd.s32 $0x80, s7;
	(xrf2) =	vadd.scan.msk.f32 $0xffff, v10;
	[tilespmem:v19+s30+$0x0] =	vst.idx.msk $0x1, v11  }
0x20d: {  	v8, _, _ =	vpop (xrf2);
	(xrf2) =	vadd.scan.msk.f32 $0xffff, v3  }
0x20e: {  	s6 =	sadd.s32 $0x20A, s0;
	v2 =	vbroadcast v2, $0x0  }
0x20f: {  	s10 =	sadd.s32 $0x20E, s0;
	s19 =	sadd.s32 $0x20F, s0;
	v5 =	vadd.f32 $0.0e+00, v5;
	v4 =	vadd.f32 $0.0e+00, v4;
	v9 =	vmov s6  }
0x210: {  	s7 =	sadd.s32 $0x208, s0;
	v11 =	vmov s10;
	v12 =	vmov s19;
	v9 =	vand.u32 $0xFFFFFFFA, v9  }
0x211: {  	s8 =	sadd.s32 $0x20B, s0;
	v13 =	vmov s7;
	v11 =	vand.u32 $0xFFFFFFFE, v11;
	v9 =	vbroadcast v9, $0x0  }
0x212: {  	s20 =	sadd.s32 $0x20C, s0;
	v14 =	vmov s8;
	v8 =	vadd.f32 $0.0e+00, v8;
	v11 =	vbroadcast v11, $0x0  }
0x213: {  	v15 =	vmov s20;
	v5 =	vbroadcast v5, $0xF;
	v14 =	vand.u32 $0xFFFFFFFB, v14;
	v3, _, _ =	vpop (xrf2)  }
0x214: {  	v13 =	vand.u32 $0xFFFFFFF8, v13;
	v4 =	vbroadcast v4, $0xF;
	v14 =	vbroadcast v14, $0x0;
	v10, _, _ =	vpop (xrf2)  }
0x215: {  	[tilespmem:v7+s30+$0x0] =	vst.idx.msk $0x1, v6;
	v60 =	vand.u32 $0xFFFFFFFC, v15;
	v13 =	vbroadcast v13, $0x0;
	v10 =	vadd.f32 $0.0e+00, v10  }
0x216: {  	v61 =	vbroadcast v60, $0x0;
	v8 =	vbroadcast v8, $0xF;
	v3 =	vadd.f32 $0.0e+00, v3;
	[tilespmem:v12+s30+$0x0] =	vst.idx.msk $0x1, v5;
	v59, _, _ =	vpop (xrf2)  }
0x217: {  	v10 =	vbroadcast v10, $0xF;
	[tilespmem:v9+s30+$0x0] =	vst.idx.msk $0x1, v4;
	v6 =	vadd.f32 $0.0e+00, v59;
	v62, _, _ =	vpop (xrf2)  }
0x218: {  	v3 =	vbroadcast v3, $0xF;
	[tilespmem:v11+s30+$0x0] =	vst.idx.msk $0x1, v8;
	v63 =	vadd.f32 $0.0e+00, v62  }
0x219: {  	[tilespmem:v2+s30+$0x0] =	vst.idx.msk $0x1, v10;
	v2 =	vbroadcast v6, $0xF  }
0x21a: {  	s3 =	sadd.s32 $0x1, s3;
	[tilespmem:v14+s30+$0x0] =	vst.idx.msk $0x1, v3;
	v4 =	vbroadcast v63, $0xF  }
0x21b: {  	p1 =	sne.s32 s3, s18;
	[tilespmem:v13+s30+$0x0] =	vst.idx.msk $0x1, v2  }
.Ltmp8:
0x21c: {  	[tilespmem:v61+s30+$0x0] =	vst.idx.msk $0x1, v4;
	(pc) =	sbr.rel @p1 .LBB2_1-.Ltmp8, $4  }
0x21d: {  	[hbm4b:s17+s5] =	stream.linear.scatter [tilespmem:s30], [sflag:$0x3], $0x300, $0x38;
	[tilespmem:$0x12A80] =	vst v63  }
0x21e: {  	_ =	swait.ge [sflag:s31], $0x300  }
0x21f: {  	[sflag:s31] =	ssyncset.done $0x0  }
0x220: {  	[sflag:s31] =	ssyncadd.s32 $0xFFFFFD00  }
0x221: {  	_ =	sfence.sel $0x180000  }
0x222: {  	[bflag:$0x0] =	sbarrier.arrive $0xFFFF  }
0x223: {  	_ =	strace $0x90000047  }
0x224: {  	s0 =	stileid.u32;
	[bflag:$0x2] =	sbarrier.arrive $0xFFFF  }
0x225: {  	p0 =	sne.s32 s0, $0x0;
	s0 =	rddreg [dreg:$0x4]  }
0x226: {  	s0 =	sadd.s32 @!p0 $0x100000, s0  }
0x227: {  	[sflag:s0] =	ssyncadd.tile.s32 @!p0 $0x1;
	_ =	shalt  }
.Lfunc_end2:
_tile_overlayer_lowered:
.L_overlay_start_2:
0x228: {  	(tag) =	ssettag $0x2  }
0x229: {  	s0 =	rddreg [dreg:$0x0];
	s2 =	stileid.u32  }
0x22a: {  	s1 =	rddreg [dreg:$0x1];
	p0 =	sne.s32 s2, $0x0  }
0x22b: {  	s3 =	rddreg [dreg:$0x2];
	[bflag:$0x3] =	sbarrier.arrive $0xFFFF;
	s2 =	simm.s32 @!p0 $0x1C03  }
0x22c: {  	[timem:s3], [sflag:s2] =	dma.local @!p0 [hbm:s0], s1  }
0x22d: {  	s0 =	simm.s32 @!p0 $0x3  }
0x22e: {  	_ =	swait.ge @!p0 [sflag:s0], s1  }
0x22f: {  	s1 =	ssub.s32 @!p0 $0x0, s1;
	[sflag:s0] =	ssyncset.done @!p0 $0x0  }
0x230: {  	[sflag:s0] =	ssyncadd.s32 @!p0 s1  }
0x231: {  	[bflag:$0x3] =	sbarrier.arrive $0xFFFF  }
0x232: {  	_ =	shalt  }

// kernel: kernel.8.cloned.1.call-start
scs
__scs_entry_jumppad:
0x0: {  	(pc) =	sbr.rel $0x88, $3  }
0x1: {  	(tag) =	ssettag $0x0;
	lr =	simm.s32 $0x1  }
0x2: {  	[smem:$0x3F9E] =	sst lr;
	_ =	strace $0xD0000000  }
0x3: {  	_ = 	snop  }
0x4: {  	_ = 	snop  }
0x5: {  	_ = 	snop  }
0x6: {  	_ = 	snop  }
0x7: {  	_ = 	snop  }
__scs_overlays_trampoline_lowered:
0x8: {  	[smem:$0x3FAD] =	sst s0  }
0x9: {  	[smem:$0x3FAE] =	sst s1  }
0xa: {  	[smem:$0x3FAF] =	sst s2  }
0xb: {  	[smem:$0x3FB0] =	sst s3  }
0xc: {  	[smem:$0x3FB1] =	sst s4  }
0xd: {  	[smem:$0x3FB2] =	sst s5  }
0xe: {  	[smem:$0x3FB3] =	sst s6  }
0xf: {  	[smem:$0x3FB4] =	sst s7  }
0x10: {  	[smem:$0x3FB5] =	sst s8  }
0x11: {  	[smem:$0x3FB6] =	sst s9;
	s0 =	simm.s32 @!p0 $0x0  }
0x12: {  	s1 =	sld [smem:$0x3F9C];
	s0 =	simm.s32 @p0 $0x1  }
0x13: {  	[smem:$0x3FB7] =	sst s0;
	s0 =	simm.s32 @!p1 $0x0  }
0x14: {  	s2 =	sld [smem:$0x3F9B];
	s0 =	simm.s32 @p1 $0x1  }
0x15: {  	[smem:$0x3FB8] =	sst s0;
	s0 =	simm.s32 @!p2 $0x0  }
0x16: {  	s3 =	sld [smem:$0x3FDB];
	s0 =	simm.s32 @p2 $0x1  }
0x17: {  	s4 =	simm.s32 $0x1BF5;
	[smem:$0x3FBA] =	sst s0  }
0x18: {  	s0 =	sld [smem:$0x3F9D];
	_ =	swait.ge [sflag:s4], $0x0  }
0x19: {  	s7 =	sld [smem:$0x3F9E]  }
0x1a: {  	s8 =	sadd.s32 $0xFFFFE003, lr  }
0x1b: {  	s9 =	sadd.s32 $0xFFFFFEF7, lr;
	s5 =	simm.s32 $0xFFFFFFFF;
	p2 =	slt.u32 s8, $0xFFFFF086  }
0x1c: {  	p1 =	slt.u32 s9, $0xF7A;
	s5 =	simm.s32 @!p2 $0x0  }
0x1d: {  	s5 =	simm.s32 @p1 $0x1;
	p0 =	seq.s32 s7, s2  }
0x1e: {  	s7 =	smul.u32 @!p0 $0xF7A, s2;
	p2 =	seq.s32 @!p0 s5, $0x0  }
0x1f: {  	s9 =	smul.u32 $0xF7A, s1;
	s8 =	simm.s32 @!p0 $0x1BF5;
	p2 =	por !p2, p0  }
0x20: {  	[sflag:s8] =	ssyncset.s32 @!p0 $0xFFFFF086;
	s6 =	sadd.s32 @!p0 s3, s7;
	s7 =	simm.s32 @!p0 $0x108  }
0x21: {  	s3 =	sadd.s32 s3, s9;
	s6 =	sadd.s32 @!p0 $0x88, s6;
	s7 =	simm.s32 @p2 $0x1082  }
0x22: {  	[simem:s7], [sflag:s8] =	dma.local @!p0 [hbm:s6], $0xF7A  }
0x23: {  	s9 =	sor.u32 $0xD0000000, s2;
	s6 =	simm.s32 $0x108;
	_ =	swait.ge @!p0 [sflag:s8], $0x0  }
0x24: {  	s3 =	sadd.s32 $0x88, s3;
	s6 =	simm.s32 @!p1 $0x1082;
	[sflag:s4] =	ssyncset.s32 $0xFFFFF086  }
0x25: {  	[simem:s6], [sflag:s4] =	dma.local [hbm:s3], $0xF7A  }
0x26: {  	[smem:$0x3F9E] =	sst s1;
	(tag) =	ssettag s2;
	_ =	strace s9  }
0x27: {  	s1 =	sld [smem:$0x3FAE]  }
0x28: {  	s2 =	sld [smem:$0x3FAF]  }
0x29: {  	s4 =	sld [smem:$0x3FB1]  }
0x2a: {  	p0 =	seq.s32 s5, $0x0;
	s5 =	sld [smem:$0x3FB2]  }
0x2b: {  	s6 =	sld [smem:$0x3FB3]  }
0x2c: {  	s7 =	sld [smem:$0x3FB4]  }
0x2d: {  	s3 =	simm.s32 $0x108;
	s8 =	sld [smem:$0x3FB5]  }
0x2e: {  	s3 =	simm.s32 @!p0 $0x1082;
	s9 =	sld [smem:$0x3FB6]  }
0x2f: {  	lr =	sadd.s32 s0, s3;
	s0 =	sld [smem:$0x3FAD]  }
0x30: {  	s3 =	sld [smem:$0x3FB0]  }
0x31: {  	[smem:$0x3FB9] =	sst s10  }
0x32: {  	s10 =	sld [smem:$0x3FB7];
	_ =	sdelay $0x3  }
0x33: {  	p0 =	seq.s32 s10, $0x1;
	s10 =	sld [smem:$0x3FB9];
	_ =	sdelay $0x3  }
0x34: {  	[smem:$0x3FB9] =	sst s10  }
0x35: {  	s10 =	sld [smem:$0x3FB8];
	_ =	sdelay $0x3  }
0x36: {  	p1 =	seq.s32 s10, $0x1;
	s10 =	sld [smem:$0x3FB9];
	_ =	sdelay $0x3  }
0x37: {  	[smem:$0x3FB9] =	sst s10  }
0x38: {  	s10 =	sld [smem:$0x3FBA]  }
0x39: {  	_ = 	snop;
	(pc) =	sbr.ind lr, $3  }
0x3a: {  	_ = 	snop  }
0x3b: {  	_ = 	snop  }
0x3c: {  	p2 =	seq.s32 s10, $0x1;
	s10 =	sld [smem:$0x3FB9]  }
0x3d: {  	_ =	shalt  }
0x3e: {  	_ =	shalt  }
0x3f: {  	_ =	shalt  }
0x40: {  	_ =	shalt  }
0x41: {  	_ =	shalt  }
0x42: {  	_ =	shalt  }
0x43: {  	_ =	shalt  }
0x44: {  	_ =	shalt  }
0x45: {  	_ =	shalt  }
0x46: {  	_ =	shalt  }
0x47: {  	_ =	shalt  }
0x48: {  	_ =	shalt  }
0x49: {  	_ =	shalt  }
0x4a: {  	_ =	shalt  }
0x4b: {  	_ =	shalt  }
0x4c: {  	_ =	shalt  }
0x4d: {  	_ =	shalt  }
0x4e: {  	_ =	shalt  }
0x4f: {  	_ =	shalt  }
0x50: {  	_ =	shalt  }
0x51: {  	_ =	shalt  }
0x52: {  	_ =	shalt  }
0x53: {  	_ =	shalt  }
0x54: {  	_ =	shalt  }
0x55: {  	_ =	shalt  }
0x56: {  	_ =	shalt  }
0x57: {  	_ =	shalt  }
0x58: {  	_ =	shalt  }
0x59: {  	_ =	shalt  }
0x5a: {  	_ =	shalt  }
0x5b: {  	_ =	shalt  }
0x5c: {  	_ =	shalt  }
0x5d: {  	_ =	shalt  }
0x5e: {  	_ =	shalt  }
0x5f: {  	_ =	shalt  }
0x60: {  	_ =	shalt  }
0x61: {  	_ =	shalt  }
0x62: {  	_ =	shalt  }
0x63: {  	_ =	shalt  }
0x64: {  	_ =	shalt  }
0x65: {  	_ =	shalt  }
0x66: {  	_ =	shalt  }
0x67: {  	_ =	shalt  }
0x68: {  	_ =	shalt  }
0x69: {  	_ =	shalt  }
0x6a: {  	_ =	shalt  }
0x6b: {  	_ =	shalt  }
0x6c: {  	_ =	shalt  }
0x6d: {  	_ =	shalt  }
0x6e: {  	_ =	shalt  }
0x6f: {  	_ =	shalt  }
0x70: {  	_ =	shalt  }
0x71: {  	_ =	shalt  }
0x72: {  	_ =	shalt  }
0x73: {  	_ =	shalt  }
0x74: {  	_ =	shalt  }
0x75: {  	_ =	shalt  }
0x76: {  	_ =	shalt  }
0x77: {  	_ =	shalt  }
0x78: {  	_ =	shalt  }
0x79: {  	_ =	shalt  }
0x7a: {  	_ =	shalt  }
0x7b: {  	_ =	shalt  }
0x7c: {  	_ =	shalt  }
0x7d: {  	_ =	shalt  }
0x7e: {  	_ =	shalt  }
0x7f: {  	_ =	shalt  }
0x80: {  	_ =	shalt  }
0x81: {  	_ =	shalt  }
0x82: {  	_ =	shalt  }
0x83: {  	_ =	shalt  }
0x84: {  	_ =	shalt  }
0x85: {  	_ =	shalt  }
0x86: {  	_ =	shalt  }
0x87: {  	_ =	shalt  }
.Lfunc_end0:
.L_simem_size_0:
called_computation.1_lowered:
.L_overlay_start_0:
0x88: {  	s2 =	sld [smem:$0x3FD9]  }
0x89: {  	s3 =	sld [smem:$0x3FFE];
	_ =	sdelay $0x1  }
0x8a: {  	s1 =	srdreg.scid  }
0x8b: {  	s0 =	sand.u32 $0x1, s1  }
0x8c: {  	s17 =	sshll.u32 s0, $0xA;
	s2 =	sadd.s32 s3, s2  }
0x8d: {  	s2 =	sadd.s32 s2, s17  }
0x8e: {  	[smem:$0x3FC5] =	sst s2  }
0x8f: {  	_ = 	snop  }
0x90: {  	s2 =	sld [smem:$0x3FC9]  }
0x91: {  	s18 =	sld [smem:$0x3FC8]  }
0x92: {  	s4 =	sld [smem:$0x3FC7];
	(tm) =	ssettm $0x1  }
0x93: {  	s5 =	sld [smem:$0x3FFB];
	_ =	sdelay $0x3  }
0x94: {  	_ =	strace s5  }
0x95: {  	s5 =	sld [smem:$0x3FFC];
	_ =	sdelay $0x3  }
0x96: {  	_ =	strace s5  }
0x97: {  	s5 =	sld [smem:$0x3FFD];
	_ =	sdelay $0x3  }
0x98: {  	_ =	strace s5  }
0x99: {  	_ =	strace $0x8FFFFFFF  }
0x9a: {  	s19 =	sld [smem:$0x3FDB];
	_ =	sdelay $0x1  }
0x9b: {  	s6 =	simm.s32 $_scs_section_size  }
0x9c: {  	s7 =	simm.s32 $_size__tile_overlayer_lowered;
	s8 =	simm.s32 $_tile_overlayer_lowered  }
0x9d: {  	s22 =	simm.s32 $0x1BFF;
	s21 =	sshll.u32 s8, $0x1;
	s5 =	sadd.s32 s6, s19  }
0x9e: {  	s9 =	simm.s32 $0x0;
	s20 =	sshll.u32 s7, $0x1;
	s7 =	sadd.s32 s21, s5  }
0x9f: {  	[timem:s9], [sflag:s22] =	dma.local [hbm:s7], s20  }
0xa0: {  	_ =	swait.ge [sflag:s22], s20  }
0xa1: {  	s6 =	ssub.s32 $0x0, s20;
	[sflag:s22] =	ssyncset.done $0x0  }
0xa2: {  	[sflag:s22] =	ssyncadd.s32 s6;
	_ =	sdelay $0x1  }
0xa3: {  	s23 =	simm.s32 $0x1B8B  }
0xa4: {  	_ =	swait.ge [sflag:s23], $0x1  }
0xa5: {  	[sflag:s23] =	ssyncset.done $0x0  }
0xa6: {  	s25 =	simm.s32 $0x1B8E;
	s24 =	sld [smem:$0x3FFE];
	[sflag:s23] =	ssyncadd.s32 $0xFFFFFFFF  }
0xa7: {  	s26 =	simm.s32 $execute0_lowered;
	[smem:$0x3FD2] =	sst s25  }
0xa8: {  	s7 =	sshll.u32 s26, $0x1;
	_ =	strace $0x80000049;
	[dreg:$0x1] =	wrdreg $0xFFFFFFFF  }
0xa9: {  	s28 =	simm.s32 $_size_execute0_lowered;
	s5 =	sadd.s32 s5, s7;
	[dreg:$0x0] =	wrdreg $0x0  }
0xaa: {  	s7 =	sshll.u32 s28, $0x1;
	[dreg:$0x2] =	wrdreg s5  }
0xab: {  	[dreg:$0x3] =	wrdreg s7  }
0xac: {  	[dreg:$0x4] =	wrdreg $0xC0  }
0xad: {  	_ =	task [dreg:s9], $0x5FFFF  }
0xae: {  	[dreg:$0x1] =	wrdreg $0xFFFFFFFF  }
0xaf: {  	[dreg:$0x0] =	wrdreg $0x60  }
0xb0: {  	[dreg:$0x2] =	wrdreg s2  }
0xb1: {  	[dreg:$0x3] =	wrdreg s18  }
0xb2: {  	[dreg:$0x4] =	wrdreg s4  }
0xb3: {  	[dreg:$0x5] =	wrdreg s24  }
0xb4: {  	[dreg:$0x6] =	wrdreg $0x9  }
0xb5: {  	_ =	task.clear_ibuf [dreg:s9], $0x7FFFF;
	_ =	strace $0x90000049  }
0xb6: {  	s29 =	simm.s32 $0x9;
	_ =	strace $0x8000004B  }
0xb7: {  	_ =	swait.ge [sflag:s29], $0x1  }
0xb8: {  	[sflag:s29] =	ssyncadd.s32 $0xFFFFFFFF  }
0xb9: {  	_ =	strace $0x9000004B  }
0xba: {  	_ =	sfence  }
0xbb: {  	s30 =	sld [smem:$0x0];
	_ =	sdelay $0x2  }
0xbc: {  	s31 =	sshll.u32 s1, $0xD;
	s1 =	sshrl.u32 s1, $0x2  }
0xbd: {  	s3 =	sand.u32 $0x4000, s31;
	s1 =	sadd.s32 s1, s30  }
0xbe: {  	s0 =	sor.u32 s3, s0;
	s1 =	sshll.u32 s1, $0x11  }
0xbf: {  	s0 =	sor.u32 s1, s0  }
0xc0: {  	s0 =	sadd.s32 $0x8F2B, s0  }
0xc1: {  	[sflag:s0] =	ssyncadd.remote.s32 $0x1  }
0xc2: {  	_ =	sfence.sel $0xFFFF  }
0xc3: {  	[dreg:$0x0] =	wrdreg $0xFFFFFFFF;
	(pc) =	sbr.abs _section_cstart, $3  }
0xc4: {  	[dreg:$0x1] =	wrdreg $0xFFFFFFFF  }
0xc5: {  	_ =	task.clear_ibuf [dreg:s9], $0x2FFFF;
	_ =	strace $0x9FFFFFFF  }
0xc6: {  	(tm) =	ssettm $0x7FFFFFFF  }
0xc7: {  	_ =	shalt  }
tec
execute0_lowered:
.L_overlay_start_1:
0x0: {  	(tag) =	ssettag $0x1  }
0x1: {  	s1 =	rddreg [dreg:$0x0]  }
0x2: {  	s2 =	rddreg [dreg:$0x1]  }
0x3: {  	s4 =	rddreg [dreg:$0x2]  }
0x4: {  	s0 =	rddreg [dreg:$0x3]  }
0x5: {  	s3 =	srdreg.scid;
	s11 =	stileid.u32  }
0x6: {  	s5 =	simm.s32 $0x0;
	s28 =	simm.s32 $0x3;
	s29 =	simm.s32 $0x1  }
0x7: {  	s30 =	simm.s32 $0x7780;
	s31 =	simm.s32 $0x8980;
	s3 =	sand.u32 $0x1, s3  }
0x8: {  	s6 =	sshll.u32 s11, $0x1;
	[smem:$0x7FF] =	sst s5;
	p0 =	sgt.u32 s11, $0x3  }
0x9: {  	s7 =	sor.u32 s3, s6;
	_ =	strace $0x8000004A;
	s3 =	ssub.s32 $0x2, s3  }
0xa: {  	s8 =	smul.u32 $0xF420, s7;
	s7 =	sshll.u32 s7, $0x1;
	s9 =	sshrl.u32 s3, $0x1  }
0xb: {  	s6 =	sadd.s32 $0x800, s0;
	s0 =	sadd.s32 s7, s0;
	s3 =	ssub.s32 s3, s9  }
0xc: {  	s7 =	sor.u32 $0x3D080, s7;
	s10 =	sshrl.u32 s8, $0x3;
	s13 =	sadd.s32 $0x1B20, s8  }
0xd: {  	s14 =	sadd.s32 $0x28B0, s8;
	s25 =	sadd.s32 s1, s7;
	s26 =	sadd.s32 s2, s7  }
0xe: {  	s17 =	sadd.s32 s4, s7;
	s18 =	sadd.s32 $0x1400, s0;
	s19 =	sadd.s32 $0x1440, s0  }
0xf: {  	s20 =	smax.u32 s3, $0x1;
	s0 =	simm.s32 $0x9B80;
	[dreg:$0xb] =	wrdreg s25  }
0x10: {  	s3 =	simm.s32 $0x2;
	s21 =	sadd.s32 s1, s10;
	[dreg:$0xc] =	wrdreg s26  }
0x11: {  	s22 =	sadd.s32 $0x1B2, s10;
	s12 =	sadd.s32 s2, s10;
	[dreg:$0x5] =	wrdreg s21  }
.Ltmp0:
0x12: {  	s10 =	sadd.s32 s4, s10;
	[dreg:$0x6] =	wrdreg s12;
	(pc) =	sbr.rel .LBB2_1-.Ltmp0, $4  }
0x13: {  	s25 =	simm.s32 $0x4600;
	[dreg:$0x7] =	wrdreg s10;
	s23 =	sadd.s32 s1, s22  }
0x14: {  	s26 =	simm.s32 $0x5580;
	s24 =	sadd.s32 s2, s22;
	[dreg:$0x8] =	wrdreg s23  }
0x15: {  	s9 =	sadd.s32 s4, s22;
	s21 =	simm.s32 $0x0;
	[dreg:$0x9] =	wrdreg s24  }
0x16: {  	v0 =	vimm.f32 $0.0e+00;
	v1 =	vlaneseq.u32;
	[dreg:$0xa] =	wrdreg s9;
	s23 =	simm.s32 $0x2A00;
	s24 =	simm.s32 $0x3800  }
.LBB2_28:
0x17: {  	s7 =	simm.s32 @!p0 $0x0;
	s8 =	simm.s32 @!p0 $0x5400;
	s9 =	rddreg [dreg:$0xb]  }
0x18: {  	[tilespmem:s8], [sflag:$0x3] =	stream.linear.gather @!p0 [hbm4b:s9+s7], $0x10, $0x38;
	[tilespmem:$0xAE80] =	vst v63  }
0x19: {  	s8 =	simm.s32 @!p0 $0x3  }
0x1a: {  	_ =	swait.ge @!p0 [sflag:s8], $0x10  }
0x1b: {  	[sflag:s8] =	ssyncset.done @!p0 $0x0  }
0x1c: {  	s9 =	simm.s32 @!p0 $0x5480;
	s10 =	rddreg [dreg:$0xc];
	[sflag:s8] =	ssyncadd.s32 @!p0 $0xFFFFFFF0  }
0x1d: {  	[tilespmem:s9], [sflag:$0x3] =	stream.linear.gather @!p0 [hbm4b:s10+s7], $0x10, $0x38;
	[tilespmem:$0xAE80] =	vst v63  }
0x1e: {  	_ =	swait.ge @!p0 [sflag:s8], $0x10  }
0x1f: {  	[sflag:s8] =	ssyncset.done @!p0 $0x0  }
0x20: {  	s9 =	simm.s32 @!p0 $0x5500;
	[sflag:s8] =	ssyncadd.s32 @!p0 $0xFFFFFFF0  }
0x21: {  	[tilespmem:s9], [sflag:$0x3] =	stream.linear.gather @!p0 [hbm4b:s17+s7], $0x10, $0x38;
	[tilespmem:$0xAE80] =	vst v63  }
0x22: {  	_ =	swait.ge @!p0 [sflag:s8], $0x10  }
0x23: {  	[sflag:s8] =	ssyncset.done @!p0 $0x0  }
0x24: {  	[sflag:s8] =	ssyncadd.s32 @!p0 $0xFFFFFFF0  }
0x25: {  	v2 =	vld @!p0 [tilespmem:$0x5480];
	_ =	sdelay $0x4  }
0x26: {  	v4 =	vadd.f32 @!p0 $-1.500000060e-01, v2;
	_ =	sdelay $0x1  }
0x27: {  	v4 =	vmax.f32 @!p0 v4, $-8.000000000e+00  }
0x28: {  	v4 =	vmin.f32 @!p0 v4, $8.000000000e+00  }
0x29: {  	v4 =	vadd.f32 @!p0 $8.000000000e+00, v4;
	_ =	sdelay $0x1  }
0x2a: {  	v4 =	vmul.f32 @!p0 $1.600000000e+01, v4;
	_ =	sdelay $0x1  }
0x2b: {  	v4 =	vtrunc.f32 @!p0 v4  }
0x2c: {  	v4 =	vcvt.f32.s32 @!p0 v4;
	_ =	sdelay $0x1  }
0x2d: {  	v6 =	vlaneseq.u32 @!p0;
	v4 =	vshll.u32 @!p0 v4, $0x4  }
0x2e: {  	v4 =	vor.u32 @!p0 v6, v4;
	_ =	sdelay $0x3  }
0x2f: {  	s7 =	simm.s32 @!p0 $0x9B80  }
0x30: {  	v6 =	vld.idx.msk @!p0 [tilespmem:v4+s7+$0x0], $0xffff  }
0x31: {  	s7 =	simm.s32 @!p0 $0x8980  }
0x32: {  	v7 =	vld.idx.msk @!p0 [tilespmem:v4+s7+$0x0], $0xffff;
	_ =	sdelay $0x2  }
0x33: {  	v8 =	vld @!p0 [tilespmem:$0x5400];
	s7 =	simm.s32 @!p0 $0x7780;
	v6 =	vmul.f32 @!p0 v6, v2  }
0x34: {  	v4 =	vld.idx.msk @!p0 [tilespmem:v4+s7+$0x0], $0xffff  }
0x35: {  	v6 =	vadd.f32 @!p0 v6, v7;
	v7 =	vld @!p0 [tilespmem:$0x5500];
	_ =	sdelay $0x1  }
0x36: {  	v2 =	vmul.f32 @!p0 v6, v2;
	_ =	sdelay $0x1  }
0x37: {  	vm0 =	vgt.f32 @!p0 v8, $5.000000000e-01;
	v2 =	vadd.f32 @!p0 v2, v4  }
0x38: {  	v4 =	vsel @!p0 vm0, $0x0, v7  }
0x39: {  	v2 =	vmul.f32 @!p0 v2, v4  }
0x3a: {  	v4 =	vadd.f32 @!p0 v4, v3  }
0x3b: {  	v2 =	vadd.f32 @!p0 v2, v5  }
0x3c: {  	v3 =	vpsel p0, v3, v4  }
0x3d: {  	[tilespmem:$0xAE00] =	vst v3;
	v2 =	vpsel p0, v5, v2  }
0x3e: {  	s16 =	simm.s32 $0xAD80;
	[tilespmem:$0xAD80] =	vst v2  }
0x3f: {  	[hbm4b:s18+s5] =	stream.linear.scatter [tilespmem:s16], [sflag:$0x3], $0x10, $0x38;
	[tilespmem:$0xAE80] =	vst v63  }
0x40: {  	s21 =	sadd.s32 $0x1, s21;
	_ =	swait.ge [sflag:s28], $0x10  }
0x41: {  	p1 =	sne.s32 s21, s20;
	[sflag:s28] =	ssyncset.done $0x0  }
.Ltmp1:
0x42: {  	s22 =	simm.s32 $0xAE00;
	[sflag:s28] =	ssyncadd.s32 $0xFFFFFFF0;
	(pc) =	sbr.rel @!p1 .LBB2_29-.Ltmp1, $4  }
0x43: {  	[hbm4b:s19+s5] =	stream.linear.scatter [tilespmem:s22], [sflag:$0x3], $0x10, $0x38;
	[tilespmem:$0xAE80] =	vst v63  }
0x44: {  	_ =	swait.ge [sflag:s28], $0x10  }
0x45: {  	[sflag:s28] =	ssyncset.done $0x0  }
0x46: {  	[sflag:s28] =	ssyncadd.s32 $0xFFFFFFF0  }
.LBB2_1:
0x47: {  	s7 =	rddreg [dreg:$0x5]  }
0x48: {  	[tilespmem:s5], [sflag:$0x1] =	stream.linear.gather [hbm4b:s7+s5], $0xD90, $0x38;
	[tilespmem:$0xAE80] =	vst v63  }
0x49: {  	s10 =	rddreg [dreg:$0x6];
	s8 =	simm.s32 $0xE00  }
0x4a: {  	[tilespmem:s8], [sflag:$0x1] =	stream.linear.gather [hbm4b:s10+s5], $0xD90, $0x38;
	[tilespmem:$0xAE80] =	vst v63  }
0x4b: {  	s11 =	rddreg [dreg:$0x7];
	s12 =	simm.s32 $0x1C00  }
0x4c: {  	[tilespmem:s12], [sflag:$0x1] =	stream.linear.gather [hbm4b:s11+s5], $0xD90, $0x38;
	[tilespmem:$0xAE80] =	vst v63  }
0x4d: {  	s15 =	rddreg [dreg:$0x8]  }
0x4e: {  	[tilespmem:s23], [sflag:$0x2] =	stream.linear.gather [hbm4b:s15+s5], $0xD90, $0x38;
	[tilespmem:$0xAE80] =	vst v63  }
0x4f: {  	s16 =	rddreg [dreg:$0x9]  }
0x50: {  	[tilespmem:s24], [sflag:$0x2] =	stream.linear.gather [hbm4b:s16+s5], $0xD90, $0x38;
	[tilespmem:$0xAE80] =	vst v63  }
0x51: {  	s22 =	rddreg [dreg:$0xa];
	s7 =	simm.s32 $0x6DA0  }
0x52: {  	[tilespmem:s25], [sflag:$0x2] =	stream.linear.gather [hbm4b:s22+s5], $0xD90, $0x38;
	[tilespmem:$0xAE80] =	vst v63  }
0x53: {  	[tilespmem:s7+$0xFFFFFFE0] =	vst v0  }
0x54: {  	[tilespmem:s7+$0x10] =	vst v0  }
0x55: {  	s8 =	simm.s32 $0x0;
	[tilespmem:s7+$0x0] =	vst v0  }
.LBB2_2:
0x56: {  	s8 =	sadd.s32 $0x40, s8  }
0x57: {  	[tilespmem:s7+$0xFFFFFFF0] =	vst v0;
	s7 =	sadd.s32 $0x40, s7;
	p1 =	slt.u32 s8, $0x2C0  }
.Ltmp2:
0x58: {  	[tilespmem:s7+$0xFFFFFFE0] =	vst v0;
	(pc) =	sbr.rel @p1 .LBB2_2-.Ltmp2, $3  }
0x59: {  	_ =	sdelay $0x1  }
0x5a: {  	[tilespmem:s7+$0x10] =	vst v0  }
0x5b: {  	[tilespmem:s7+$0x0] =	vst v0  }
0x5c: {  	[tilespmem:s7+$0xFFFFFFF0] =	vst v0;
	s7 =	simm.s32 $0x0  }
.LBB2_4:
0x5d: {  	s8 =	smul.u32 $0x300, s7;
	_ =	sdelay $0x1  }
0x5e: {  	s8 =	sadd.s32 s6, s8  }
0x5f: {  	[tilespmem:s26], [sflag:$0x3] =	stream.linear.gather [hbm4b:s8+s5], $0x1800, $0x38;
	[tilespmem:$0xAE80] =	vst v63  }
0x60: {  	_ =	swait.ge [sflag:s28], $0x1800  }
0x61: {  	s9 =	simm.s32 $0x0;
	[sflag:s28] =	ssyncset.done $0x0  }
0x62: {  	s10 =	sand.u32 $0x3C0, s9;
	[sflag:s28] =	ssyncadd.s32 $0xFFFFE800  }
0x63: {  	v3 =	vld [tilespmem:s10+$0x6A80]  }
0x64: {  	v2 =	vld [tilespmem:s10+$0x6780]  }
0x65: {  	v4 =	vld [tilespmem:s10+$0x6480]  }
0x66: {  	v5 =	vld [tilespmem:s10+$0x6180]  }
0x67: {  	v6 =	vld [tilespmem:s10+$0x5E80]  }
0x68: {  	v7 =	vld [tilespmem:s10+$0x5B80]  }
0x69: {  	s8 =	simm.s32 $0x6DA0;
	v8 =	vld [tilespmem:s10+$0x5880]  }
0x6a: {  	v9 =	vld [tilespmem:s8+$0x10]  }
0x6b: {  	v11 =	vld [tilespmem:s8+$0xFFFFFFE0]  }
0x6c: {  	s10 =	simm.s32 $0x6190;
	v15 =	vld [tilespmem:s8+$0xFFFFFFF0]  }
0x6d: {  	v10 =	vld [tilespmem:s10+$0xFFFFF420]  }
0x6e: {  	v13 =	vld [tilespmem:s10+$0xFFFFF3F0]  }
0x6f: {  	v12 =	vld [tilespmem:s10+$0xFFFFF720]  }
0x70: {  	v58 =	vld [tilespmem:s8+$0x0]  }
0x71: {  	v14 =	vld [tilespmem:s10+$0xFFFFFA20]  }
0x72: {  	v16 =	vld [tilespmem:s10+$0xFFFFFD20];
	v9 =	vadd.f32 v10, v9  }
0x73: {  	v17 =	vld [tilespmem:s10+$0xFFFFF400];
	v10 =	vadd.f32 v13, v11  }
0x74: {  	v59 =	vld [tilespmem:s10+$0xFFFFF410];
	v9 =	vadd.f32 v12, v9  }
0x75: {  	v11 =	vld [tilespmem:s10+$0x20];
	v8 =	vadd.f32 v8, v10  }
0x76: {  	v60 =	vld [tilespmem:s10+$0xFFFFF700];
	v9 =	vadd.f32 v14, v9  }
0x77: {  	v10 =	vld [tilespmem:s10+$0x320];
	v7 =	vadd.f32 v7, v8  }
0x78: {  	v61 =	vld [tilespmem:s10+$0xFFFFF710];
	v9 =	vadd.f32 v16, v9  }
0x79: {  	v8 =	vld [tilespmem:s10+$0x620];
	v6 =	vadd.f32 v6, v7  }
0x7a: {  	v7 =	vld [tilespmem:s10+$0x920];
	v9 =	vadd.f32 v11, v9  }
0x7b: {  	v5 =	vadd.f32 v5, v6;
	v6 =	vld [tilespmem:s10+$0xFFFFFA00]  }
0x7c: {  	v62 =	vld [tilespmem:s10+$0xFFFFFA10];
	v11 =	vadd.f32 v17, v15;
	v9 =	vadd.f32 v10, v9  }
0x7d: {  	v4 =	vadd.f32 v4, v5;
	v5 =	vld [tilespmem:s10+$0xFFFFFD00];
	v10 =	vadd.f32 v59, v58  }
0x7e: {  	v63 =	vld [tilespmem:s10+$0xFFFFFD10];
	v11 =	vadd.f32 v60, v11;
	v8 =	vadd.f32 v8, v9  }
0x7f: {  	v4 =	vadd.f32 v2, v4;
	v9 =	vld [tilespmem:s10+$0x0];
	v10 =	vadd.f32 v61, v10  }
0x80: {  	v2 =	vld [tilespmem:s10+$0x10];
	v6 =	vadd.f32 v6, v11;
	v7 =	vadd.f32 v7, v8  }
0x81: {  	v8 =	vadd.f32 v3, v4;
	v3 =	vld [tilespmem:s10+$0x300];
	v10 =	vadd.f32 v62, v10  }
0x82: {  	v4 =	vld [tilespmem:s10+$0x310];
	v6 =	vadd.f32 v5, v6  }
0x83: {  	v5 =	vld [tilespmem:s10+$0x600];
	[tilespmem:s8+$0xFFFFFFE0] =	vst v8;
	v8 =	vadd.f32 v63, v10  }
0x84: {  	[tilespmem:s8+$0x10] =	vst v7;
	v7 =	vadd.f32 v9, v6;
	v6 =	vld [tilespmem:s10+$0x610]  }
.LBB2_5:
0x85: {  	s9 =	sadd.s32 $0x40, s9;
	v9 =	vld [tilespmem:s10+$0x900];
	v2 =	vadd.f32 v2, v8  }
0x86: {  	s11 =	sand.u32 $0x3C0, s9;
	p1 =	slt.u32 s9, $0x2C0;
	v3 =	vadd.f32 v3, v7;
	v7 =	vld [tilespmem:s10+$0x910]  }
0x87: {  	v8 =	vld [tilespmem:s11+$0x6A80];
	v2 =	vadd.f32 v4, v2  }
0x88: {  	v4 =	vld [tilespmem:s11+$0x6780];
	v3 =	vadd.f32 v5, v3  }
0x89: {  	v5 =	vld [tilespmem:s11+$0x6480];
	v2 =	vadd.f32 v6, v2  }
0x8a: {  	v6 =	vld [tilespmem:s11+$0x6180];
	v3 =	vadd.f32 v9, v3  }
0x8b: {  	v9 =	vld [tilespmem:s11+$0x5E80];
	v2 =	vadd.f32 v7, v2  }
0x8c: {  	v7 =	vld [tilespmem:s11+$0x5B80];
	[tilespmem:s8+$0xFFFFFFF0] =	vst v3  }
0x8d: {  	v3 =	vld [tilespmem:s11+$0x5880];
	[tilespmem:s8+$0x0] =	vst v2;
	s8 =	sadd.s32 $0x40, s8  }
0x8e: {  	s10 =	sadd.s32 $0x40, s10;
	v2 =	vld [tilespmem:s8+$0x10]  }
0x8f: {  	v10 =	vld [tilespmem:s10+$0xFFFFF420]  }
0x90: {  	v11 =	vld [tilespmem:s8+$0xFFFFFFE0]  }
0x91: {  	v12 =	vld [tilespmem:s10+$0xFFFFF720]  }
0x92: {  	v13 =	vld [tilespmem:s10+$0xFFFFF3F0]  }
0x93: {  	v14 =	vld [tilespmem:s10+$0xFFFFFA20]  }
0x94: {  	v15 =	vld [tilespmem:s8+$0xFFFFFFF0];
	v2 =	vadd.f32 v10, v2  }
0x95: {  	v10 =	vld [tilespmem:s10+$0xFFFFFD20]  }
0x96: {  	v16 =	vld [tilespmem:s10+$0xFFFFF400];
	v2 =	vadd.f32 v12, v2  }
0x97: {  	v11 =	vadd.f32 v13, v11;
	v12 =	vld [tilespmem:s10+$0x20]  }
0x98: {  	v13 =	vld [tilespmem:s8+$0x0];
	v2 =	vadd.f32 v14, v2  }
0x99: {  	v3 =	vadd.f32 v3, v11;
	v11 =	vld [tilespmem:s10+$0x320]  }
0x9a: {  	v14 =	vld [tilespmem:s10+$0xFFFFF410];
	v2 =	vadd.f32 v10, v2  }
0x9b: {  	v3 =	vadd.f32 v7, v3;
	v7 =	vadd.f32 v16, v15;
	v10 =	vld [tilespmem:s10+$0x620]  }
0x9c: {  	v15 =	vld [tilespmem:s10+$0xFFFFF700];
	v2 =	vadd.f32 v12, v2  }
0x9d: {  	v3 =	vadd.f32 v9, v3;
	v9 =	vld [tilespmem:s10+$0x920]  }
0x9e: {  	v12 =	vld [tilespmem:s10+$0xFFFFF710];
	v2 =	vadd.f32 v11, v2  }
0x9f: {  	v3 =	vadd.f32 v6, v3;
	v6 =	vld [tilespmem:s10+$0xFFFFFA00];
	v11 =	vadd.f32 v14, v13  }
0xa0: {  	v13 =	vld [tilespmem:s10+$0xFFFFFA10];
	v2 =	vadd.f32 v10, v2  }
0xa1: {  	v3 =	vadd.f32 v5, v3;
	v5 =	vadd.f32 v15, v7;
	v7 =	vld [tilespmem:s10+$0xFFFFFD00]  }
0xa2: {  	v10 =	vld [tilespmem:s10+$0xFFFFFD10];
	v9 =	vadd.f32 v9, v2  }
0xa3: {  	v3 =	vadd.f32 v4, v3;
	v14 =	vld [tilespmem:s10+$0x0];
	v4 =	vadd.f32 v12, v11  }
.Ltmp3:
0xa4: {  	v5 =	vadd.f32 v6, v5;
	v2 =	vld [tilespmem:s10+$0x10];
	[tilespmem:s8+$0x10] =	vst v9;
	(pc) =	sbr.rel @p1 .LBB2_5-.Ltmp3, $4  }
0xa5: {  	v6 =	vadd.f32 v8, v3;
	v3 =	vld [tilespmem:s10+$0x300];
	v8 =	vadd.f32 v13, v4  }
0xa6: {  	v7 =	vadd.f32 v7, v5;
	v4 =	vld [tilespmem:s10+$0x310]  }
0xa7: {  	[tilespmem:s8+$0xFFFFFFE0] =	vst v6;
	v5 =	vld [tilespmem:s10+$0x600];
	v8 =	vadd.f32 v10, v8  }
0xa8: {  	v7 =	vadd.f32 v14, v7;
	v6 =	vld [tilespmem:s10+$0x610]  }
0xa9: {  	v9 =	vld [tilespmem:s10+$0x900];
	v2 =	vadd.f32 v2, v8  }
0xaa: {  	v63 =	vld [tilespmem:s10+$0x910];
	v3 =	vadd.f32 v3, v7  }
0xab: {  	s7 =	sadd.s32 $0x1, s7;
	v2 =	vadd.f32 v4, v2  }
0xac: {  	p1 =	sne.s32 s7, $0x4;
	v3 =	vadd.f32 v5, v3  }
.Ltmp4:
0xad: {  	v2 =	vadd.f32 v6, v2;
	(pc) =	sbr.rel @p1 .LBB2_4-.Ltmp4, $4  }
0xae: {  	v3 =	vadd.f32 v9, v3  }
0xaf: {  	v2 =	vadd.f32 v63, v2  }
0xb0: {  	[tilespmem:s8+$0xFFFFFFF0] =	vst v3  }
0xb1: {  	[tilespmem:s8+$0x0] =	vst v2  }
0xb2: {  	s10 =	simm.s32 $0x0  }
0xb3: {  	v4 =	vld [tilespmem:s10+$0x6D80]  }
0xb4: {  	s7 =	simm.s32 $0x10  }
0xb5: {  	s8 =	simm.s32 $0x20;
	v2 =	vld [tilespmem:s7+$0x6D80]  }
0xb6: {  	v3 =	vld [tilespmem:s8+$0x6D80];
	_ =	sdelay $0x1  }
0xb7: {  	(xrf2) =	vadd.scan.msk.f32 $0xffff, v4;
	_ =	sdelay $0x1  }
0xb8: {  	(xrf2) =	vadd.scan.msk.f32 $0xffff, v2  }
0xb9: {  	(xrf2) =	vadd.scan.msk.f32 $0xffff, v3;
	_ =	sdelay $0x6  }
0xba: {  	v9, _, _ =	vpop (xrf2)  }
0xbb: {  	(v2sf) =	vpush v9, $0xF  }
0xbc: {  	s9 =	simm.s32 $0x30;
	v7, _, _ =	vpop (xrf2)  }
0xbd: {  	v5 =	vld [tilespmem:s9+$0x6D80];
	(v2sf) =	vpush v7, $0xF;
	v8, _, _ =	vpop (xrf2)  }
0xbe: {  	(v2sf) =	vpush v8, $0xF;
	_ =	sdelay $0x3  }
0xbf: {  	s22 =	simm.s32 $0x40;
	(xrf2) =	vadd.scan.msk.f32 $0xffff, v5  }
0xc0: {  	v6 =	vld [tilespmem:s22+$0x6D80];
	_ =	sdelay $0x2  }
0xc1: {  	s11 =	simm.f32 $0.0e+00  }
0xc2: {  	s12 =	simm.s32 $0x140;
	v9 =	vadd.f32 s11, v9  }
.LBB2_8:
0xc3: {  	s15 =	sshra.s32 s12, $0x2;
	p1 =	sne.s32 s12, $0x3C0;
	s12 =	sadd.s32 $0x40, s12;
	(xrf2) =	vadd.scan.msk.f32 $0xffff, v6  }
.Ltmp5:
0xc4: {  	v9 =	vsub.f32 v9, v4;
	v4 =	vmovc v2;
	v2 =	vmovc v3;
	v3 =	vmov v5;
	v5 =	vmov v6;
	v6 =	vld [tilespmem:s15+$0x6D80];
	(pc) =	sbr.rel @p1 .LBB2_8-.Ltmp5, $4  }
0xc5: {  	s16 =	spop (v2sf)  }
0xc6: {  	[tilespmem:s10+$0x7080] =	vst v9;
	s11 =	sadd.f32 s16, s11;
	s10 =	smov.u32 s7;
	s7 =	smov.u32 s8  }
0xc7: {  	s8 =	smov.u32 s9;
	s9 =	smov.u32 s22;
	s22 =	smov.u32 s15;
	v10, _, _ =	vpop (xrf2)  }
0xc8: {  	(v2sf) =	vpush v10, $0xF;
	v9 =	vadd.f32 s11, v7;
	v7 =	vmovc v8;
	v8 =	vmov v10  }
0xc9: {  	(xrf2) =	vadd.scan.msk.f32 $0xffff, v6;
	_ =	sdelay $0x7  }
0xca: {  	v10, _, _ =	vpop (xrf2)  }
0xcb: {  	(v2sf) =	vpush v10, $0xF  }
0xcc: {  	v11, _, _ =	vpop (xrf2)  }
0xcd: {  	(v2sf) =	vpush v11, $0xF;
	_ =	sdelay $0x6  }
0xce: {  	s12 =	spop (v2sf)  }
0xcf: {  	s11 =	sadd.f32 s12, s11  }
0xd0: {  	s15 =	spop (v2sf)  }
0xd1: {  	s12 =	sadd.f32 s15, s11  }
0xd2: {  	s15 =	spop (v2sf)  }
0xd3: {  	s15 =	sadd.f32 s15, s12  }
0xd4: {  	s16 =	spop (v2sf)  }
0xd5: {  	s16 =	sadd.f32 s16, s15  }
0xd6: {  	v7 =	vadd.f32 s11, v7;
	s11 =	spop (v2sf)  }
0xd7: {  	v4 =	vsub.f32 v9, v4;
	v8 =	vadd.f32 s12, v8;
	s11 =	sadd.f32 s11, s16  }
0xd8: {  	v2 =	vsub.f32 v7, v2;
	v58 =	vadd.f32 s15, v10  }
0xd9: {  	[tilespmem:s10+$0x7080] =	vst v4;
	v3 =	vsub.f32 v8, v3;
	v59 =	vadd.f32 s16, v11;
	v60 =	vmov s11  }
0xda: {  	[tilespmem:s7+$0x7080] =	vst v2;
	v2 =	vsub.f32 v58, v5;
	v61 =	vadd.f32 $0.0e+00, v60  }
0xdb: {  	[tilespmem:s8+$0x7080] =	vst v3;
	v3 =	vsub.f32 v59, v6  }
0xdc: {  	[tilespmem:s9+$0x7080] =	vst v2;
	v2 =	vbroadcast v61, $0x0  }
0xdd: {  	[tilespmem:s22+$0x7080] =	vst v3  }
0xde: {  	s16 =	simm.s32 $0x0;
	[tilespmem:$0x7180] =	vst v2  }
0xdf: {  	s7 =	sand.u32 $0xF0, s16;
	[tilespmem:$0x7190] =	vst v2  }
0xe0: {  	v3 =	vld [tilespmem:s7+$0x6E80];
	_ =	sdelay $0x4  }
0xe1: {  	(xrf2) =	vadd.scan.msk.f32 $0xffff, v3;
	_ =	sdelay $0x9  }
0xe2: {  	s8 =	simm.f32 $0.0e+00;
	v62, _, _ =	vpop (xrf2)  }
0xe3: {  	v63 =	vadd.f32 s8, v62;
	(v2sf) =	vpush v62, $0xF;
	_ =	sdelay $0x1  }
0xe4: {  	v3 =	vsub.f32 v63, v3  }
0xe5: {  	s22 =	simm.s32 $0x10;
	s7 =	simm.s32 $0x71A0  }
0xe6: {  	s9 =	simm.s32 $0x20;
	s10 =	sand.u32 $0xF0, s22;
	[tilespmem:s7+$0x0] =	vst v3  }
.LBB2_10:
0xe7: {  	p1 =	sne.s32 s9, $0xF0;
	v3 =	vld [tilespmem:s10+$0x6E80];
	_ =	sdelay $0x4  }
0xe8: {  	(xrf2) =	vadd.scan.msk.f32 $0xffff, v3;
	_ =	sdelay $0x4  }
0xe9: {  	s10 =	spop (v2sf)  }
0xea: {  	s8 =	sadd.f32 s10, s8;
	_ =	sdelay $0x3  }
0xeb: {  	v4, _, _ =	vpop (xrf2)  }
.Ltmp6:
0xec: {  	v5 =	vadd.f32 s8, v4;
	(v2sf) =	vpush v4, $0xF;
	(pc) =	sbr.rel @p1 .LBB2_10-.Ltmp6, $4  }
0xed: {  	_ = 	snop  }
0xee: {  	v3 =	vsub.f32 v5, v3  }
0xef: {  	s7 =	sadd.s32 $0x10, s7  }
0xf0: {  	s10 =	sand.u32 $0xF0, s9;
	s9 =	sadd.s32 $0x10, s9;
	[tilespmem:s7+$0x0] =	vst v3  }
0xf1: {  	v3 =	vld [tilespmem:s10+$0x6E80];
	_ =	sdelay $0x4  }
0xf2: {  	(xrf2) =	vadd.scan.msk.f32 $0xffff, v3;
	_ =	sdelay $0x9  }
0xf3: {  	v4, _, _ =	vpop (xrf2)  }
0xf4: {  	(v2sf) =	vpush v4, $0xF;
	_ =	sdelay $0xc  }
0xf5: {  	s9 =	spop (v2sf)  }
0xf6: {  	s8 =	sadd.f32 s9, s8  }
0xf7: {  	s15 =	spop (v2sf)  }
0xf8: {  	s9 =	sadd.f32 s15, s8;
	_ =	sdelay $0x1  }
0xf9: {  	v4 =	vadd.f32 s8, v4;
	v5 =	vmov s9  }
0xfa: {  	v5 =	vadd.f32 $0.0e+00, v5  }
0xfb: {  	v3 =	vsub.f32 v4, v3  }
0xfc: {  	s7 =	sadd.s32 $0x10, s7;
	v61 =	vbroadcast v5, $0x0  }
0xfd: {  	[tilespmem:s7+$0x0] =	vst v3  }
0xfe: {  	s16 =	simm.s32 $0x0;
	[tilespmem:$0x72A0] =	vst v61  }
0xff: {  	s7 =	sand.u32 $0xF0, s16;
	[tilespmem:$0x72B0] =	vst v61  }
0x100: {  	v3 =	vld [tilespmem:s7+$0x6F80];
	_ =	sdelay $0x4  }
0x101: {  	(xrf2) =	vadd.scan.msk.f32 $0xffff, v3;
	_ =	sdelay $0x9  }
0x102: {  	s8 =	simm.f32 $0.0e+00;
	v62, _, _ =	vpop (xrf2)  }
0x103: {  	v63 =	vadd.f32 s8, v62;
	(v2sf) =	vpush v62, $0xF;
	_ =	sdelay $0x1  }
0x104: {  	v3 =	vsub.f32 v63, v3  }
0x105: {  	s22 =	simm.s32 $0x10;
	s7 =	simm.s32 $0x72C0  }
0x106: {  	s10 =	sand.u32 $0xF0, s22;
	s9 =	simm.s32 $0x20;
	[tilespmem:s7+$0x0] =	vst v3  }
.LBB2_12:
0x107: {  	p1 =	sne.s32 s9, $0xF0;
	v3 =	vld [tilespmem:s10+$0x6F80];
	_ =	sdelay $0x4  }
0x108: {  	(xrf2) =	vadd.scan.msk.f32 $0xffff, v3;
	_ =	sdelay $0x4  }
0x109: {  	s10 =	spop (v2sf)  }
0x10a: {  	s8 =	sadd.f32 s10, s8;
	_ =	sdelay $0x3  }
0x10b: {  	v4, _, _ =	vpop (xrf2)  }
.Ltmp7:
0x10c: {  	v5 =	vadd.f32 s8, v4;
	(v2sf) =	vpush v4, $0xF;
	(pc) =	sbr.rel @p1 .LBB2_12-.Ltmp7, $4  }
0x10d: {  	_ = 	snop  }
0x10e: {  	v3 =	vsub.f32 v5, v3  }
0x10f: {  	s7 =	sadd.s32 $0x10, s7  }
0x110: {  	s10 =	sand.u32 $0xF0, s9;
	s9 =	sadd.s32 $0x10, s9;
	[tilespmem:s7+$0x0] =	vst v3  }
0x111: {  	v3 =	vld [tilespmem:s10+$0x6F80];
	_ =	sdelay $0x4  }
0x112: {  	(xrf2) =	vadd.scan.msk.f32 $0xffff, v3;
	_ =	sdelay $0x9  }
0x113: {  	v4, _, _ =	vpop (xrf2)  }
0x114: {  	(v2sf) =	vpush v4, $0xF;
	_ =	sdelay $0xc  }
0x115: {  	s9 =	spop (v2sf)  }
0x116: {  	s8 =	sadd.f32 s9, s8  }
0x117: {  	s16 =	spop (v2sf)  }
0x118: {  	s9 =	sadd.f32 s16, s8;
	_ =	sdelay $0x1  }
0x119: {  	v4 =	vadd.f32 s8, v4;
	v5 =	vmov s9  }
0x11a: {  	v5 =	vadd.f32 $0.0e+00, v5  }
0x11b: {  	v3 =	vsub.f32 v4, v3  }
0x11c: {  	s7 =	sadd.s32 $0x10, s7;
	v4 =	vbroadcast v5, $0x0  }
0x11d: {  	[tilespmem:s7+$0x0] =	vst v3  }
0x11e: {  	[tilespmem:$0x73C0] =	vst v4  }
0x11f: {  	s22 =	simm.s32 $0x71C0;
	[tilespmem:$0x73D0] =	vst v4  }
0x120: {  	v9 =	vld [tilespmem:s22+$0xFFFFFEF0]  }
0x121: {  	v7 =	vld [tilespmem:s22+$0x10]  }
0x122: {  	v3 =	vld [tilespmem:s22+$0xFFFFFEF8]  }
0x123: {  	v4 =	vld [tilespmem:s22+$0x18]  }
0x124: {  	v6 =	vld [tilespmem:s22+$0xFFFFFFE0]  }
0x125: {  	v8 =	vld [tilespmem:s22+$0x130]  }
0x126: {  	v10 =	vld [tilespmem:s22+$0x138]  }
0x127: {  	v11 =	vld [tilespmem:s22+$0xFFFFFFE8]  }
0x128: {  	v14 =	vld [tilespmem:s22+$0xFFFFFFF0]  }
0x129: {  	v13 =	vld [tilespmem:s22+$0xFFFFFED8]  }
0x12a: {  	v16 =	vld [tilespmem:s22+$0xFFFFFFF8]  }
0x12b: {  	(erf) = vrcp.f32 v2;
	v24 =	vld [tilespmem:s22+$0x8];
	v5 =	vsub.f32 v3, v9;
	v2 =	vsub.f32 v4, v7  }
0x12c: {  	v3 =	vld [tilespmem:s22+$0xFFFFFED0]  }
0x12d: {  	v10 =	vsub.f32 v10, v8;
	v8 =	vld [tilespmem:s22+$0x0];
	v4 =	vmul.f32 $1.225000020e-01, v5;
	v12 =	vmul.f32 $6.999999880e-01, v2  }
0x12e: {  	v2 =	vadd.f32 v2, v2;
	v15 =	vmul.f32 $6.999999880e-01, v5  }
0x12f: {  	v17 =	vmul.f32 $1.000000010e-01, v9;
	v18 =	vsub.f32 v11, v6;
	v12 =	vsub.f32 v4, v12  }
0x130: {  	v22 =	vld [tilespmem:s22+$0xFFFFFEE8];
	v25 =	vsub.f32 v16, v14;
	v15 =	vsub.f32 v15, v2  }
0x131: {  	v4 =	vld [tilespmem:s22+$0xFFFFFEE0];
	v2 =	vsub.f32 v17, v7;
	v7 =	vadd.f32 v12, v10  }
0x132: {  	v20 =	vld [tilespmem:s22+$0xFFFFFEC8];
	v28 =	vmul.f32 $6.999999880e-01, v25;
	v11 =	vsub.f32 v13, v3;
	v30 =	vsub.f32 v24, v8  }
0x133: {  	v17 =	vmul.f32 $1.000000010e-01, v3;
	v10 =	vadd.f32 v18, v18;
	v21 =	vadd.f32 v7, v2;
	v7 =	vld [tilespmem:s22+$0xFFFFFEC0]  }
0x134: {  	v19 =	vld [tilespmem:s22+$0x100];
	v12 =	vmul.f32 $6.999999880e-01, v18;
	v13 =	vadd.f32 v15, v9;
	v18 =	vmul.f32 $1.225000020e-01, v11  }
0x135: {  	v23 =	vld [tilespmem:s22+$0x108];
	v9 =	vsub.f32 v17, v14;
	v16 =	vmul.f32 $6.999999880e-01, v11;
	v17 =	vadd.f32 v25, v25  }
0x136: {  	v26 =	vld [tilespmem:s22+$0x118];
	v25 =	vadd.f32 v30, v30;
	v30 =	vmul.f32 $6.999999880e-01, v30;
	v2 =	vpop (erf);
	v15 =	vsub.f32 v22, v4  }
0x137: {  	v14 =	vmul.f32 $1.000000010e-01, v4;
	v27 =	vmul.f32 v21, v2;
	v21 =	vld [tilespmem:s22+$0x110]  }
0x138: {  	s10 =	simm.s32 $0x7200;
	s7 =	simm.s32 $0x7540;
	s8 =	simm.s32 $0x7540;
	v18 =	vsub.f32 v18, v28;
	v22 =	vld [tilespmem:s22+$0x120];
	v29 =	vmul.f32 $1.225000020e-01, v15;
	v28 =	vsub.f32 v20, v7  }
0x139: {  	s9 =	simm.s32 $0x0;
	[tilespmem:s7+$0xFFFFFEF0] =	vst v27;
	v27 =	vld [tilespmem:s22+$0x128];
	v24 =	vmul.f32 $1.000000010e-01, v7;
	v20 =	vmul.f32 $6.999999880e-01, v15  }
.LBB2_14:
0x13a: {  	v31 =	vld [tilespmem:s10+$0xFFFFFEF0];
	v19 =	vsub.f32 v23, v19;
	v23 =	vmul.f32 $6.999999880e-01, v28;
	v32 =	vmul.f32 $1.225000020e-01, v28  }
0x13b: {  	v16 =	vsub.f32 v16, v17;
	v13 =	vmul.f32 v13, v2;
	v33 =	vld [tilespmem:s10+$0x10];
	v17 =	vsub.f32 v29, v30  }
0x13c: {  	v28 =	vmul.f32 v28, v2;
	v29 =	vld [tilespmem:s10+$0xFFFFFEF8];
	v12 =	vsub.f32 v32, v12;
	v21 =	vsub.f32 v26, v21  }
0x13d: {  	s9 =	sadd.s32 $0x40, s9;
	v11 =	vmul.f32 v11, v2;
	v20 =	vsub.f32 v20, v25;
	v10 =	vsub.f32 v23, v10;
	v26 =	vld [tilespmem:s10+$0x18];
	[tilespmem:s7+$0x10] =	vst v13  }
0x13e: {  	v15 =	vmul.f32 v15, v2;
	p1 =	slt.u32 s9, $0xC0;
	v13 =	vld [tilespmem:s10+$0xFFFFFFE0];
	v12 =	vadd.f32 v12, v19;
	[tilespmem:s7+$0x100] =	vst v28;
	v19 =	vsub.f32 v27, v22  }
0x13f: {  	v5 =	vmul.f32 v5, v2;
	v6 =	vsub.f32 v24, v6;
	v18 =	vadd.f32 v18, v21;
	v22 =	vld [tilespmem:s10+$0xFFFFFEC8];
	[tilespmem:s7+$0x110] =	vst v11  }
0x140: {  	v8 =	vsub.f32 v14, v8;
	v11 =	vld [tilespmem:s10+$0x130];
	v14 =	vadd.f32 v17, v19;
	[tilespmem:s7+$0x120] =	vst v15  }
0x141: {  	v21 =	vadd.f32 v12, v6;
	v9 =	vadd.f32 v18, v9;
	v15 =	vld [tilespmem:s10+$0x138];
	[tilespmem:s7+$0x130] =	vst v5  }
0x142: {  	v5 =	vsub.f32 v29, v31;
	v12 =	vld [tilespmem:s10+$0xFFFFFFE8];
	v17 =	vsub.f32 v26, v33  }
0x143: {  	v19 =	vadd.f32 v10, v7;
	v7 =	vmul.f32 v21, v2;
	v14 =	vadd.f32 v14, v8;
	v18 =	vld [tilespmem:s10+$0xFFFFFED0];
	v6 =	vmovc v13  }
0x144: {  	v10 =	vmul.f32 $1.225000020e-01, v5;
	v21 =	vld [tilespmem:s10+$0xFFFFFFF0];
	v8 =	vadd.f32 v17, v17;
	v13 =	vmul.f32 $6.999999880e-01, v17  }
0x145: {  	v24 =	vadd.f32 v16, v3;
	v20 =	vadd.f32 v20, v4;
	v23 =	vmul.f32 $6.999999880e-01, v5;
	v17 =	vld [tilespmem:s10+$0xFFFFFED8];
	[tilespmem:s7+$0xFFFFFEC0] =	vst v7  }
0x146: {  	v7 =	vmul.f32 $1.000000010e-01, v31;
	v16 =	vld [tilespmem:s10+$0xFFFFFFF8];
	v25 =	vsub.f32 v15, v11;
	v10 =	vsub.f32 v10, v13  }
0x147: {  	v9 =	vmul.f32 v9, v2;
	v13 =	vsub.f32 v23, v8;
	v11 =	vsub.f32 v12, v6;
	v4 =	vld [tilespmem:s10+$0xFFFFFEE0]  }
0x148: {  	v7 =	vsub.f32 v7, v33;
	v15 =	vmul.f32 $1.000000010e-01, v18;
	v8 =	vld [tilespmem:s10+$0x0];
	v23 =	vadd.f32 v10, v25;
	v3 =	vmovc v18  }
0x149: {  	v13 =	vadd.f32 v13, v31;
	v10 =	vadd.f32 v11, v11;
	v12 =	vmul.f32 $6.999999880e-01, v11;
	v18 =	vld [tilespmem:s10+$0xFFFFFEE8];
	[tilespmem:s7+$0xFFFFFED0] =	vst v9  }
0x14a: {  	v14 =	vmul.f32 v14, v2;
	v11 =	vsub.f32 v17, v3;
	v25 =	vld [tilespmem:s10+$0x8];
	v17 =	vadd.f32 v23, v7  }
0x14b: {  	v9 =	vsub.f32 v15, v21;
	v15 =	vmul.f32 v19, v2;
	v7 =	vld [tilespmem:s10+$0xFFFFFEC0];
	v26 =	vsub.f32 v16, v21  }
0x14c: {  	v19 =	vld [tilespmem:s10+$0x100];
	v27 =	vmul.f32 $1.225000020e-01, v11;
	v28 =	vmul.f32 v17, v2;
	[tilespmem:s7+$0xFFFFFEE0] =	vst v14  }
.Ltmp8:
0x14d: {  	v16 =	vmul.f32 $6.999999880e-01, v11;
	s7 =	sadd.s32 $0x40, s7;
	v23 =	vld [tilespmem:s10+$0x108];
	v17 =	vadd.f32 v26, v26;
	v29 =	vmul.f32 $6.999999880e-01, v26;
	[tilespmem:s8+$0xFFFFFFE0] =	vst v15;
	(pc) =	sbr.rel @p1 .LBB2_14-.Ltmp8, $4  }
0x14e: {  	v24 =	vmul.f32 v24, v2;
	v14 =	vmul.f32 $1.000000010e-01, v4;
	v21 =	vld [tilespmem:s10+$0x110];
	v15 =	vsub.f32 v18, v4;
	[tilespmem:s7+$0xFFFFFEF0] =	vst v28  }
0x14f: {  	v31 =	vmul.f32 v20, v2;
	v26 =	vld [tilespmem:s10+$0x118];
	v18 =	vsub.f32 v27, v29;
	v30 =	vsub.f32 v25, v8  }
0x150: {  	v28 =	vsub.f32 v22, v7;
	v22 =	vld [tilespmem:s10+$0x120];
	v20 =	vmul.f32 $6.999999880e-01, v15;
	v29 =	vmul.f32 $1.225000020e-01, v15;
	[tilespmem:s8+$0xFFFFFFF0] =	vst v24  }
0x151: {  	v24 =	vmul.f32 $1.000000010e-01, v7;
	v27 =	vld [tilespmem:s10+$0x128];
	v25 =	vadd.f32 v30, v30;
	v30 =	vmul.f32 $6.999999880e-01, v30;
	s10 =	sadd.s32 $0x40, s10;
	[tilespmem:s8+$0x0] =	vst v31;
	s8 =	smov.u32 s7  }
0x152: {  	v31 =	vmul.f32 $1.225000020e-01, v28  }
0x153: {  	v19 =	vsub.f32 v23, v19  }
0x154: {  	v53 =	vmul.f32 $6.999999880e-01, v28;
	v8 =	vsub.f32 v14, v8;
	v12 =	vsub.f32 v31, v12  }
0x155: {  	v13 =	vmul.f32 v13, v2;
	v29 =	vsub.f32 v29, v30;
	v21 =	vsub.f32 v26, v21  }
0x156: {  	v54 =	vmul.f32 v28, v2;
	v6 =	vsub.f32 v24, v6;
	v12 =	vadd.f32 v12, v19  }
0x157: {  	v11 =	vmul.f32 v11, v2;
	[tilespmem:s7+$0x10] =	vst v13;
	v10 =	vsub.f32 v53, v10;
	v55 =	vadd.f32 v18, v21  }
0x158: {  	v5 =	vmul.f32 v5, v2;
	[tilespmem:s7+$0x100] =	vst v54;
	v22 =	vsub.f32 v27, v22;
	v6 =	vadd.f32 v12, v6  }
0x159: {  	v56 =	vmul.f32 v15, v2;
	[tilespmem:s7+$0x110] =	vst v11;
	v11 =	vsub.f32 v16, v17;
	v9 =	vadd.f32 v55, v9  }
0x15a: {  	[tilespmem:s7+$0x130] =	vst v5;
	v5 =	vadd.f32 v10, v7;
	v57 =	vadd.f32 v29, v22;
	v6 =	vmul.f32 v6, v2  }
0x15b: {  	v58 =	vsub.f32 v20, v25;
	[tilespmem:s7+$0x120] =	vst v56;
	v3 =	vadd.f32 v11, v3;
	v7 =	vmul.f32 v9, v2  }
0x15c: {  	v5 =	vmul.f32 v5, v2;
	v8 =	vadd.f32 v57, v8;
	[tilespmem:s7+$0xFFFFFEC0] =	vst v6  }
0x15d: {  	v4 =	vadd.f32 v58, v4;
	v3 =	vmul.f32 v3, v2;
	[tilespmem:s7+$0xFFFFFED0] =	vst v7  }
0x15e: {  	v6 =	vmul.f32 v8, v2;
	[tilespmem:s8+$0xFFFFFFE0] =	vst v5  }
0x15f: {  	v4 =	vmul.f32 v4, v2;
	[tilespmem:s8+$0xFFFFFFF0] =	vst v3  }
0x160: {  	[tilespmem:s7+$0xFFFFFEE0] =	vst v6  }
0x161: {  	[tilespmem:s8+$0x0] =	vst v4  }
0x162: {  	v3 =	vld [tilespmem:$0x7180]  }
0x163: {  	v4 =	vld [tilespmem:$0x72A0]  }
0x164: {  	v5 =	vld [tilespmem:$0x7188]  }
0x165: {  	v6 =	vld [tilespmem:$0x72A8];
	_ =	sdelay $0x2  }
0x166: {  	v7 =	vld [tilespmem:$0x73C0]  }
0x167: {  	v8 =	vld [tilespmem:$0x73C8]  }
0x168: {  	v5 =	vsub.f32 v5, v3;
	v6 =	vsub.f32 v6, v4;
	_ =	sdelay $0x1  }
0x169: {  	v9 =	vmul.f32 $1.225000020e-01, v5;
	v10 =	vmul.f32 $6.999999880e-01, v6;
	_ =	sdelay $0x1  }
0x16a: {  	v7 =	vsub.f32 v8, v7;
	v8 =	vmul.f32 $1.000000010e-01, v3;
	v9 =	vsub.f32 v9, v10  }
0x16b: {  	v6 =	vadd.f32 v6, v6;
	v10 =	vmul.f32 $6.999999880e-01, v5  }
0x16c: {  	v4 =	vsub.f32 v8, v4;
	v7 =	vadd.f32 v9, v7  }
0x16d: {  	v6 =	vsub.f32 v10, v6  }
0x16e: {  	v4 =	vadd.f32 v7, v4  }
0x16f: {  	v3 =	vadd.f32 v6, v3  }
0x170: {  	v4 =	vmul.f32 v4, v2  }
0x171: {  	v3 =	vmul.f32 v3, v2  }
0x172: {  	v2 =	vmul.f32 v5, v2;
	[tilespmem:$0x7500] =	vst v4  }
0x173: {  	[tilespmem:$0x7620] =	vst v3  }
0x174: {  	s22 =	simm.s32 $0x7404;
	[tilespmem:$0x7740] =	vst v2  }
0x175: {  	v2 =	vld [tilespmem:s22+$0x3]  }
0x176: {  	v3 =	vld [tilespmem:s22+$0xFFFFFFFD]  }
0x177: {  	v4 =	vld [tilespmem:s22+$0xFFFFFFFE]  }
0x178: {  	v5 =	vld [tilespmem:s22+$0xFFFFFFFF]  }
0x179: {  	v6 =	vld [tilespmem:s22+$0x0];
	_ =	sdelay $0x1  }
0x17a: {  	v7 =	vld [tilespmem:s22+$0x1];
	v2 =	vadd.f32 $0.0e+00, v2  }
0x17b: {  	v8 =	vld [tilespmem:s22+$0x2];
	v3 =	vadd.f32 $0.0e+00, v3  }
0x17c: {  	s9 =	simm.s32 $0x740C;
	v9 =	vld [tilespmem:s22+$0xFFFFFFFC];
	v4 =	vadd.f32 $0.0e+00, v4;
	v2 =	vbroadcast v2, $0x0  }
0x17d: {  	s7 =	simm.s32 $0x77C0;
	v10 =	vld [tilespmem:s9+$0x3];
	v5 =	vadd.f32 $0.0e+00, v5;
	v6 =	vadd.f32 $0.0e+00, v6;
	v3 =	vbroadcast v3, $0x0  }
0x17e: {  	v11 =	vld [tilespmem:s9+$0xFFFFFFFD];
	v59 =	vbroadcast v4, $0x0;
	[tilespmem:s7+$0x30] =	vst v2  }
0x17f: {  	v60 =	vld [tilespmem:s9+$0xFFFFFFFE];
	v6 =	vbroadcast v6, $0x0;
	[tilespmem:s7+$0xFFFFFFD0] =	vst v3;
	v2 =	vbroadcast v5, $0x0;
	v5 =	vadd.f32 $0.0e+00, v7  }
0x180: {  	v4 =	vld [tilespmem:s9+$0xFFFFFFFF];
	[tilespmem:s7+$0xFFFFFFE0] =	vst v59;
	v7 =	vadd.f32 $0.0e+00, v8  }
0x181: {  	v9 =	vadd.f32 $0.0e+00, v9;
	v3 =	vld [tilespmem:s9+$0x0];
	[tilespmem:s7+$0x0] =	vst v6;
	v61 =	vbroadcast v5, $0x0  }
0x182: {  	v62 =	vadd.f32 $0.0e+00, v10;
	[tilespmem:s7+$0xFFFFFFF0] =	vst v2;
	v2 =	vld [tilespmem:s9+$0x1];
	v63 =	vbroadcast v7, $0x0  }
0x183: {  	v10 =	vbroadcast v9, $0x0;
	v8 =	vadd.f32 $0.0e+00, v11;
	v5 =	vld [tilespmem:s9+$0x2];
	[tilespmem:s7+$0x10] =	vst v61  }
0x184: {  	s8 =	simm.s32 $0x8;
	v9 =	vadd.f32 $0.0e+00, v60;
	v6 =	vld [tilespmem:s9+$0xFFFFFFFC];
	v7 =	vbroadcast v62, $0x0;
	s9 =	simm.s32 $0x7414;
	[tilespmem:s7+$0x20] =	vst v63  }
.LBB2_16:
0x185: {  	v11 =	vld [tilespmem:s9+$0x3];
	s8 =	sadd.s32 $0x8, s8;
	v8 =	vbroadcast v8, $0x0;
	v4 =	vadd.f32 $0.0e+00, v4;
	[tilespmem:s7+$0xFFFFFFC0] =	vst v10;
	s7 =	sadd.s32 $0x80, s7  }
0x186: {  	v10 =	vld [tilespmem:s9+$0xFFFFFFFD];
	p1 =	slt.u32 s8, $0xF8;
	v9 =	vbroadcast v9, $0x0;
	v3 =	vadd.f32 $0.0e+00, v3;
	[tilespmem:s7+$0x30] =	vst v7  }
0x187: {  	v7 =	vld [tilespmem:s9+$0xFFFFFFFE];
	[tilespmem:s7+$0xFFFFFFD0] =	vst v8;
	v8 =	vbroadcast v4, $0x0;
	v2 =	vadd.f32 $0.0e+00, v2  }
.Ltmp9:
0x188: {  	v4 =	vld [tilespmem:s9+$0xFFFFFFFF];
	[tilespmem:s7+$0xFFFFFFE0] =	vst v9;
	v9 =	vbroadcast v3, $0x0;
	v5 =	vadd.f32 $0.0e+00, v5;
	(pc) =	sbr.rel @p1 .LBB2_16-.Ltmp9, $4  }
0x189: {  	v3 =	vld [tilespmem:s9+$0x0];
	v6 =	vadd.f32 $0.0e+00, v6;
	[tilespmem:s7+$0xFFFFFFF0] =	vst v8;
	v12 =	vbroadcast v2, $0x0  }
0x18a: {  	v2 =	vld [tilespmem:s9+$0x1];
	v11 =	vadd.f32 $0.0e+00, v11;
	[tilespmem:s7+$0x0] =	vst v9;
	v13 =	vbroadcast v5, $0x0  }
0x18b: {  	v8 =	vadd.f32 $0.0e+00, v10;
	v5 =	vld [tilespmem:s9+$0x2];
	v10 =	vbroadcast v6, $0x0;
	[tilespmem:s7+$0x10] =	vst v12  }
0x18c: {  	v6 =	vld [tilespmem:s9+$0xFFFFFFFC];
	v9 =	vadd.f32 $0.0e+00, v7;
	v7 =	vbroadcast v11, $0x0;
	s9 =	sadd.s32 $0x8, s9;
	[tilespmem:s7+$0x20] =	vst v13  }
0x18d: {  	v8 =	vbroadcast v8, $0x0;
	v4 =	vadd.f32 $0.0e+00, v4;
	[tilespmem:s7+$0xFFFFFFC0] =	vst v10;
	s16 =	sadd.s32 $0x80, s7  }
0x18e: {  	v9 =	vbroadcast v9, $0x0;
	v3 =	vadd.f32 $0.0e+00, v3;
	[tilespmem:s16+$0x30] =	vst v7  }
0x18f: {  	[tilespmem:s16+$0xFFFFFFD0] =	vst v8;
	v4 =	vbroadcast v4, $0x0;
	v2 =	vadd.f32 $0.0e+00, v2  }
0x190: {  	[tilespmem:s16+$0xFFFFFFE0] =	vst v9;
	v3 =	vbroadcast v3, $0x0;
	v5 =	vadd.f32 $0.0e+00, v5  }
0x191: {  	v6 =	vadd.f32 $0.0e+00, v6;
	[tilespmem:s16+$0xFFFFFFF0] =	vst v4;
	v2 =	vbroadcast v2, $0x0  }
0x192: {  	[tilespmem:s16+$0x0] =	vst v3;
	v3 =	vbroadcast v5, $0x0  }
0x193: {  	v4 =	vbroadcast v6, $0x0;
	[tilespmem:s16+$0x10] =	vst v2  }
0x194: {  	[tilespmem:s16+$0x20] =	vst v3  }
0x195: {  	[tilespmem:s16+$0xFFFFFFC0] =	vst v4  }
0x196: {  	v2 =	vld [tilespmem:$0x7500];
	_ =	sdelay $0x4  }
0x197: {  	v2 =	vadd.f32 $0.0e+00, v2;
	_ =	sdelay $0x1  }
0x198: {  	v2 =	vbroadcast v2, $0x0;
	_ =	sdelay $0x1  }
0x199: {  	s22 =	simm.s32 $0x7527;
	[tilespmem:$0x8780] =	vst v2  }
0x19a: {  	v2 =	vld [tilespmem:s22+$0x0]  }
0x19b: {  	v3 =	vld [tilespmem:s22+$0xFFFFFFFA]  }
0x19c: {  	v4 =	vld [tilespmem:s22+$0xFFFFFFFB]  }
0x19d: {  	v5 =	vld [tilespmem:s22+$0xFFFFFFFC]  }
0x19e: {  	v6 =	vld [tilespmem:s22+$0xFFFFFFFD];
	_ =	sdelay $0x1  }
0x19f: {  	v7 =	vld [tilespmem:s22+$0xFFFFFFFE];
	v2 =	vadd.f32 $0.0e+00, v2  }
0x1a0: {  	v8 =	vld [tilespmem:s22+$0xFFFFFFFF];
	v3 =	vadd.f32 $0.0e+00, v3  }
0x1a1: {  	s9 =	simm.s32 $0x752F;
	v9 =	vld [tilespmem:s22+$0xFFFFFFF9];
	v4 =	vadd.f32 $0.0e+00, v4;
	v2 =	vbroadcast v2, $0x0  }
0x1a2: {  	s7 =	simm.s32 $0x89C0;
	v10 =	vld [tilespmem:s9+$0x0];
	v5 =	vadd.f32 $0.0e+00, v5;
	v6 =	vadd.f32 $0.0e+00, v6;
	v3 =	vbroadcast v3, $0x0  }
0x1a3: {  	v11 =	vld [tilespmem:s9+$0xFFFFFFFA];
	v12 =	vbroadcast v4, $0x0;
	[tilespmem:s7+$0x30] =	vst v2  }
0x1a4: {  	v13 =	vld [tilespmem:s9+$0xFFFFFFFB];
	v6 =	vbroadcast v6, $0x0;
	[tilespmem:s7+$0xFFFFFFD0] =	vst v3;
	v2 =	vbroadcast v5, $0x0;
	v5 =	vadd.f32 $0.0e+00, v7  }
0x1a5: {  	v4 =	vld [tilespmem:s9+$0xFFFFFFFC];
	[tilespmem:s7+$0xFFFFFFE0] =	vst v12;
	v7 =	vadd.f32 $0.0e+00, v8  }
0x1a6: {  	v9 =	vadd.f32 $0.0e+00, v9;
	v3 =	vld [tilespmem:s9+$0xFFFFFFFD];
	[tilespmem:s7+$0x0] =	vst v6;
	v63 =	vbroadcast v5, $0x0  }
0x1a7: {  	v14 =	vadd.f32 $0.0e+00, v10;
	[tilespmem:s7+$0xFFFFFFF0] =	vst v2;
	v2 =	vld [tilespmem:s9+$0xFFFFFFFE];
	v15 =	vbroadcast v7, $0x0  }
0x1a8: {  	v10 =	vbroadcast v9, $0x0;
	v8 =	vadd.f32 $0.0e+00, v11;
	v5 =	vld [tilespmem:s9+$0xFFFFFFFF];
	[tilespmem:s7+$0x10] =	vst v63  }
0x1a9: {  	s8 =	simm.s32 $0x8;
	v9 =	vadd.f32 $0.0e+00, v13;
	v6 =	vld [tilespmem:s9+$0xFFFFFFF9];
	v7 =	vbroadcast v14, $0x0;
	s9 =	simm.s32 $0x7537;
	[tilespmem:s7+$0x20] =	vst v15  }
.LBB2_18:
0x1aa: {  	v11 =	vld [tilespmem:s9+$0x0];
	s8 =	sadd.s32 $0x8, s8;
	v8 =	vbroadcast v8, $0x0;
	v4 =	vadd.f32 $0.0e+00, v4;
	[tilespmem:s7+$0xFFFFFFC0] =	vst v10;
	s7 =	sadd.s32 $0x80, s7  }
0x1ab: {  	v10 =	vld [tilespmem:s9+$0xFFFFFFFA];
	p1 =	slt.u32 s8, $0xF8;
	v9 =	vbroadcast v9, $0x0;
	v3 =	vadd.f32 $0.0e+00, v3;
	[tilespmem:s7+$0x30] =	vst v7  }
0x1ac: {  	v7 =	vld [tilespmem:s9+$0xFFFFFFFB];
	[tilespmem:s7+$0xFFFFFFD0] =	vst v8;
	v8 =	vbroadcast v4, $0x0;
	v2 =	vadd.f32 $0.0e+00, v2  }
.Ltmp10:
0x1ad: {  	v4 =	vld [tilespmem:s9+$0xFFFFFFFC];
	[tilespmem:s7+$0xFFFFFFE0] =	vst v9;
	v9 =	vbroadcast v3, $0x0;
	v5 =	vadd.f32 $0.0e+00, v5;
	(pc) =	sbr.rel @p1 .LBB2_18-.Ltmp10, $4  }
0x1ae: {  	v3 =	vld [tilespmem:s9+$0xFFFFFFFD];
	v6 =	vadd.f32 $0.0e+00, v6;
	[tilespmem:s7+$0xFFFFFFF0] =	vst v8;
	v12 =	vbroadcast v2, $0x0  }
0x1af: {  	v2 =	vld [tilespmem:s9+$0xFFFFFFFE];
	v11 =	vadd.f32 $0.0e+00, v11;
	[tilespmem:s7+$0x0] =	vst v9;
	v13 =	vbroadcast v5, $0x0  }
0x1b0: {  	v8 =	vadd.f32 $0.0e+00, v10;
	v5 =	vld [tilespmem:s9+$0xFFFFFFFF];
	v10 =	vbroadcast v6, $0x0;
	[tilespmem:s7+$0x10] =	vst v12  }
0x1b1: {  	v6 =	vld [tilespmem:s9+$0xFFFFFFF9];
	v9 =	vadd.f32 $0.0e+00, v7;
	v7 =	vbroadcast v11, $0x0;
	s9 =	sadd.s32 $0x8, s9;
	[tilespmem:s7+$0x20] =	vst v13  }
0x1b2: {  	v8 =	vbroadcast v8, $0x0;
	v4 =	vadd.f32 $0.0e+00, v4;
	[tilespmem:s7+$0xFFFFFFC0] =	vst v10;
	s16 =	sadd.s32 $0x80, s7  }
0x1b3: {  	v9 =	vbroadcast v9, $0x0;
	v3 =	vadd.f32 $0.0e+00, v3;
	[tilespmem:s16+$0x30] =	vst v7  }
0x1b4: {  	[tilespmem:s16+$0xFFFFFFD0] =	vst v8;
	v4 =	vbroadcast v4, $0x0;
	v2 =	vadd.f32 $0.0e+00, v2  }
0x1b5: {  	[tilespmem:s16+$0xFFFFFFE0] =	vst v9;
	v3 =	vbroadcast v3, $0x0;
	v5 =	vadd.f32 $0.0e+00, v5  }
0x1b6: {  	v6 =	vadd.f32 $0.0e+00, v6;
	[tilespmem:s16+$0xFFFFFFF0] =	vst v4;
	v2 =	vbroadcast v2, $0x0  }
0x1b7: {  	[tilespmem:s16+$0x0] =	vst v3;
	v3 =	vbroadcast v5, $0x0  }
0x1b8: {  	v4 =	vbroadcast v6, $0x0;
	[tilespmem:s16+$0x10] =	vst v2  }
0x1b9: {  	[tilespmem:s16+$0x20] =	vst v3  }
0x1ba: {  	[tilespmem:s16+$0xFFFFFFC0] =	vst v4  }
0x1bb: {  	v2 =	vld [tilespmem:$0x7620];
	_ =	sdelay $0x4  }
0x1bc: {  	v2 =	vadd.f32 $0.0e+00, v2;
	_ =	sdelay $0x1  }
0x1bd: {  	v2 =	vbroadcast v2, $0x0;
	_ =	sdelay $0x1  }
0x1be: {  	s22 =	simm.s32 $0x7647;
	[tilespmem:$0x9980] =	vst v2  }
0x1bf: {  	v2 =	vld [tilespmem:s22+$0x0]  }
0x1c0: {  	v3 =	vld [tilespmem:s22+$0xFFFFFFFA]  }
0x1c1: {  	v4 =	vld [tilespmem:s22+$0xFFFFFFFB]  }
0x1c2: {  	v5 =	vld [tilespmem:s22+$0xFFFFFFFC]  }
0x1c3: {  	v6 =	vld [tilespmem:s22+$0xFFFFFFFD];
	_ =	sdelay $0x1  }
0x1c4: {  	v7 =	vld [tilespmem:s22+$0xFFFFFFFE];
	v2 =	vadd.f32 $0.0e+00, v2  }
0x1c5: {  	v8 =	vld [tilespmem:s22+$0xFFFFFFFF];
	v3 =	vadd.f32 $0.0e+00, v3  }
0x1c6: {  	s9 =	simm.s32 $0x764F;
	v9 =	vld [tilespmem:s22+$0xFFFFFFF9];
	v4 =	vadd.f32 $0.0e+00, v4;
	v2 =	vbroadcast v2, $0x0  }
0x1c7: {  	s7 =	simm.s32 $0x9BC0;
	v10 =	vld [tilespmem:s9+$0x0];
	v5 =	vadd.f32 $0.0e+00, v5;
	v6 =	vadd.f32 $0.0e+00, v6;
	v3 =	vbroadcast v3, $0x0  }
0x1c8: {  	v11 =	vld [tilespmem:s9+$0xFFFFFFFA];
	v12 =	vbroadcast v4, $0x0;
	[tilespmem:s7+$0x30] =	vst v2  }
0x1c9: {  	v13 =	vld [tilespmem:s9+$0xFFFFFFFB];
	v6 =	vbroadcast v6, $0x0;
	[tilespmem:s7+$0xFFFFFFD0] =	vst v3;
	v2 =	vbroadcast v5, $0x0;
	v5 =	vadd.f32 $0.0e+00, v7  }
0x1ca: {  	v4 =	vld [tilespmem:s9+$0xFFFFFFFC];
	[tilespmem:s7+$0xFFFFFFE0] =	vst v12;
	v7 =	vadd.f32 $0.0e+00, v8  }
0x1cb: {  	v9 =	vadd.f32 $0.0e+00, v9;
	v3 =	vld [tilespmem:s9+$0xFFFFFFFD];
	[tilespmem:s7+$0x0] =	vst v6;
	v63 =	vbroadcast v5, $0x0  }
0x1cc: {  	v14 =	vadd.f32 $0.0e+00, v10;
	[tilespmem:s7+$0xFFFFFFF0] =	vst v2;
	v2 =	vld [tilespmem:s9+$0xFFFFFFFE];
	v15 =	vbroadcast v7, $0x0  }
0x1cd: {  	v10 =	vbroadcast v9, $0x0;
	v8 =	vadd.f32 $0.0e+00, v11;
	v5 =	vld [tilespmem:s9+$0xFFFFFFFF];
	[tilespmem:s7+$0x10] =	vst v63  }
0x1ce: {  	s8 =	simm.s32 $0x8;
	v9 =	vadd.f32 $0.0e+00, v13;
	v6 =	vld [tilespmem:s9+$0xFFFFFFF9];
	v7 =	vbroadcast v14, $0x0;
	s9 =	simm.s32 $0x7657;
	[tilespmem:s7+$0x20] =	vst v15  }
.LBB2_20:
0x1cf: {  	v11 =	vld [tilespmem:s9+$0x0];
	s8 =	sadd.s32 $0x8, s8;
	v8 =	vbroadcast v8, $0x0;
	v4 =	vadd.f32 $0.0e+00, v4;
	[tilespmem:s7+$0xFFFFFFC0] =	vst v10;
	s7 =	sadd.s32 $0x80, s7  }
0x1d0: {  	v10 =	vld [tilespmem:s9+$0xFFFFFFFA];
	p1 =	slt.u32 s8, $0xF8;
	v9 =	vbroadcast v9, $0x0;
	v3 =	vadd.f32 $0.0e+00, v3;
	[tilespmem:s7+$0x30] =	vst v7  }
0x1d1: {  	v7 =	vld [tilespmem:s9+$0xFFFFFFFB];
	[tilespmem:s7+$0xFFFFFFD0] =	vst v8;
	v8 =	vbroadcast v4, $0x0;
	v2 =	vadd.f32 $0.0e+00, v2  }
.Ltmp11:
0x1d2: {  	v4 =	vld [tilespmem:s9+$0xFFFFFFFC];
	[tilespmem:s7+$0xFFFFFFE0] =	vst v9;
	v9 =	vbroadcast v3, $0x0;
	v5 =	vadd.f32 $0.0e+00, v5;
	(pc) =	sbr.rel @p1 .LBB2_20-.Ltmp11, $4  }
0x1d3: {  	v3 =	vld [tilespmem:s9+$0xFFFFFFFD];
	v6 =	vadd.f32 $0.0e+00, v6;
	[tilespmem:s7+$0xFFFFFFF0] =	vst v8;
	v12 =	vbroadcast v2, $0x0  }
0x1d4: {  	v2 =	vld [tilespmem:s9+$0xFFFFFFFE];
	v11 =	vadd.f32 $0.0e+00, v11;
	[tilespmem:s7+$0x0] =	vst v9;
	v13 =	vbroadcast v5, $0x0  }
0x1d5: {  	v8 =	vadd.f32 $0.0e+00, v10;
	v5 =	vld [tilespmem:s9+$0xFFFFFFFF];
	v10 =	vbroadcast v6, $0x0;
	[tilespmem:s7+$0x10] =	vst v12  }
0x1d6: {  	v6 =	vld [tilespmem:s9+$0xFFFFFFF9];
	v9 =	vadd.f32 $0.0e+00, v7;
	v7 =	vbroadcast v11, $0x0;
	s9 =	sadd.s32 $0x8, s9;
	[tilespmem:s7+$0x20] =	vst v13  }
0x1d7: {  	v8 =	vbroadcast v8, $0x0;
	v4 =	vadd.f32 $0.0e+00, v4;
	[tilespmem:s7+$0xFFFFFFC0] =	vst v10;
	s22 =	sadd.s32 $0x80, s7  }
0x1d8: {  	v9 =	vbroadcast v9, $0x0;
	v3 =	vadd.f32 $0.0e+00, v3;
	[tilespmem:s22+$0x30] =	vst v7  }
0x1d9: {  	[tilespmem:s22+$0xFFFFFFD0] =	vst v8;
	v4 =	vbroadcast v4, $0x0;
	v2 =	vadd.f32 $0.0e+00, v2  }
0x1da: {  	[tilespmem:s22+$0xFFFFFFE0] =	vst v9;
	v3 =	vbroadcast v3, $0x0;
	v5 =	vadd.f32 $0.0e+00, v5  }
0x1db: {  	v6 =	vadd.f32 $0.0e+00, v6;
	[tilespmem:s22+$0xFFFFFFF0] =	vst v4;
	v2 =	vbroadcast v2, $0x0  }
0x1dc: {  	[tilespmem:s22+$0x0] =	vst v3;
	v3 =	vbroadcast v5, $0x0  }
0x1dd: {  	v4 =	vbroadcast v6, $0x0;
	[tilespmem:s22+$0x10] =	vst v2  }
0x1de: {  	[tilespmem:s22+$0x20] =	vst v3  }
0x1df: {  	[tilespmem:s22+$0xFFFFFFC0] =	vst v4  }
0x1e0: {  	v2 =	vld [tilespmem:$0x7740];
	_ =	sdelay $0x4  }
0x1e1: {  	v2 =	vadd.f32 $0.0e+00, v2;
	_ =	sdelay $0x1  }
0x1e2: {  	v2 =	vbroadcast v2, $0x0;
	_ =	sdelay $0x1  }
0x1e3: {  	v5 =	vimm.f32 $0.0e+00;
	v3 =	vimm.f32 $0.0e+00;
	s22 =	simm.s32 $0x0;
	[tilespmem:$0xAB80] =	vst v2  }
.LBB2_22:
0x1e4: {  	_ =	swait.ge [sflag:s29], $0xD90  }
0x1e5: {  	[sflag:s29] =	ssyncset.done $0x0  }
0x1e6: {  	[sflag:s29] =	ssyncadd.s32 $0xFFFFF270  }
0x1e7: {  	_ =	swait.ge [sflag:s29], $0xD90  }
0x1e8: {  	[sflag:s29] =	ssyncset.done $0x0  }
0x1e9: {  	[sflag:s29] =	ssyncadd.s32 $0xFFFFF270  }
0x1ea: {  	_ =	swait.ge [sflag:s29], $0xD90  }
0x1eb: {  	[sflag:s29] =	ssyncset.done $0x0  }
0x1ec: {  	s9 =	simm.s32 $0xE30;
	[sflag:s29] =	ssyncadd.s32 $0xFFFFF270  }
0x1ed: {  	v2 =	vld [tilespmem:s9+$0x30]  }
0x1ee: {  	v4 =	vld [tilespmem:s9+$0x20]  }
0x1ef: {  	v6 =	vld [tilespmem:s9+$0x0]  }
0x1f0: {  	v7 =	vld [tilespmem:s9+$0xFFFFFFF0]  }
0x1f1: {  	v11 =	vld [tilespmem:s9+$0xFFFFFFE0]  }
0x1f2: {  	v8 =	vld [tilespmem:s9+$0xFFFFFFD0]  }
0x1f3: {  	s7 =	simm.s32 $0x1C30  }
0x1f4: {  	s8 =	simm.s32 $0x30;
	v9 =	vld [tilespmem:s7+$0x30]  }
0x1f5: {  	v19 =	vld [tilespmem:s8+$0x30];
	v10 =	vadd.f32 $-1.500000060e-01, v4;
	v13 =	vadd.f32 $-1.500000060e-01, v2  }
0x1f6: {  	v12 =	vld [tilespmem:s7+$0x20];
	v14 =	vadd.f32 $-1.500000060e-01, v7;
	v15 =	vadd.f32 $-1.500000060e-01, v6  }
0x1f7: {  	v16 =	vld [tilespmem:s8+$0x20];
	v17 =	vadd.f32 $-1.500000060e-01, v8;
	v18 =	vadd.f32 $-1.500000060e-01, v11  }
0x1f8: {  	v26 =	vld [tilespmem:s8+$0xFFFFFFE0];
	v15 =	vmax.f32 v15, $-8.000000000e+00;
	v10 =	vmax.f32 v10, $-8.000000000e+00;
	v20 =	vmax.f32 v13, $-8.000000000e+00  }
0x1f9: {  	v13 =	vld [tilespmem:s7+$0x10];
	v17 =	vmax.f32 v17, $-8.000000000e+00;
	v21 =	vmax.f32 v18, $-8.000000000e+00;
	v14 =	vmax.f32 v14, $-8.000000000e+00  }
0x1fa: {  	v18 =	vld [tilespmem:s8+$0x10];
	v22 =	vmin.f32 v10, $8.000000000e+00;
	v20 =	vmin.f32 v20, $8.000000000e+00;
	v21 =	vmin.f32 v21, $8.000000000e+00  }
0x1fb: {  	v10 =	vld [tilespmem:s9+$0x10];
	v23 =	vmin.f32 v14, $8.000000000e+00;
	v15 =	vmin.f32 v15, $8.000000000e+00;
	v24 =	vadd.f32 $8.000000000e+00, v22  }
0x1fc: {  	v14 =	vld [tilespmem:s7+$0x0];
	v17 =	vmin.f32 v17, $8.000000000e+00;
	v20 =	vadd.f32 $8.000000000e+00, v20;
	v23 =	vadd.f32 $8.000000000e+00, v23  }
0x1fd: {  	v22 =	vld [tilespmem:s8+$0x0];
	v25 =	vadd.f32 $8.000000000e+00, v15;
	v17 =	vadd.f32 $8.000000000e+00, v17;
	v31 =	vmul.f32 $1.600000000e+01, v24  }
0x1fe: {  	v15 =	vld [tilespmem:s7+$0xFFFFFFF0];
	v24 =	vadd.f32 $8.000000000e+00, v21;
	v20 =	vmul.f32 $1.600000000e+01, v20;
	v28 =	vmul.f32 $1.600000000e+01, v23  }
0x1ff: {  	v21 =	vld [tilespmem:s8+$0xFFFFFFF0];
	v23 =	vmul.f32 $1.600000000e+01, v25;
	v27 =	vmul.f32 $1.600000000e+01, v17  }
0x200: {  	v17 =	vld [tilespmem:s7+$0xFFFFFFE0];
	v29 =	vmul.f32 $1.600000000e+01, v24;
	v30 =	vadd.f32 $-1.500000060e-01, v10;
	v24 =	vtrunc.f32 v20  }
0x201: {  	vm0 =	vgt.f32 v19, $5.000000000e-01;
	v20 =	vld [tilespmem:s7+$0xFFFFFFD0];
	v28 =	vtrunc.f32 v28;
	v25 =	vcvt.f32.s32 v24  }
0x202: {  	s10 =	simm.s32 $0xEA0;
	s9 =	simm.s32 $0x0;
	v31 =	vtrunc.f32 v31;
	v24 =	vld [tilespmem:s8+$0xFFFFFFD0];
	v28 =	vcvt.f32.s32 v28;
	v30 =	vmax.f32 v30, $-8.000000000e+00  }
.LBB2_23:
0x203: {  	v19 =	vld [tilespmem:s10+$0x30];
	v32 =	vtrunc.f32 v23;
	v31 =	vcvt.f32.s32 v31;
	v25 =	vshll.u32 v25, $0x4  }
0x204: {  	v23 =	vld [tilespmem:s10+$0x20];
	v33 =	vshll.u32 v28, $0x4;
	v32 =	vcvt.f32.s32 v32;
	v25 =	vor.u32 v1, v25  }
0x205: {  	v27 =	vtrunc.f32 v27;
	v28 =	vld [tilespmem:s10+$0x0];
	v33 =	vor.u32 v1, v33;
	v31 =	vshll.u32 v31, $0x4  }
0x206: {  	v35 =	vcvt.f32.s32 v27;
	v34 =	vld [tilespmem:s10+$0xFFFFFFF0];
	v32 =	vshll.u32 v32, $0x4;
	v31 =	vor.u32 v1, v31  }
0x207: {  	v29 =	vtrunc.f32 v29;
	v30 =	vmin.f32 v30, $8.000000000e+00;
	v27 =	vld [tilespmem:s10+$0xFFFFFFE0];
	v32 =	vor.u32 v1, v32  }
0x208: {  	v29 =	vcvt.f32.s32 v29;
	v30 =	vadd.f32 $8.000000000e+00, v30;
	v35 =	vshll.u32 v35, $0x4;
	v36 =	vld [tilespmem:s10+$0xFFFFFFD0]  }
0x209: {  	vm1 =	vgt.f32 v18, $5.000000000e-01;
	vm2 =	vgt.f32 v16, $5.000000000e-01;
	v35 =	vor.u32 v1, v35;
	v16 =	vld.idx.msk [tilespmem:v25+s0+$0x0], $0xffff  }
0x20a: {  	vm3 =	vgt.f32 v22, $5.000000000e-01;
	v18 =	vshll.u32 v29, $0x4;
	v22 =	vmul.f32 $1.600000000e+01, v30;
	v29 =	vld.idx.msk [tilespmem:v33+s30+$0x0], $0xffff  }
0x20b: {  	vm5 =	vgt.f32 v21, $5.000000000e-01;
	vm4 =	vgt.f32 v26, $5.000000000e-01;
	v18 =	vor.u32 v1, v18;
	v21 =	vld.idx.msk [tilespmem:v31+s0+$0x0], $0xffff  }
0x20c: {  	v37 =	vadd.f32 $-1.500000060e-01, v19;
	v22 =	vtrunc.f32 v22;
	v30 =	vadd.f32 $-1.500000060e-01, v23;
	v38 =	vld.idx.msk [tilespmem:v32+s31+$0x0], $0xffff  }
0x20d: {  	v22 =	vcvt.f32.s32 v22;
	v40 =	vadd.f32 $-1.500000060e-01, v28;
	v39 =	vadd.f32 $-1.500000060e-01, v34;
	v41 =	vld.idx.msk [tilespmem:v33+s31+$0x0], $0xffff  }
0x20e: {  	vm6 =	vgt.f32 v24, $5.000000000e-01;
	v43 =	vadd.f32 $-1.500000060e-01, v27;
	v42 =	vadd.f32 $-1.500000060e-01, v36;
	v44 =	vld.idx.msk [tilespmem:v35+s0+$0x0], $0xffff  }
0x20f: {  	v26 =	vsel vm2, $0x0, v12;
	v24 =	vsel vm0, $0x0, v9;
	v22 =	vshll.u32 v22, $0x4;
	v45 =	vld.idx.msk [tilespmem:v35+s31+$0x0], $0xffff  }
0x210: {  	v14 =	vsel vm3, $0x0, v14;
	v46 =	vsel vm1, $0x0, v13;
	v12 =	vor.u32 v1, v22;
	v9 =	vld.idx.msk [tilespmem:v18+s0+$0x0], $0xffff  }
0x211: {  	v15 =	vsel vm5, $0x0, v15;
	v17 =	vsel vm4, $0x0, v17;
	v13 =	vsel vm6, $0x0, v20;
	v20 =	vld.idx.msk [tilespmem:v33+s0+$0x0], $0xffff  }
0x212: {  	v30 =	vmax.f32 v30, $-8.000000000e+00;
	v22 =	vmax.f32 v40, $-8.000000000e+00;
	v33 =	vmax.f32 v37, $-8.000000000e+00;
	v37 =	vld.idx.msk [tilespmem:v18+s31+$0x0], $0xffff  }
0x213: {  	v39 =	vmax.f32 v39, $-8.000000000e+00;
	v40 =	vmax.f32 v42, $-8.000000000e+00;
	v42 =	vmax.f32 v43, $-8.000000000e+00;
	v43 =	vld.idx.msk [tilespmem:v32+s0+$0x0], $0xffff  }
0x214: {  	v30 =	vmin.f32 v30, $8.000000000e+00;
	v33 =	vmin.f32 v33, $8.000000000e+00;
	v44 =	vmul.f32 v44, v8;
	v35 =	vld.idx.msk [tilespmem:v35+s30+$0x0], $0xffff  }
0x215: {  	v22 =	vmin.f32 v22, $8.000000000e+00;
	v39 =	vmin.f32 v39, $8.000000000e+00;
	v42 =	vmin.f32 v42, $8.000000000e+00;
	v47 =	vld.idx.msk [tilespmem:v12+s0+$0x0], $0xffff  }
0x216: {  	v40 =	vmin.f32 v40, $8.000000000e+00;
	v44 =	vadd.f32 v44, v45;
	v9 =	vmul.f32 v9, v11;
	v18 =	vld.idx.msk [tilespmem:v18+s30+$0x0], $0xffff  }
0x217: {  	v30 =	vadd.f32 $8.000000000e+00, v30;
	v33 =	vadd.f32 $8.000000000e+00, v33;
	v20 =	vmul.f32 v20, v7;
	v45 =	vld.idx.msk [tilespmem:v12+s31+$0x0], $0xffff  }
0x218: {  	v48 =	vadd.f32 $8.000000000e+00, v22;
	v22 =	vmul.f32 v44, v8;
	v9 =	vadd.f32 v9, v37;
	v8 =	vmovc v36;
	v32 =	vld.idx.msk [tilespmem:v32+s30+$0x0], $0xffff  }
0x219: {  	v36 =	vadd.f32 $8.000000000e+00, v39;
	v20 =	vadd.f32 v20, v41;
	v37 =	vmul.f32 v43, v6;
	v39 =	vld.idx.msk [tilespmem:v31+s31+$0x0], $0xffff  }
0x21a: {  	v41 =	vmul.f32 v16, v2;
	v22 =	vadd.f32 v22, v35;
	v11 =	vmul.f32 v9, v11;
	v35 =	vld.idx.msk [tilespmem:v12+s30+$0x0], $0xffff  }
0x21b: {  	s7 =	sadd.s32 $0x70, s7;
	v12 =	vmul.f32 v20, v7;
	v16 =	vadd.f32 v37, v38;
	v20 =	vmul.f32 v47, v10;
	v37 =	vld.idx.msk [tilespmem:v25+s31+$0x0], $0xffff  }
0x21c: {  	v7 =	vmovc v34;
	v22 =	vmul.f32 v22, v13;
	v11 =	vadd.f32 v11, v18;
	v18 =	vmul.f32 v21, v4;
	v9 =	vld [tilespmem:s7+$0x30]  }
0x21d: {  	s8 =	sadd.s32 $0x70, s8;
	v21 =	vadd.f32 v12, v29;
	v12 =	vmul.f32 v16, v6;
	v16 =	vadd.f32 v20, v45;
	v20 =	vld.idx.msk [tilespmem:v31+s30+$0x0], $0xffff  }
0x21e: {  	v3 =	vadd.f32 v13, v3;
	v6 =	vmovc v28;
	v5 =	vadd.f32 v22, v5;
	v29 =	vmul.f32 v11, v17;
	v31 =	vld [tilespmem:s8+$0x30]  }
0x21f: {  	v22 =	vadd.f32 v12, v32;
	v10 =	vmul.f32 v16, v10;
	v13 =	vadd.f32 v18, v39;
	v25 =	vld.idx.msk [tilespmem:v25+s30+$0x0], $0xffff  }
0x220: {  	v3 =	vadd.f32 v17, v3;
	v17 =	vmul.f32 v21, v15;
	v5 =	vadd.f32 v29, v5;
	v11 =	vmovc v27;
	v12 =	vld [tilespmem:s7+$0x20]  }
0x221: {  	v21 =	vadd.f32 v10, v35;
	v10 =	vmul.f32 v13, v4;
	v27 =	vadd.f32 v41, v37;
	v4 =	vmovc v23;
	v16 =	vld [tilespmem:s8+$0x20]  }
0x222: {  	s9 =	sadd.s32 $0x70, s9;
	v3 =	vadd.f32 v15, v3;
	v15 =	vmul.f32 v22, v14;
	v5 =	vadd.f32 v17, v5;
	v13 =	vld [tilespmem:s7+$0x10]  }
0x223: {  	p1 =	slt.u32 s9, $0xD20;
	v28 =	vadd.f32 $8.000000000e+00, v42;
	v17 =	vadd.f32 v10, v20;
	v20 =	vmul.f32 v27, v2;
	v2 =	vmovc v19;
	v18 =	vld [tilespmem:s8+$0x10]  }
0x224: {  	v3 =	vadd.f32 v14, v3;
	v5 =	vadd.f32 v15, v5;
	v15 =	vmul.f32 v21, v46;
	v10 =	vld [tilespmem:s10+$0x10]  }
0x225: {  	v19 =	vmul.f32 $1.600000000e+01, v30;
	v30 =	vmul.f32 $1.600000000e+01, v33;
	v20 =	vadd.f32 v20, v25;
	v14 =	vld [tilespmem:s7+$0x0]  }
0x226: {  	v3 =	vadd.f32 v46, v3;
	v17 =	vmul.f32 v17, v26;
	v5 =	vadd.f32 v15, v5;
	v22 =	vld [tilespmem:s8+$0x0]  }
0x227: {  	v32 =	vmul.f32 $1.600000000e+01, v36;
	v23 =	vmul.f32 $1.600000000e+01, v48;
	v25 =	vadd.f32 $8.000000000e+00, v40;
	v15 =	vld [tilespmem:s7+$0xFFFFFFF0]  }
.Ltmp12:
0x228: {  	v3 =	vadd.f32 v26, v3;
	v20 =	vmul.f32 v20, v24;
	v5 =	vadd.f32 v17, v5;
	v21 =	vld [tilespmem:s8+$0xFFFFFFF0];
	(pc) =	sbr.rel @p1 .LBB2_23-.Ltmp12, $4  }
0x229: {  	v29 =	vmul.f32 $1.600000000e+01, v28;
	v27 =	vmul.f32 $1.600000000e+01, v25;
	v17 =	vld [tilespmem:s7+$0xFFFFFFE0];
	v33 =	vadd.f32 $-1.500000060e-01, v10  }
0x22a: {  	v3 =	vadd.f32 v24, v3;
	v25 =	vtrunc.f32 v30;
	v5 =	vadd.f32 v20, v5;
	v26 =	vld [tilespmem:s8+$0xFFFFFFE0]  }
0x22b: {  	v28 =	vtrunc.f32 v32;
	vm0 =	vgt.f32 v31, $5.000000000e-01;
	v25 =	vcvt.f32.s32 v25;
	v20 =	vld [tilespmem:s7+$0xFFFFFFD0]  }
0x22c: {  	v28 =	vcvt.f32.s32 v28;
	v31 =	vtrunc.f32 v19;
	s10 =	sadd.s32 $0x70, s10;
	v30 =	vmax.f32 v33, $-8.000000000e+00;
	v24 =	vld [tilespmem:s8+$0xFFFFFFD0]  }
0x22d: {  	v25 =	vshll.u32 v25, $0x4  }
0x22e: {  	v25 =	vor.u32 v1, v25;
	_ =	sdelay $0x1  }
0x22f: {  	v28 =	vshll.u32 v28, $0x4  }
0x230: {  	v19 =	vtrunc.f32 v23;
	v23 =	vcvt.f32.s32 v31;
	v28 =	vor.u32 v1, v28;
	_ =	sdelay $0x1  }
0x231: {  	v23 =	vshll.u32 v23, $0x4;
	v31 =	vld.idx.msk [tilespmem:v25+s0+$0x0], $0xffff  }
0x232: {  	v27 =	vtrunc.f32 v27;
	v19 =	vcvt.f32.s32 v19;
	v23 =	vor.u32 v1, v23;
	v44 =	vld.idx.msk [tilespmem:v25+s31+$0x0], $0xffff  }
0x233: {  	vm2 =	vgt.f32 v18, $5.000000000e-01;
	v27 =	vcvt.f32.s32 v27;
	v18 =	vld.idx.msk [tilespmem:v25+s30+$0x0], $0xffff  }
0x234: {  	v29 =	vtrunc.f32 v29;
	v30 =	vmin.f32 v30, $8.000000000e+00;
	v19 =	vshll.u32 v19, $0x4;
	v32 =	vld.idx.msk [tilespmem:v28+s30+$0x0], $0xffff  }
0x235: {  	v29 =	vcvt.f32.s32 v29;
	v27 =	vshll.u32 v27, $0x4;
	v19 =	vor.u32 v1, v19;
	v35 =	vld.idx.msk [tilespmem:v28+s31+$0x0], $0xffff  }
0x236: {  	v30 =	vadd.f32 $8.000000000e+00, v30;
	v27 =	vor.u32 v1, v27;
	v28 =	vld.idx.msk [tilespmem:v28+s0+$0x0], $0xffff  }
0x237: {  	v29 =	vshll.u32 v29, $0x4;
	v33 =	vld.idx.msk [tilespmem:v23+s0+$0x0], $0xffff  }
0x238: {  	v30 =	vmul.f32 $1.600000000e+01, v30;
	v29 =	vor.u32 v1, v29;
	v43 =	vld.idx.msk [tilespmem:v23+s31+$0x0], $0xffff  }
0x239: {  	v23 =	vld.idx.msk [tilespmem:v23+s30+$0x0], $0xffff  }
0x23a: {  	v30 =	vtrunc.f32 v30;
	v34 =	vld.idx.msk [tilespmem:v19+s31+$0x0], $0xffff  }
0x23b: {  	v30 =	vcvt.f32.s32 v30;
	v36 =	vld.idx.msk [tilespmem:v27+s0+$0x0], $0xffff  }
0x23c: {  	v37 =	vld.idx.msk [tilespmem:v27+s31+$0x0], $0xffff  }
0x23d: {  	v30 =	vshll.u32 v30, $0x4;
	v38 =	vld.idx.msk [tilespmem:v29+s0+$0x0], $0xffff  }
0x23e: {  	v30 =	vor.u32 v1, v30;
	v39 =	vld.idx.msk [tilespmem:v29+s31+$0x0], $0xffff  }
0x23f: {  	p1 =	seq.s32 s22, $0x8;
	v40 =	vld.idx.msk [tilespmem:v19+s0+$0x0], $0xffff  }
0x240: {  	s7 =	smul.u32 @!p1 $0x1B20, s22;
	v27 =	vld.idx.msk [tilespmem:v27+s30+$0x0], $0xffff  }
0x241: {  	v29 =	vld.idx.msk [tilespmem:v29+s30+$0x0], $0xffff  }
0x242: {  	s7 =	sadd.s32 @!p1 s7, s13;
	v19 =	vld.idx.msk [tilespmem:v19+s30+$0x0], $0xffff  }
0x243: {  	s7 =	sshrl.u32 @!p1 s7, $0x3;
	v41 =	vld.idx.msk [tilespmem:v30+s0+$0x0], $0xffff  }
0x244: {  	s9 =	simm.s32 @!p1 $0x0;
	s8 =	sadd.s32 @!p1 s1, s7;
	v42 =	vld.idx.msk [tilespmem:v30+s31+$0x0], $0xffff  }
0x245: {  	vm3 =	vgt.f32 v22, $5.000000000e-01;
	v30 =	vld.idx.msk [tilespmem:v30+s30+$0x0], $0xffff;
	v36 =	vmul.f32 v36, v8;
	[tilespmem:s9], [sflag:$0x1] =	stream.linear.gather @!p1 [hbm4b:s8+s9], $0xD90, $0x38  }
0x246: {  	vm1 =	vgt.f32 v16, $5.000000000e-01;
	s10 =	simm.s32 @!p1 $0xE00;
	v14 =	vsel vm3, $0x0, v14;
	s8 =	sadd.s32 @!p1 s2, s7  }
0x247: {  	vm3 =	vgt.f32 v21, $5.000000000e-01;
	v25 =	vmul.f32 v38, v11;
	v16 =	vadd.f32 v36, v37;
	[tilespmem:s10], [sflag:$0x1] =	stream.linear.gather @!p1 [hbm4b:s8+s9], $0xD90, $0x38;
	[tilespmem:$0xAE80] =	vst v63  }
0x248: {  	vm4 =	vgt.f32 v26, $5.000000000e-01;
	v15 =	vsel vm3, $0x0, v15;
	v22 =	vmul.f32 v28, v7;
	s7 =	sadd.s32 @!p1 s4, s7;
	s8 =	simm.s32 @!p1 $0x1C00  }
0x249: {  	vm5 =	vgt.f32 v24, $5.000000000e-01;
	v8 =	vmul.f32 v16, v8;
	v16 =	vadd.f32 v25, v39;
	[tilespmem:s8], [sflag:$0x1] =	stream.linear.gather @!p1 [hbm4b:s7+s9], $0xD90, $0x38;
	[tilespmem:$0xAE80] =	vst v63  }
0x24a: {  	v17 =	vsel vm4, $0x0, v17;
	v20 =	vsel vm5, $0x0, v20;
	v22 =	vadd.f32 v22, v35;
	_ =	swait.ge [sflag:s3], $0xD90  }
0x24b: {  	v21 =	vmul.f32 v40, v6;
	v8 =	vadd.f32 v8, v27;
	v11 =	vmul.f32 v16, v11;
	[sflag:s3] =	ssyncset.done $0x0  }
0x24c: {  	v3 =	vadd.f32 v20, v3;
	v7 =	vmul.f32 v22, v7;
	v22 =	vmul.f32 v41, v10;
	[sflag:s3] =	ssyncadd.s32 $0xFFFFF270  }
0x24d: {  	v21 =	vadd.f32 v21, v34;
	v8 =	vmul.f32 v8, v20;
	v11 =	vadd.f32 v11, v29;
	_ =	swait.ge [sflag:s3], $0xD90  }
0x24e: {  	v24 =	vmul.f32 v33, v4;
	v7 =	vadd.f32 v7, v32;
	v22 =	vadd.f32 v22, v42;
	[sflag:s3] =	ssyncset.done $0x0  }
0x24f: {  	v6 =	vmul.f32 v21, v6;
	v5 =	vadd.f32 v8, v5;
	v8 =	vmul.f32 v11, v17;
	[sflag:s3] =	ssyncadd.s32 $0xFFFFF270  }
0x250: {  	v3 =	vadd.f32 v17, v3;
	v10 =	vmul.f32 v22, v10;
	v11 =	vadd.f32 v24, v43;
	_ =	swait.ge [sflag:s3], $0xD90  }
0x251: {  	v6 =	vadd.f32 v6, v19;
	v7 =	vmul.f32 v7, v15;
	v5 =	vadd.f32 v8, v5;
	[sflag:s3] =	ssyncset.done $0x0  }
0x252: {  	s16 =	simm.s32 $0x3830;
	v16 =	vmul.f32 v31, v2;
	v8 =	vadd.f32 v10, v30;
	v4 =	vmul.f32 v11, v4;
	[sflag:s3] =	ssyncadd.s32 $0xFFFFF270  }
0x253: {  	v6 =	vmul.f32 v6, v14;
	v11 =	vadd.f32 v15, v3;
	v5 =	vadd.f32 v7, v5;
	v3 =	vld [tilespmem:s16+$0x30]  }
0x254: {  	s8 =	simm.s32 $0x2A30;
	v10 =	vadd.f32 v16, v44;
	v7 =	vsel vm2, $0x0, v13;
	v13 =	vadd.f32 v4, v23;
	v4 =	vld [tilespmem:s16+$0x0]  }
0x255: {  	v21 =	vld [tilespmem:s8+$0x30];
	v5 =	vadd.f32 v6, v5;
	v6 =	vmul.f32 v8, v7  }
0x256: {  	v12 =	vsel vm1, $0x0, v12;
	v10 =	vmul.f32 v10, v2;
	v11 =	vadd.f32 v14, v11;
	v8 =	vld [tilespmem:s16+$0xFFFFFFE0]  }
0x257: {  	v2 =	vld [tilespmem:s16+$0x20];
	v13 =	vmul.f32 v13, v12;
	v6 =	vadd.f32 v6, v5  }
0x258: {  	v10 =	vadd.f32 v10, v18;
	v7 =	vadd.f32 v7, v11;
	v5 =	vld [tilespmem:s16+$0xFFFFFFF0]  }
0x259: {  	v17 =	vsel vm0, $0x0, v9;
	v15 =	vld [tilespmem:s8+$0x20];
	v16 =	vadd.f32 $-1.500000060e-01, v4;
	v9 =	vadd.f32 v13, v6  }
0x25a: {  	s7 =	simm.s32 $0x4630;
	v10 =	vmul.f32 v10, v17;
	v6 =	vld [tilespmem:s16+$0xFFFFFFD0];
	v13 =	vadd.f32 v12, v7;
	v12 =	vadd.f32 $-1.500000060e-01, v3  }
0x25b: {  	v11 =	vld [tilespmem:s7+$0x20];
	vm0 =	vgt.f32 v21, $5.000000000e-01;
	v19 =	vadd.f32 $-1.500000060e-01, v8;
	v16 =	vmax.f32 v16, $-8.000000000e+00  }
0x25c: {  	v21 =	vld [tilespmem:s8+$0xFFFFFFD0];
	v10 =	vadd.f32 v10, v9;
	v9 =	vadd.f32 $-1.500000060e-01, v2;
	v20 =	vmax.f32 v12, $-8.000000000e+00  }
0x25d: {  	v7 =	vld [tilespmem:s7+$0x30];
	v16 =	vmin.f32 v16, $8.000000000e+00;
	v14 =	vadd.f32 $-1.500000060e-01, v5;
	v19 =	vmax.f32 v19, $-8.000000000e+00  }
0x25e: {  	v12 =	vld [tilespmem:s7+$0x10];
	v20 =	vmin.f32 v20, $8.000000000e+00;
	v26 =	vadd.f32 $8.000000000e+00, v16;
	v9 =	vmax.f32 v9, $-8.000000000e+00  }
0x25f: {  	v16 =	vld [tilespmem:s7+$0xFFFFFFF0];
	v19 =	vmin.f32 v19, $8.000000000e+00;
	v20 =	vadd.f32 $8.000000000e+00, v20;
	v18 =	vadd.f32 $-1.500000060e-01, v6  }
0x260: {  	v14 =	vmax.f32 v14, $-8.000000000e+00;
	v23 =	vmin.f32 v9, $8.000000000e+00;
	v9 =	vld [tilespmem:s16+$0x10];
	v28 =	vadd.f32 $8.000000000e+00, v19  }
0x261: {  	v19 =	vld [tilespmem:s7+$0xFFFFFFE0];
	v24 =	vmin.f32 v14, $8.000000000e+00;
	v23 =	vadd.f32 $8.000000000e+00, v23;
	v22 =	vmax.f32 v18, $-8.000000000e+00  }
0x262: {  	v14 =	vld [tilespmem:s7+$0x0];
	v30 =	vmul.f32 $1.600000000e+01, v20;
	v24 =	vadd.f32 $8.000000000e+00, v24;
	v25 =	vmin.f32 v22, $8.000000000e+00  }
0x263: {  	v20 =	vmul.f32 $1.600000000e+01, v26;
	v26 =	vld [tilespmem:s8+$0xFFFFFFE0];
	v29 =	vmul.f32 $1.600000000e+01, v28;
	v25 =	vadd.f32 $8.000000000e+00, v25  }
0x264: {  	v13 =	vadd.f32 v17, v13;
	v18 =	vld [tilespmem:s8+$0x10];
	v31 =	vmul.f32 $1.600000000e+01, v23;
	v63 =	vmul.f32 $1.600000000e+01, v24  }
0x265: {  	v22 =	vld [tilespmem:s8+$0x0];
	v17 =	vadd.f32 $-1.500000060e-01, v9;
	v27 =	vmul.f32 $1.600000000e+01, v25;
	v25 =	vtrunc.f32 v30  }
0x266: {  	v23 =	vld [tilespmem:s8+$0xFFFFFFF0];
	v28 =	vtrunc.f32 v63;
	v25 =	vcvt.f32.s32 v25  }
0x267: {  	s10 =	simm.s32 $0x38A0;
	s9 =	simm.s32 $0x0;
	v24 =	vld [tilespmem:s7+$0xFFFFFFD0];
	v31 =	vtrunc.f32 v31;
	v28 =	vcvt.f32.s32 v28;
	v30 =	vmax.f32 v17, $-8.000000000e+00  }
.LBB2_25:
0x268: {  	v17 =	vld [tilespmem:s10+$0x30];
	v32 =	vtrunc.f32 v20;
	v31 =	vcvt.f32.s32 v31;
	v25 =	vshll.u32 v25, $0x4  }
0x269: {  	v20 =	vld [tilespmem:s10+$0x20];
	v33 =	vshll.u32 v28, $0x4;
	v32 =	vcvt.f32.s32 v32;
	v25 =	vor.u32 v1, v25  }
0x26a: {  	v27 =	vtrunc.f32 v27;
	v28 =	vld [tilespmem:s10+$0x0];
	v33 =	vor.u32 v1, v33;
	v31 =	vshll.u32 v31, $0x4  }
0x26b: {  	v35 =	vcvt.f32.s32 v27;
	v34 =	vld [tilespmem:s10+$0xFFFFFFF0];
	v32 =	vshll.u32 v32, $0x4;
	v31 =	vor.u32 v1, v31  }
0x26c: {  	v29 =	vtrunc.f32 v29;
	v30 =	vmin.f32 v30, $8.000000000e+00;
	v27 =	vld [tilespmem:s10+$0xFFFFFFE0];
	v32 =	vor.u32 v1, v32  }
0x26d: {  	v29 =	vcvt.f32.s32 v29;
	v30 =	vadd.f32 $8.000000000e+00, v30;
	v35 =	vshll.u32 v35, $0x4;
	v36 =	vld [tilespmem:s10+$0xFFFFFFD0]  }
0x26e: {  	vm1 =	vgt.f32 v18, $5.000000000e-01;
	vm2 =	vgt.f32 v15, $5.000000000e-01;
	v35 =	vor.u32 v1, v35;
	v15 =	vld.idx.msk [tilespmem:v25+s0+$0x0], $0xffff  }
0x26f: {  	vm3 =	vgt.f32 v22, $5.000000000e-01;
	v18 =	vshll.u32 v29, $0x4;
	v22 =	vmul.f32 $1.600000000e+01, v30;
	v29 =	vld.idx.msk [tilespmem:v33+s30+$0x0], $0xffff  }
0x270: {  	vm5 =	vgt.f32 v23, $5.000000000e-01;
	vm4 =	vgt.f32 v26, $5.000000000e-01;
	v18 =	vor.u32 v1, v18;
	v23 =	vld.idx.msk [tilespmem:v31+s0+$0x0], $0xffff  }
0x271: {  	v37 =	vadd.f32 $-1.500000060e-01, v17;
	v22 =	vtrunc.f32 v22;
	v30 =	vadd.f32 $-1.500000060e-01, v20;
	v38 =	vld.idx.msk [tilespmem:v32+s31+$0x0], $0xffff  }
0x272: {  	v22 =	vcvt.f32.s32 v22;
	v40 =	vadd.f32 $-1.500000060e-01, v28;
	v39 =	vadd.f32 $-1.500000060e-01, v34;
	v41 =	vld.idx.msk [tilespmem:v33+s31+$0x0], $0xffff  }
0x273: {  	vm6 =	vgt.f32 v21, $5.000000000e-01;
	v43 =	vadd.f32 $-1.500000060e-01, v27;
	v42 =	vadd.f32 $-1.500000060e-01, v36;
	v44 =	vld.idx.msk [tilespmem:v35+s0+$0x0], $0xffff  }
0x274: {  	v26 =	vsel vm2, $0x0, v11;
	v21 =	vsel vm0, $0x0, v7;
	v22 =	vshll.u32 v22, $0x4;
	v45 =	vld.idx.msk [tilespmem:v35+s31+$0x0], $0xffff  }
0x275: {  	v14 =	vsel vm3, $0x0, v14;
	v46 =	vsel vm1, $0x0, v12;
	v11 =	vor.u32 v1, v22;
	v7 =	vld.idx.msk [tilespmem:v18+s0+$0x0], $0xffff  }
0x276: {  	v16 =	vsel vm5, $0x0, v16;
	v19 =	vsel vm4, $0x0, v19;
	v12 =	vsel vm6, $0x0, v24;
	v22 =	vld.idx.msk [tilespmem:v33+s0+$0x0], $0xffff  }
0x277: {  	v30 =	vmax.f32 v30, $-8.000000000e+00;
	v24 =	vmax.f32 v40, $-8.000000000e+00;
	v33 =	vmax.f32 v37, $-8.000000000e+00;
	v37 =	vld.idx.msk [tilespmem:v18+s31+$0x0], $0xffff  }
0x278: {  	v39 =	vmax.f32 v39, $-8.000000000e+00;
	v40 =	vmax.f32 v42, $-8.000000000e+00;
	v42 =	vmax.f32 v43, $-8.000000000e+00;
	v43 =	vld.idx.msk [tilespmem:v32+s0+$0x0], $0xffff  }
0x279: {  	v30 =	vmin.f32 v30, $8.000000000e+00;
	v33 =	vmin.f32 v33, $8.000000000e+00;
	v44 =	vmul.f32 v44, v6;
	v35 =	vld.idx.msk [tilespmem:v35+s30+$0x0], $0xffff  }
0x27a: {  	v24 =	vmin.f32 v24, $8.000000000e+00;
	v39 =	vmin.f32 v39, $8.000000000e+00;
	v42 =	vmin.f32 v42, $8.000000000e+00;
	v47 =	vld.idx.msk [tilespmem:v11+s0+$0x0], $0xffff  }
0x27b: {  	v40 =	vmin.f32 v40, $8.000000000e+00;
	v44 =	vadd.f32 v44, v45;
	v7 =	vmul.f32 v7, v8;
	v18 =	vld.idx.msk [tilespmem:v18+s30+$0x0], $0xffff  }
0x27c: {  	v30 =	vadd.f32 $8.000000000e+00, v30;
	v33 =	vadd.f32 $8.000000000e+00, v33;
	v22 =	vmul.f32 v22, v5;
	v45 =	vld.idx.msk [tilespmem:v11+s31+$0x0], $0xffff  }
0x27d: {  	v24 =	vadd.f32 $8.000000000e+00, v24;
	v44 =	vmul.f32 v44, v6;
	v7 =	vadd.f32 v7, v37;
	v6 =	vmovc v36;
	v32 =	vld.idx.msk [tilespmem:v32+s30+$0x0], $0xffff  }
0x27e: {  	v36 =	vadd.f32 $8.000000000e+00, v39;
	v22 =	vadd.f32 v22, v41;
	v37 =	vmul.f32 v43, v4;
	v39 =	vld.idx.msk [tilespmem:v31+s31+$0x0], $0xffff  }
0x27f: {  	v43 =	vmul.f32 v15, v3;
	v35 =	vadd.f32 v44, v35;
	v8 =	vmul.f32 v7, v8;
	v41 =	vld.idx.msk [tilespmem:v11+s30+$0x0], $0xffff  }
0x280: {  	s7 =	sadd.s32 $0x70, s7;
	v11 =	vmul.f32 v22, v5;
	v15 =	vadd.f32 v37, v38;
	v22 =	vmul.f32 v47, v9;
	v37 =	vld.idx.msk [tilespmem:v25+s31+$0x0], $0xffff  }
0x281: {  	v5 =	vmovc v34;
	v35 =	vmul.f32 v35, v12;
	v8 =	vadd.f32 v8, v18;
	v18 =	vmul.f32 v23, v2;
	v7 =	vld [tilespmem:s7+$0x30]  }
0x282: {  	s8 =	sadd.s32 $0x70, s8;
	v23 =	vadd.f32 v11, v29;
	v11 =	vmul.f32 v15, v4;
	v15 =	vadd.f32 v22, v45;
	v22 =	vld.idx.msk [tilespmem:v31+s30+$0x0], $0xffff  }
0x283: {  	v12 =	vadd.f32 v12, v13;
	v4 =	vmovc v28;
	v10 =	vadd.f32 v35, v10;
	v29 =	vmul.f32 v8, v19;
	v31 =	vld [tilespmem:s8+$0x30]  }
0x284: {  	v13 =	vadd.f32 v11, v32;
	v9 =	vmul.f32 v15, v9;
	v18 =	vadd.f32 v18, v39;
	v25 =	vld.idx.msk [tilespmem:v25+s30+$0x0], $0xffff  }
0x285: {  	v19 =	vadd.f32 v19, v12;
	v23 =	vmul.f32 v23, v16;
	v10 =	vadd.f32 v29, v10;
	v8 =	vmovc v27;
	v11 =	vld [tilespmem:s7+$0x20]  }
0x286: {  	v27 =	vadd.f32 v9, v41;
	v9 =	vmul.f32 v18, v2;
	v28 =	vadd.f32 v43, v37;
	v2 =	vmovc v20;
	v15 =	vld [tilespmem:s8+$0x20]  }
0x287: {  	s9 =	sadd.s32 $0x70, s9;
	v16 =	vadd.f32 v16, v19;
	v13 =	vmul.f32 v13, v14;
	v10 =	vadd.f32 v23, v10;
	v12 =	vld [tilespmem:s7+$0x10]  }
0x288: {  	p2 =	slt.u32 s9, $0xD20;
	v29 =	vadd.f32 $8.000000000e+00, v42;
	v19 =	vadd.f32 v9, v22;
	v20 =	vmul.f32 v28, v3;
	v3 =	vmovc v17;
	v18 =	vld [tilespmem:s8+$0x10]  }
0x289: {  	v10 =	vadd.f32 v13, v10;
	v13 =	vadd.f32 v14, v16;
	v16 =	vmul.f32 v27, v46;
	v9 =	vld [tilespmem:s10+$0x10]  }
0x28a: {  	v17 =	vmul.f32 $1.600000000e+01, v30;
	v28 =	vmul.f32 $1.600000000e+01, v33;
	v25 =	vadd.f32 v20, v25;
	v14 =	vld [tilespmem:s7+$0x0]  }
0x28b: {  	v19 =	vmul.f32 v19, v26;
	v10 =	vadd.f32 v16, v10;
	v13 =	vadd.f32 v46, v13;
	v22 =	vld [tilespmem:s8+$0x0]  }
0x28c: {  	v30 =	vmul.f32 $1.600000000e+01, v36;
	v27 =	vadd.f32 $8.000000000e+00, v40;
	v20 =	vmul.f32 $1.600000000e+01, v24;
	v16 =	vld [tilespmem:s7+$0xFFFFFFF0]  }
.Ltmp13:
0x28d: {  	v24 =	vmul.f32 v25, v21;
	v10 =	vadd.f32 v19, v10;
	v13 =	vadd.f32 v26, v13;
	v23 =	vld [tilespmem:s8+$0xFFFFFFF0];
	(pc) =	sbr.rel @p2 .LBB2_25-.Ltmp13, $4  }
0x28e: {  	v29 =	vmul.f32 $1.600000000e+01, v29;
	v27 =	vmul.f32 $1.600000000e+01, v27;
	v19 =	vld [tilespmem:s7+$0xFFFFFFE0];
	v32 =	vadd.f32 $-1.500000060e-01, v9  }
0x28f: {  	v25 =	vtrunc.f32 v28;
	v10 =	vadd.f32 v24, v10;
	v13 =	vadd.f32 v21, v13;
	v26 =	vld [tilespmem:s8+$0xFFFFFFE0]  }
0x290: {  	vm0 =	vgt.f32 v31, $5.000000000e-01;
	v28 =	vtrunc.f32 v30;
	v25 =	vcvt.f32.s32 v25;
	v24 =	vld [tilespmem:s7+$0xFFFFFFD0]  }
0x291: {  	v31 =	vtrunc.f32 v17;
	s10 =	sadd.s32 $0x70, s10;
	v28 =	vcvt.f32.s32 v28;
	v30 =	vmax.f32 v32, $-8.000000000e+00;
	v21 =	vld [tilespmem:s8+$0xFFFFFFD0]  }
0x292: {  	v25 =	vshll.u32 v25, $0x4  }
0x293: {  	v17 =	vtrunc.f32 v20;
	v28 =	vshll.u32 v28, $0x4;
	v25 =	vor.u32 v1, v25  }
0x294: {  	v61 =	vcvt.f32.s32 v31;
	v27 =	vtrunc.f32 v27;
	v28 =	vor.u32 v1, v28  }
0x295: {  	v29 =	vtrunc.f32 v29;
	v27 =	vcvt.f32.s32 v27  }
0x296: {  	v30 =	vmin.f32 v30, $8.000000000e+00;
	v29 =	vcvt.f32.s32 v29;
	v20 =	vshll.u32 v61, $0x4  }
0x297: {  	v30 =	vadd.f32 $8.000000000e+00, v30;
	v20 =	vor.u32 v1, v20;
	v27 =	vshll.u32 v27, $0x4  }
0x298: {  	v17 =	vcvt.f32.s32 v17;
	v27 =	vor.u32 v1, v27;
	v62 =	vld.idx.msk [tilespmem:v25+s0+$0x0], $0xffff  }
0x299: {  	v29 =	vshll.u32 v29, $0x4;
	v30 =	vmul.f32 $1.600000000e+01, v30;
	v32 =	vld.idx.msk [tilespmem:v28+s30+$0x0], $0xffff  }
0x29a: {  	v17 =	vshll.u32 v17, $0x4;
	v29 =	vor.u32 v1, v29;
	v35 =	vld.idx.msk [tilespmem:v28+s31+$0x0], $0xffff  }
0x29b: {  	v17 =	vor.u32 v1, v17;
	v30 =	vtrunc.f32 v30;
	v28 =	vld.idx.msk [tilespmem:v28+s0+$0x0], $0xffff  }
0x29c: {  	v30 =	vcvt.f32.s32 v30;
	v33 =	vld.idx.msk [tilespmem:v20+s0+$0x0], $0xffff  }
0x29d: {  	v36 =	vld.idx.msk [tilespmem:v27+s0+$0x0], $0xffff  }
0x29e: {  	v30 =	vshll.u32 v30, $0x4;
	v37 =	vld.idx.msk [tilespmem:v27+s31+$0x0], $0xffff  }
0x29f: {  	v38 =	vld.idx.msk [tilespmem:v29+s0+$0x0], $0xffff;
	v30 =	vor.u32 v1, v30  }
0x2a0: {  	v34 =	vld.idx.msk [tilespmem:v17+s31+$0x0], $0xffff  }
0x2a1: {  	v39 =	vld.idx.msk [tilespmem:v29+s31+$0x0], $0xffff  }
0x2a2: {  	vm2 =	vgt.f32 v18, $5.000000000e-01;
	vm3 =	vgt.f32 v22, $5.000000000e-01;
	v63 =	vld.idx.msk [tilespmem:v17+s0+$0x0], $0xffff;
	v40 =	vmul.f32 v36, v6  }
0x2a3: {  	vm1 =	vgt.f32 v15, $5.000000000e-01;
	vm15 =	vgt.f32 v23, $5.000000000e-01;
	v14 =	vsel vm3, $0x0, v14;
	v41 =	vld.idx.msk [tilespmem:v27+s30+$0x0], $0xffff  }
0x2a4: {  	v16 =	vsel vm15, $0x0, v16;
	v42 =	vld.idx.msk [tilespmem:v30+s0+$0x0], $0xffff;
	v43 =	vmul.f32 v38, v8;
	v18 =	vadd.f32 v40, v37  }
0x2a5: {  	vm4 =	vgt.f32 v26, $5.000000000e-01;
	vm5 =	vgt.f32 v21, $5.000000000e-01;
	v44 =	vld.idx.msk [tilespmem:v29+s30+$0x0], $0xffff;
	v28 =	vmul.f32 v28, v5  }
0x2a6: {  	v24 =	vsel vm5, $0x0, v24;
	v45 =	vld.idx.msk [tilespmem:v30+s31+$0x0], $0xffff;
	v46 =	vadd.f32 v43, v39;
	v6 =	vmul.f32 v18, v6  }
0x2a7: {  	v19 =	vsel vm4, $0x0, v19;
	v52 =	vld.idx.msk [tilespmem:v25+s31+$0x0], $0xffff;
	v56 =	vadd.f32 v24, v13;
	v47 =	vadd.f32 v28, v35  }
0x2a8: {  	v48 =	vld.idx.msk [tilespmem:v20+s31+$0x0], $0xffff;
	v15 =	vmul.f32 v63, v4;
	v49 =	vmul.f32 v46, v8;
	v6 =	vadd.f32 v6, v41  }
0x2a9: {  	v60 =	vadd.f32 v19, v56;
	v17 =	vld.idx.msk [tilespmem:v17+s30+$0x0], $0xffff;
	v5 =	vmul.f32 v47, v5;
	v22 =	vmul.f32 v42, v9  }
0x2aa: {  	v51 =	vld.idx.msk [tilespmem:v30+s30+$0x0], $0xffff;
	v15 =	vadd.f32 v15, v34;
	v8 =	vadd.f32 v49, v44;
	v6 =	vmul.f32 v6, v24  }
0x2ab: {  	v53 =	vmul.f32 v33, v2;
	v5 =	vadd.f32 v5, v32;
	v54 =	vadd.f32 v22, v45  }
0x2ac: {  	v55 =	vld.idx.msk [tilespmem:v20+s30+$0x0], $0xffff;
	v4 =	vmul.f32 v15, v4;
	v8 =	vmul.f32 v8, v19;
	v6 =	vadd.f32 v6, v10  }
0x2ad: {  	v50 =	vmul.f32 v62, v3;
	v58 =	vadd.f32 v53, v48;
	v57 =	vmul.f32 v54, v9  }
0x2ae: {  	v59 =	vld.idx.msk [tilespmem:v25+s30+$0x0], $0xffff;
	v4 =	vadd.f32 v4, v17;
	v5 =	vmul.f32 v5, v16;
	v6 =	vadd.f32 v8, v6  }
0x2af: {  	v61 =	vadd.f32 v50, v52;
	v2 =	vmul.f32 v58, v2;
	v9 =	vadd.f32 v57, v51  }
0x2b0: {  	v4 =	vmul.f32 v4, v14;
	v5 =	vadd.f32 v5, v6;
	v6 =	vadd.f32 v16, v60  }
0x2b1: {  	v62 =	vsel vm2, $0x0, v12;
	v3 =	vmul.f32 v61, v3;
	v2 =	vadd.f32 v2, v55  }
0x2b2: {  	v4 =	vadd.f32 v4, v5;
	v5 =	vadd.f32 v14, v6;
	v6 =	vmul.f32 v9, v62  }
0x2b3: {  	v63 =	vsel vm1, $0x0, v11;
	v3 =	vadd.f32 v3, v59  }
.Ltmp14:
0x2b4: {  	v2 =	vmul.f32 v2, v63;
	v4 =	vadd.f32 v6, v4;
	v5 =	vadd.f32 v62, v5;
	(pc) =	sbr.rel @p1 .LBB2_28-.Ltmp14, $3  }
0x2b5: {  	v6 =	vsel vm0, $0x0, v7  }
0x2b6: {  	v3 =	vmul.f32 v3, v6;
	v2 =	vadd.f32 v2, v4;
	v4 =	vadd.f32 v63, v5;
	_ =	sdelay $0x1  }
0x2b7: {  	v5 =	vadd.f32 v3, v2;
	v3 =	vadd.f32 v6, v4  }
0x2b8: {  	s7 =	smul.u32 $0x1B20, s22;
	_ =	sdelay $0x1  }
0x2b9: {  	s7 =	sadd.s32 s7, s14  }
0x2ba: {  	s7 =	sshrl.u32 s7, $0x3  }
0x2bb: {  	s8 =	sadd.s32 s1, s7  }
0x2bc: {  	[tilespmem:s23], [sflag:$0x2] =	stream.linear.gather [hbm4b:s8+s5], $0xD90, $0x38;
	[tilespmem:$0xAE80] =	vst v63  }
.Ltmp15:
0x2bd: {  	_ = 	snop;
	(pc) =	sbr.rel .LBB2_22-.Ltmp15, $4  }
0x2be: {  	s16 =	sadd.s32 s2, s7  }
0x2bf: {  	[tilespmem:s24], [sflag:$0x2] =	stream.linear.gather [hbm4b:s16+s5], $0xD90, $0x38;
	[tilespmem:$0xAE80] =	vst v63  }
0x2c0: {  	s22 =	sadd.s32 $0x1, s22;
	s7 =	sadd.s32 s4, s7  }
0x2c1: {  	[tilespmem:s25], [sflag:$0x2] =	stream.linear.gather [hbm4b:s7+s5], $0xD90, $0x38;
	[tilespmem:$0xAE80] =	vst v63  }
.LBB2_29:
0x2c2: {  	_ =	sfence.sel $0x180000  }
0x2c3: {  	[bflag:$0x0] =	sbarrier.arrive $0xFFFF  }
0x2c4: {  	_ =	strace $0x9000004A  }
0x2c5: {  	s0 =	stileid.u32;
	[bflag:$0x2] =	sbarrier.arrive $0xFFFF  }
0x2c6: {  	p0 =	sne.s32 s0, $0x0;
	s0 =	rddreg [dreg:$0x4]  }
0x2c7: {  	s0 =	sadd.s32 @!p0 $0x100000, s0  }
0x2c8: {  	[sflag:s0] =	ssyncadd.tile.s32 @!p0 $0x1;
	_ =	shalt  }
.Lfunc_end2:
_tile_overlayer_lowered:
.L_overlay_start_2:
0x2c9: {  	(tag) =	ssettag $0x2  }
0x2ca: {  	s0 =	rddreg [dreg:$0x0];
	s2 =	stileid.u32  }
0x2cb: {  	s1 =	rddreg [dreg:$0x1];
	p0 =	sne.s32 s2, $0x0  }
0x2cc: {  	s3 =	rddreg [dreg:$0x2];
	[bflag:$0x3] =	sbarrier.arrive $0xFFFF;
	s2 =	simm.s32 @!p0 $0x1C03  }
0x2cd: {  	[timem:s3], [sflag:s2] =	dma.local @!p0 [hbm:s0], s1  }
0x2ce: {  	s0 =	simm.s32 @!p0 $0x3  }
0x2cf: {  	_ =	swait.ge @!p0 [sflag:s0], s1  }
0x2d0: {  	s1 =	ssub.s32 @!p0 $0x0, s1;
	[sflag:s0] =	ssyncset.done @!p0 $0x0  }
0x2d1: {  	[sflag:s0] =	ssyncadd.s32 @!p0 s1  }
0x2d2: {  	[bflag:$0x3] =	sbarrier.arrive $0xFFFF  }
0x2d3: {  	_ =	shalt  }

</sc_bundles>
